<compile_context>
chip_gen: v7x
topology: tpu7x:2x2x1
jax: 0.10.2.dev20260603
libtpu: 0.0.44.dev20260713+nightly
codegen_flags: <defaults>
</compile_context>

<pallas_src>
import jax
import jax.numpy as jnp
from jax import lax
from jax.experimental import pallas as pl
from jax.experimental.pallas import tpu as pltpu
from jax.experimental.pallas import tpu_sc as plsc

N = 10000
D = 128
H = 128
E = 320000
NC = 2
NS = 16
NW = NC * NS
CH = 128
NCHUNK = 80
HC = 40
CW = 16
EP = NW * NCHUNK * CH
N2 = 10240
RPT = N2 // NS
ZR = 32

_MESH = plsc.VectorSubcoreMesh(core_axis_name="c", subcore_axis_name="s")


def _sc_sum_body(x_hbm, src_hbm, dst_hbm, sums_out, src_idx, dst_idx,
                 rows0, rows1, sums_sp, sem0, sem1):
    c = lax.axis_index("c")
    s = lax.axis_index("s")
    wid = c * NS + s
    base = s * RPT

    zeros16 = jnp.zeros((16,), jnp.float32)

    def zrow_body(i, _):
        rows0[i // (D // 16), pl.ds((i % (D // 16)) * 16, 16)] = zeros16
        return 0
    lax.fori_loop(0, ZR * (D // 16), zrow_body, 0)

    def init_body(j, _):
        pltpu.sync_copy(rows0.at[pl.ds(0, ZR)],
                        sums_sp.at[pl.ds(base + j * ZR, ZR)])
        return 0
    lax.fori_loop(0, RPT // ZR, init_body, 0)
    plsc.subcore_barrier()

    def gather(t, rows, sem):
        return pltpu.make_async_copy(x_hbm.at[src_idx.at[t]], rows, sem)

    for h in range(NCHUNK // HC):
        pltpu.sync_copy(src_hbm.at[wid, pl.ds(h * HC, HC)], src_idx)
        pltpu.sync_copy(dst_hbm.at[wid, pl.ds(h * HC, HC)], dst_idx)
        gather(0, rows0, sem0).start()

        def chunk_body(u, _):
            t0 = 2 * u
            gather(t0 + 1, rows1, sem1).start()
            gather(t0, rows0, sem0).wait()
            pltpu.sync_copy(rows0, sums_sp.at[dst_idx.at[t0]], add=True)

            @pl.when(t0 + 2 < HC)
            def _():
                gather(t0 + 2, rows0, sem0).start()
            gather(t0 + 1, rows1, sem1).wait()
            pltpu.sync_copy(rows1, sums_sp.at[dst_idx.at[t0 + 1]], add=True)
            return 0
        lax.fori_loop(0, HC // 2, chunk_body, 0)
    plsc.subcore_barrier()

    pltpu.sync_copy(sums_sp.at[pl.ds(base, RPT)],
                    sums_out.at[c, pl.ds(base, RPT)])


_sc_sum = pl.kernel(
    _sc_sum_body,
    out_type=jax.ShapeDtypeStruct((NC, N2, D), jnp.float32),
    mesh=_MESH,
    compiler_params=pltpu.CompilerParams(use_tc_tiling_on_sc=False),
    scratch_types=[
        pltpu.VMEM((HC, CH), jnp.int32),
        pltpu.VMEM((HC, CH), jnp.int32),
        pltpu.VMEM((CH, D), jnp.float32),
        pltpu.VMEM((CH, D), jnp.float32),
        pltpu.VMEM_SHARED((N2, D), jnp.float32),
        pltpu.SemaphoreType.DMA,
        pltpu.SemaphoreType.DMA,
    ],
)


def _sc_cnt_body(dst_hbm, zc_hbm, on_hbm, cnts_out, dst_idx, ones, zrow,
                 cnts_sp, cs0, cs1, cs2, cs3):
    c = lax.axis_index("c")
    s = lax.axis_index("s")
    wid = c * NS + s
    base = s * RPT
    csem = [cs0, cs1, cs2, cs3]

    pltpu.sync_copy(zc_hbm, zrow)
    pltpu.sync_copy(on_hbm, ones)

    def init_body(j, _):
        pltpu.sync_copy(zrow, cnts_sp.at[pl.ds(base + j * ZR, ZR)])
        return 0
    lax.fori_loop(0, RPT // ZR, init_body, 0)
    plsc.subcore_barrier()

    pltpu.sync_copy(dst_hbm.at[wid], dst_idx)

    def cnt_wait(t, j):
        pltpu.make_async_copy(ones, cnts_sp.at[dst_idx.at[t]],
                              csem[j]).wait()

    def quad_body(u, _):
        T = 4 * u
        for j in range(4):
            t = T + j

            @pl.when(t >= 4)
            def _():
                cnt_wait(t - 4, j)
            pltpu.async_copy(ones, cnts_sp.at[dst_idx.at[t]], csem[j],
                             add=True)
        return 0
    lax.fori_loop(0, NCHUNK // 4, quad_body, 0)
    for k in range(4):
        cnt_wait(NCHUNK - 4 + k, k)
    plsc.subcore_barrier()

    pltpu.sync_copy(cnts_sp.at[pl.ds(base, RPT)],
                    cnts_out.at[c, pl.ds(base, RPT)])


_sc_cnt = pl.kernel(
    _sc_cnt_body,
    out_type=jax.ShapeDtypeStruct((NC, N2, CW), jnp.float32),
    mesh=_MESH,
    compiler_params=pltpu.CompilerParams(use_tc_tiling_on_sc=False),
    scratch_types=[
        pltpu.VMEM((NCHUNK, CH), jnp.int32),
        pltpu.VMEM((CH, CW), jnp.float32),
        pltpu.VMEM((ZR, CW), jnp.float32),
        pltpu.VMEM_SHARED((N2, CW), jnp.float32),
        pltpu.SemaphoreType.DMA,
        pltpu.SemaphoreType.DMA,
        pltpu.SemaphoreType.DMA,
        pltpu.SemaphoreType.DMA,
    ],
)

_BM = 1000


def _tc_layer(ps, cnts, x, Wl, bl, Wr, relu):
    def body(ps_ref, cnt_ref, x_ref, wl_ref, bl_ref, wr_ref, o_ref):
        ssum = ps_ref[0] + ps_ref[1]
        cnt = cnt_ref[0, :, 0:1] + cnt_ref[1, :, 0:1]
        agg = ssum / jnp.maximum(cnt, 1.0)
        dn = (((1,), (1,)), ((), ()))
        out = (lax.dot_general(agg, wl_ref[...], dn,
                               preferred_element_type=jnp.float32)
               + lax.dot_general(x_ref[...], wr_ref[...], dn,
                                 preferred_element_type=jnp.float32)
               + bl_ref[...])
        if relu:
            out = jnp.maximum(out, 0.0)
        o_ref[...] = out

    return pl.pallas_call(
        body,
        grid=(N // _BM,),
        in_specs=[
            pl.BlockSpec((NC, _BM, D), lambda i: (0, i, 0)),
            pl.BlockSpec((NC, _BM, CW), lambda i: (0, i, 0)),
            pl.BlockSpec((_BM, D), lambda i: (i, 0)),
            pl.BlockSpec((H, D), lambda i: (0, 0)),
            pl.BlockSpec((1, H), lambda i: (0, 0)),
            pl.BlockSpec((H, D), lambda i: (0, 0)),
        ],
        out_specs=pl.BlockSpec((_BM, H), lambda i: (i, 0)),
        out_shape=jax.ShapeDtypeStruct((N, H), jnp.float32),
    )(ps, cnts, x, Wl, bl, Wr)


def kernel(features, edge_index, W1l, b1l, W1r, W2l, b2l, W2r):
    pad = EP - E
    src_pad = jnp.arange(pad, dtype=jnp.int32) % N
    dst_pad = N + (jnp.arange(pad, dtype=jnp.int32) % (N2 - N))
    src = jnp.concatenate([edge_index[0], src_pad]).reshape(NW, NCHUNK, CH)
    dst = jnp.concatenate([edge_index[1], dst_pad]).reshape(NW, NCHUNK, CH)
    ps1 = _sc_sum(features, src, dst)
    pc = _sc_cnt(dst, jnp.zeros((ZR, CW), jnp.float32),
                 jnp.ones((CH, CW), jnp.float32))
    out1 = _tc_layer(ps1, pc, features, W1l, b1l.reshape(1, H), W1r, relu=True)
    ps2 = _sc_sum(out1, src, dst)
    out2 = _tc_layer(ps2, pc, out1, W2l, b2l.reshape(1, H), W2r, relu=False)
    return out2

# --- scband reference (transcript-rebuilt; emitter-appended) ---
"""Pipeline reference for scband-encoder-7318624272620 (READ-ONLY COPY).

The authoritative reference and input builder live on the scoring server;
editing this copy changes nothing except your own understanding.
"""

import jax, jax.numpy as jnp
import numpy as np

N_NODES = 10000
N_EDGES = 320000
D = 128
H = 128


def setup_inputs(seed: int = 0) -> dict:
    key = jax.random.key(seed)
    ks = jax.random.split(key, 10)
    features = jax.random.normal(ks[0], (N_NODES, D), dtype=jnp.float32)
    edge_index = jax.random.randint(ks[1], (2, N_EDGES), 0, N_NODES, dtype=jnp.int64 if jax.config.jax_enable_x64 else jnp.int32).astype(jnp.int32)
    # Layer 1: SAGEConv(128 -> 128)
    W1l = jax.random.normal(ks[2], (H, D), dtype=jnp.float32) * 0.05
    b1l = jnp.zeros((H,), dtype=jnp.float32)
    W1r = jax.random.normal(ks[3], (H, D), dtype=jnp.float32) * 0.05
    # Layer 2: SAGEConv(128 -> 128)
    W2l = jax.random.normal(ks[4], (H, H), dtype=jnp.float32) * 0.05
    b2l = jnp.zeros((H,), dtype=jnp.float32)
    W2r = jax.random.normal(ks[5], (H, H), dtype=jnp.float32) * 0.05
    return {"features": features, "edge_index": edge_index, "W1l": W1l, "b1l": b1l, "W1r": W1r, "W2l": W2l, "b2l": b2l, "W2r": W2r}


def _sage_conv(x, edge_index, Wl, bl, Wr):
    # out = lin_l(x); out = mean-aggregate(out_j over incoming edges); out += lin_r(x)
    h = x @ Wl.T + bl
    src = edge_index[0]
    dst = edge_index[1]
    msg = jnp.take(h, src, axis=0)
    summed = jax.ops.segment_sum(msg, dst, num_segments=N_NODES)
    cnt = jax.ops.segment_sum(jnp.ones((msg.shape[0],), dtype=x.dtype), dst, num_segments=N_NODES)
    agg = summed / jnp.clip(cnt, 1.0, None)[:, None]
    return agg + x @ Wr.T


def reference(features, edge_index, W1l, b1l, W1r, W2l, b2l, W2r):
    # Encoder(conv='sage') -> GNN with 2 SAGEConv layers; dropout is identity in eval mode
    out = _sage_conv(features, edge_index, W1l, b1l, W1r)
    out = jax.nn.relu(out)
    out = _sage_conv(out, edge_index, W2l, b2l, W2r)
    return out

if __name__ == "__main__":
    import jax
    _d = setup_inputs()
    print(jax.jit(kernel)(*tuple(_d.values())))

</pallas_src>

<mosaic_0001>
#map = affine_map<(d0, d1) -> (0, 0, 0)>
#map1 = affine_map<(d0, d1) -> (0, 0)>
module attributes {stable_mosaic.version = 14 : i64} {
  func.func @_sc_cnt_body(%arg0: i32, %arg1: i32, %arg2: memref<32x80x128xi32, #tpu.memory_space<hbm>>, %arg3: memref<32x16xf32, #tpu.memory_space<hbm>>, %arg4: memref<128x16xf32, #tpu.memory_space<hbm>>, %arg5: memref<2x10240x16xf32, #tpu.memory_space<hbm>>, %arg6: memref<80x128xi32, #tpu.memory_space<vmem>>, %arg7: memref<128x16xf32, #tpu.memory_space<vmem>>, %arg8: memref<32x16xf32, #tpu.memory_space<vmem>>, %arg9: memref<10240x16xf32, #tpu.memory_space<vmem_shared>>, %arg10: memref<!tpu.dma_semaphore, #tpu.memory_space<semaphore_mem>>, %arg11: memref<!tpu.dma_semaphore, #tpu.memory_space<semaphore_mem>>, %arg12: memref<!tpu.dma_semaphore, #tpu.memory_space<semaphore_mem>>, %arg13: memref<!tpu.dma_semaphore, #tpu.memory_space<semaphore_mem>>) attributes {dimension_semantics = [#tpu.dimension_semantics<core_parallel>, #tpu.dimension_semantics<subcore_parallel>], iteration_bounds = array<i64: 2, 16>, scalar_prefetch = 0 : i64, scratch_operands = 8 : i64, tpu.core_type = #tpu.core_type<sc_vector_subcore>, window_params = [{transform_indices = #map}, {transform_indices = #map1}, {transform_indices = #map1}, {transform_indices = #map}]} {
    %mul3A = arith.constant 16 : i32
    %mul3A_0 = arith.muli %arg0, %mul3A : i32
    %add3A = arith.addi %mul3A_0, %arg1 : i32
    %mul3A_1 = arith.constant 640 : i32
    %mul3A_2 = arith.muli %arg1, %mul3A_1 : i32
    "tpu.region"() ({
      %run_scoped3A = tpu.sem_alloc : memref<!tpu.dma_semaphore, #tpu.memory_space<semaphore_mem>>
      tpu.enqueue_dma source(%arg3 : memref<32x16xf32, #tpu.memory_space<hbm>>) target(%arg8 : memref<32x16xf32, #tpu.memory_space<vmem>>) target_semaphore(%run_scoped3A : memref<!tpu.dma_semaphore, #tpu.memory_space<semaphore_mem>>)
      tpu.wait_dma2 semaphore(%run_scoped3A : memref<!tpu.dma_semaphore, #tpu.memory_space<semaphore_mem>>) src(%arg3 : memref<32x16xf32, #tpu.memory_space<hbm>>) dst(%arg8 : memref<32x16xf32, #tpu.memory_space<vmem>>)
      tpu.yield
    }) : () -> ()
    "tpu.region"() ({
      %run_scoped3A = tpu.sem_alloc : memref<!tpu.dma_semaphore, #tpu.memory_space<semaphore_mem>>
      tpu.enqueue_dma source(%arg4 : memref<128x16xf32, #tpu.memory_space<hbm>>) target(%arg7 : memref<128x16xf32, #tpu.memory_space<vmem>>) target_semaphore(%run_scoped3A : memref<!tpu.dma_semaphore, #tpu.memory_space<semaphore_mem>>)
      tpu.wait_dma2 semaphore(%run_scoped3A : memref<!tpu.dma_semaphore, #tpu.memory_space<semaphore_mem>>) src(%arg4 : memref<128x16xf32, #tpu.memory_space<hbm>>) dst(%arg7 : memref<128x16xf32, #tpu.memory_space<vmem>>)
      tpu.yield
    }) : () -> ()
    %scan3A = arith.constant 0 : i32
    %scan3A_3 = arith.constant 0 : i32
    %scan3A_4 = arith.constant 20 : i32
    %scan3A_5 = arith.addi %scan3A_3, %scan3A_4 : i32
    %scan3A_6 = arith.constant 1 : i32
    %scan3A_7 = scf.for %scan3A_44 = %scan3A_3 to %scan3A_5 step %scan3A_6 iter_args(%scan3A_45 = %scan3A) -> (i32)  : i32 {
      %mul3A_46 = arith.constant 32 : i32
      %mul3A_47 = arith.muli %scan3A_44, %mul3A_46 : i32
      %add3A_48 = arith.addi %mul3A_2, %mul3A_47 : i32
      "tpu.region"() ({
        %run_scoped3A = tpu.sem_alloc : memref<!tpu.dma_semaphore, #tpu.memory_space<semaphore_mem>>
        %dma_start3A = arith.constant 0 : i32
        %dma_start3A_50 = tpu.memref_slice %arg9[%add3A_48, %dma_start3A] : memref<10240x16xf32, #tpu.memory_space<vmem_shared>> -> memref<32x16xf32, #tpu.memory_space<vmem_shared>>
        %dma_start3A_51 = arith.constant 0 : i32
        %dma_start3A_52 = tpu.memref_slice %arg9[%add3A_48, %dma_start3A_51] : memref<10240x16xf32, #tpu.memory_space<vmem_shared>> -> memref<32x16xf32, #tpu.memory_space<vmem_shared>>
        tpu.enqueue_dma source(%arg8 : memref<32x16xf32, #tpu.memory_space<vmem>>) target(%dma_start3A_52 : memref<32x16xf32, #tpu.memory_space<vmem_shared>>) target_semaphore(%run_scoped3A : memref<!tpu.dma_semaphore, #tpu.memory_space<semaphore_mem>>)
        %dma_wait3A_53 = arith.constant 0 : i32
        %dma_wait3A_54 = tpu.memref_slice %arg9[%add3A_48, %dma_wait3A_53] : memref<10240x16xf32, #tpu.memory_space<vmem_shared>> -> memref<32x16xf32, #tpu.memory_space<vmem_shared>>
        %dma_wait3A_55 = arith.constant 0 : i32
        %dma_wait3A_56 = tpu.memref_slice %arg9[%add3A_48, %dma_wait3A_55] : memref<10240x16xf32, #tpu.memory_space<vmem_shared>> -> memref<32x16xf32, #tpu.memory_space<vmem_shared>>
        tpu.wait_dma2 semaphore(%run_scoped3A : memref<!tpu.dma_semaphore, #tpu.memory_space<semaphore_mem>>) src(%arg8 : memref<32x16xf32, #tpu.memory_space<vmem>>) dst(%dma_wait3A_56 : memref<32x16xf32, #tpu.memory_space<vmem_shared>>)
        tpu.yield
      }) : () -> ()
      %scan3A_49 = arith.constant 0 : i32
      scf.yield %scan3A_49 : i32
    }
    %scan3A_8 = arith.constant 20 : i32
    %barrier3A = arith.constant 0 : index
    tpu.barrier barrier_id(%barrier3A)
    "tpu.region"() ({
      %run_scoped3A = tpu.sem_alloc : memref<!tpu.dma_semaphore, #tpu.memory_space<semaphore_mem>>
      %dma_start3A = arith.constant 0 : i32
      %dma_start3A_44 = arith.constant 0 : i32
      %dma_start3A_45 = tpu.memref_slice %arg2[%add3A, %dma_start3A, %dma_start3A_44] : memref<32x80x128xi32, #tpu.memory_space<hbm>> -> memref<1x80x128xi32, #tpu.memory_space<hbm>>
      %dma_start3A_46 = tpu.memref_squeeze %dma_start3A_45 : memref<1x80x128xi32, #tpu.memory_space<hbm>> -> memref<80x128xi32, #tpu.memory_space<hbm>>
      %dma_start3A_47 = arith.constant 0 : i32
      %dma_start3A_48 = arith.constant 0 : i32
      %dma_start3A_49 = tpu.memref_slice %arg2[%add3A, %dma_start3A_47, %dma_start3A_48] : memref<32x80x128xi32, #tpu.memory_space<hbm>> -> memref<1x80x128xi32, #tpu.memory_space<hbm>>
      %dma_start3A_50 = tpu.memref_squeeze %dma_start3A_49 : memref<1x80x128xi32, #tpu.memory_space<hbm>> -> memref<80x128xi32, #tpu.memory_space<hbm>>
      tpu.enqueue_dma source(%dma_start3A_50 : memref<80x128xi32, #tpu.memory_space<hbm>>) target(%arg6 : memref<80x128xi32, #tpu.memory_space<vmem>>) target_semaphore(%run_scoped3A : memref<!tpu.dma_semaphore, #tpu.memory_space<semaphore_mem>>)
      %dma_wait3A_51 = arith.constant 0 : i32
      %dma_wait3A_52 = arith.constant 0 : i32
      %dma_wait3A_53 = tpu.memref_slice %arg2[%add3A, %dma_wait3A_51, %dma_wait3A_52] : memref<32x80x128xi32, #tpu.memory_space<hbm>> -> memref<1x80x128xi32, #tpu.memory_space<hbm>>
      %dma_wait3A_54 = tpu.memref_squeeze %dma_wait3A_53 : memref<1x80x128xi32, #tpu.memory_space<hbm>> -> memref<80x128xi32, #tpu.memory_space<hbm>>
      %dma_wait3A_55 = arith.constant 0 : i32
      %dma_wait3A_56 = arith.constant 0 : i32
      %dma_wait3A_57 = tpu.memref_slice %arg2[%add3A, %dma_wait3A_55, %dma_wait3A_56] : memref<32x80x128xi32, #tpu.memory_space<hbm>> -> memref<1x80x128xi32, #tpu.memory_space<hbm>>
      %dma_wait3A_58 = tpu.memref_squeeze %dma_wait3A_57 : memref<1x80x128xi32, #tpu.memory_space<hbm>> -> memref<80x128xi32, #tpu.memory_space<hbm>>
      tpu.wait_dma2 semaphore(%run_scoped3A : memref<!tpu.dma_semaphore, #tpu.memory_space<semaphore_mem>>) src(%dma_wait3A_58 : memref<80x128xi32, #tpu.memory_space<hbm>>) dst(%arg6 : memref<80x128xi32, #tpu.memory_space<vmem>>)
      tpu.yield
    }) : () -> ()
    %scan3A_9 = arith.constant 0 : i32
    %scan3A_10 = arith.constant 0 : i32
    %scan3A_11 = arith.constant 20 : i32
    %scan3A_12 = arith.addi %scan3A_10, %scan3A_11 : i32
    %scan3A_13 = arith.constant 1 : i32
    %scan3A_14 = scf.for %scan3A_44 = %scan3A_10 to %scan3A_12 step %scan3A_13 iter_args(%scan3A_45 = %scan3A_9) -> (i32)  : i32 {
      %mul3A_46 = arith.constant 4 : i32
      %mul3A_47 = arith.muli %mul3A_46, %scan3A_44 : i32
      %add3A_48 = arith.constant 0 : i32
      %add3A_49 = arith.addi %mul3A_47, %add3A_48 : i32
      %ge3A = arith.constant 4 : i32
      %ge3A_50 = arith.cmpi sge, %add3A_49, %ge3A : i32
      %convert_element_type3A = arith.extui %ge3A_50 : i1 to i32
      %cond3A = arith.constant 0 : i32
      %cond3A_51 = arith.cmpi ne, %convert_element_type3A, %cond3A : i32
      scf.if %cond3A_51 {
        %sub3A = arith.constant 4 : i32
        %sub3A_97 = arith.subi %add3A_49, %sub3A : i32
        %dma_wait3A_98 = arith.constant 0 : i32
        %dma_wait3A_99 = tpu.memref_slice %arg6[%sub3A_97, %dma_wait3A_98] : memref<80x128xi32, #tpu.memory_space<vmem>> -> memref<1x128xi32, #tpu.memory_space<vmem>>
        %dma_wait3A_100 = tpu.memref_squeeze %dma_wait3A_99 : memref<1x128xi32, #tpu.memory_space<vmem>> -> memref<128xi32, #tpu.memory_space<vmem>>
        %dma_wait3A_101 = arith.constant 0 : i32
        %dma_wait3A_102 = arith.constant 0 : i32
        %dma_wait3A_103 = tpu.memref_slice %arg9[%dma_wait3A_101, %dma_wait3A_102] : memref<10240x16xf32, #tpu.memory_space<vmem_shared>> -> memref<10240x16xf32, #tpu.memory_space<vmem_shared>>
        tpu.wait_indirect_dma semaphore(%arg10 : memref<!tpu.dma_semaphore, #tpu.memory_space<semaphore_mem>>) src(%arg7 : memref<128x16xf32, #tpu.memory_space<vmem>>) dst(%dma_wait3A_103 : memref<10240x16xf32, #tpu.memory_space<vmem_shared>>)
      } else {
      }
      %dma_start3A = arith.constant 0 : i32
      %dma_start3A_52 = tpu.memref_slice %arg6[%add3A_49, %dma_start3A] : memref<80x128xi32, #tpu.memory_space<vmem>> -> memref<1x128xi32, #tpu.memory_space<vmem>>
      %dma_start3A_53 = tpu.memref_squeeze %dma_start3A_52 : memref<1x128xi32, #tpu.memory_space<vmem>> -> memref<128xi32, #tpu.memory_space<vmem>>
      %dma_start3A_54 = arith.constant 0 : i32
      %dma_start3A_55 = arith.constant 0 : i32
      %dma_start3A_56 = tpu.memref_slice %arg9[%dma_start3A_54, %dma_start3A_55] : memref<10240x16xf32, #tpu.memory_space<vmem_shared>> -> memref<10240x16xf32, #tpu.memory_space<vmem_shared>>
      tpu.enqueue_indirect_dma source(%arg7 : memref<128x16xf32, #tpu.memory_space<vmem>>) target(%dma_start3A_56 : memref<10240x16xf32, #tpu.memory_space<vmem_shared>>) offsets(%dma_start3A_53 : memref<128xi32, #tpu.memory_space<vmem>>) semaphore(%arg10 : memref<!tpu.dma_semaphore, #tpu.memory_space<semaphore_mem>>) {add = true}
      %add3A_57 = arith.constant 1 : i32
      %add3A_58 = arith.addi %mul3A_47, %add3A_57 : i32
      %ge3A_59 = arith.constant 4 : i32
      %ge3A_60 = arith.cmpi sge, %add3A_58, %ge3A_59 : i32
      %convert_element_type3A_61 = arith.extui %ge3A_60 : i1 to i32
      %cond3A_62 = arith.constant 0 : i32
      %cond3A_63 = arith.cmpi ne, %convert_element_type3A_61, %cond3A_62 : i32
      scf.if %cond3A_63 {
        %sub3A = arith.constant 4 : i32
        %sub3A_97 = arith.subi %add3A_58, %sub3A : i32
        %dma_wait3A_98 = arith.constant 0 : i32
        %dma_wait3A_99 = tpu.memref_slice %arg6[%sub3A_97, %dma_wait3A_98] : memref<80x128xi32, #tpu.memory_space<vmem>> -> memref<1x128xi32, #tpu.memory_space<vmem>>
        %dma_wait3A_100 = tpu.memref_squeeze %dma_wait3A_99 : memref<1x128xi32, #tpu.memory_space<vmem>> -> memref<128xi32, #tpu.memory_space<vmem>>
        %dma_wait3A_101 = arith.constant 0 : i32
        %dma_wait3A_102 = arith.constant 0 : i32
        %dma_wait3A_103 = tpu.memref_slice %arg9[%dma_wait3A_101, %dma_wait3A_102] : memref<10240x16xf32, #tpu.memory_space<vmem_shared>> -> memref<10240x16xf32, #tpu.memory_space<vmem_shared>>
        tpu.wait_indirect_dma semaphore(%arg11 : memref<!tpu.dma_semaphore, #tpu.memory_space<semaphore_mem>>) src(%arg7 : memref<128x16xf32, #tpu.memory_space<vmem>>) dst(%dma_wait3A_103 : memref<10240x16xf32, #tpu.memory_space<vmem_shared>>)
      } else {
      }
      %dma_start3A_64 = arith.constant 0 : i32
      %dma_start3A_65 = tpu.memref_slice %arg6[%add3A_58, %dma_start3A_64] : memref<80x128xi32, #tpu.memory_space<vmem>> -> memref<1x128xi32, #tpu.memory_space<vmem>>
      %dma_start3A_66 = tpu.memref_squeeze %dma_start3A_65 : memref<1x128xi32, #tpu.memory_space<vmem>> -> memref<128xi32, #tpu.memory_space<vmem>>
      %dma_start3A_67 = arith.constant 0 : i32
      %dma_start3A_68 = arith.constant 0 : i32
      %dma_start3A_69 = tpu.memref_slice %arg9[%dma_start3A_67, %dma_start3A_68] : memref<10240x16xf32, #tpu.memory_space<vmem_shared>> -> memref<10240x16xf32, #tpu.memory_space<vmem_shared>>
      tpu.enqueue_indirect_dma source(%arg7 : memref<128x16xf32, #tpu.memory_space<vmem>>) target(%dma_start3A_69 : memref<10240x16xf32, #tpu.memory_space<vmem_shared>>) offsets(%dma_start3A_66 : memref<128xi32, #tpu.memory_space<vmem>>) semaphore(%arg11 : memref<!tpu.dma_semaphore, #tpu.memory_space<semaphore_mem>>) {add = true}
      %add3A_70 = arith.constant 2 : i32
      %add3A_71 = arith.addi %mul3A_47, %add3A_70 : i32
      %ge3A_72 = arith.constant 4 : i32
      %ge3A_73 = arith.cmpi sge, %add3A_71, %ge3A_72 : i32
      %convert_element_type3A_74 = arith.extui %ge3A_73 : i1 to i32
      %cond3A_75 = arith.constant 0 : i32
      %cond3A_76 = arith.cmpi ne, %convert_element_type3A_74, %cond3A_75 : i32
      scf.if %cond3A_76 {
        %sub3A = arith.constant 4 : i32
        %sub3A_97 = arith.subi %add3A_71, %sub3A : i32
        %dma_wait3A_98 = arith.constant 0 : i32
        %dma_wait3A_99 = tpu.memref_slice %arg6[%sub3A_97, %dma_wait3A_98] : memref<80x128xi32, #tpu.memory_space<vmem>> -> memref<1x128xi32, #tpu.memory_space<vmem>>
        %dma_wait3A_100 = tpu.memref_squeeze %dma_wait3A_99 : memref<1x128xi32, #tpu.memory_space<vmem>> -> memref<128xi32, #tpu.memory_space<vmem>>
        %dma_wait3A_101 = arith.constant 0 : i32
        %dma_wait3A_102 = arith.constant 0 : i32
        %dma_wait3A_103 = tpu.memref_slice %arg9[%dma_wait3A_101, %dma_wait3A_102] : memref<10240x16xf32, #tpu.memory_space<vmem_shared>> -> memref<10240x16xf32, #tpu.memory_space<vmem_shared>>
        tpu.wait_indirect_dma semaphore(%arg12 : memref<!tpu.dma_semaphore, #tpu.memory_space<semaphore_mem>>) src(%arg7 : memref<128x16xf32, #tpu.memory_space<vmem>>) dst(%dma_wait3A_103 : memref<10240x16xf32, #tpu.memory_space<vmem_shared>>)
      } else {
      }
      %dma_start3A_77 = arith.constant 0 : i32
      %dma_start3A_78 = tpu.memref_slice %arg6[%add3A_71, %dma_start3A_77] : memref<80x128xi32, #tpu.memory_space<vmem>> -> memref<1x128xi32, #tpu.memory_space<vmem>>
      %dma_start3A_79 = tpu.memref_squeeze %dma_start3A_78 : memref<1x128xi32, #tpu.memory_space<vmem>> -> memref<128xi32, #tpu.memory_space<vmem>>
      %dma_start3A_80 = arith.constant 0 : i32
      %dma_start3A_81 = arith.constant 0 : i32
      %dma_start3A_82 = tpu.memref_slice %arg9[%dma_start3A_80, %dma_start3A_81] : memref<10240x16xf32, #tpu.memory_space<vmem_shared>> -> memref<10240x16xf32, #tpu.memory_space<vmem_shared>>
      tpu.enqueue_indirect_dma source(%arg7 : memref<128x16xf32, #tpu.memory_space<vmem>>) target(%dma_start3A_82 : memref<10240x16xf32, #tpu.memory_space<vmem_shared>>) offsets(%dma_start3A_79 : memref<128xi32, #tpu.memory_space<vmem>>) semaphore(%arg12 : memref<!tpu.dma_semaphore, #tpu.memory_space<semaphore_mem>>) {add = true}
      %add3A_83 = arith.constant 3 : i32
      %add3A_84 = arith.addi %mul3A_47, %add3A_83 : i32
      %ge3A_85 = arith.constant 4 : i32
      %ge3A_86 = arith.cmpi sge, %add3A_84, %ge3A_85 : i32
      %convert_element_type3A_87 = arith.extui %ge3A_86 : i1 to i32
      %cond3A_88 = arith.constant 0 : i32
      %cond3A_89 = arith.cmpi ne, %convert_element_type3A_87, %cond3A_88 : i32
      scf.if %cond3A_89 {
        %sub3A = arith.constant 4 : i32
        %sub3A_97 = arith.subi %add3A_84, %sub3A : i32
        %dma_wait3A_98 = arith.constant 0 : i32
        %dma_wait3A_99 = tpu.memref_slice %arg6[%sub3A_97, %dma_wait3A_98] : memref<80x128xi32, #tpu.memory_space<vmem>> -> memref<1x128xi32, #tpu.memory_space<vmem>>
        %dma_wait3A_100 = tpu.memref_squeeze %dma_wait3A_99 : memref<1x128xi32, #tpu.memory_space<vmem>> -> memref<128xi32, #tpu.memory_space<vmem>>
        %dma_wait3A_101 = arith.constant 0 : i32
        %dma_wait3A_102 = arith.constant 0 : i32
        %dma_wait3A_103 = tpu.memref_slice %arg9[%dma_wait3A_101, %dma_wait3A_102] : memref<10240x16xf32, #tpu.memory_space<vmem_shared>> -> memref<10240x16xf32, #tpu.memory_space<vmem_shared>>
        tpu.wait_indirect_dma semaphore(%arg13 : memref<!tpu.dma_semaphore, #tpu.memory_space<semaphore_mem>>) src(%arg7 : memref<128x16xf32, #tpu.memory_space<vmem>>) dst(%dma_wait3A_103 : memref<10240x16xf32, #tpu.memory_space<vmem_shared>>)
      } else {
      }
      %dma_start3A_90 = arith.constant 0 : i32
      %dma_start3A_91 = tpu.memref_slice %arg6[%add3A_84, %dma_start3A_90] : memref<80x128xi32, #tpu.memory_space<vmem>> -> memref<1x128xi32, #tpu.memory_space<vmem>>
      %dma_start3A_92 = tpu.memref_squeeze %dma_start3A_91 : memref<1x128xi32, #tpu.memory_space<vmem>> -> memref<128xi32, #tpu.memory_space<vmem>>
      %dma_start3A_93 = arith.constant 0 : i32
      %dma_start3A_94 = arith.constant 0 : i32
      %dma_start3A_95 = tpu.memref_slice %arg9[%dma_start3A_93, %dma_start3A_94] : memref<10240x16xf32, #tpu.memory_space<vmem_shared>> -> memref<10240x16xf32, #tpu.memory_space<vmem_shared>>
      tpu.enqueue_indirect_dma source(%arg7 : memref<128x16xf32, #tpu.memory_space<vmem>>) target(%dma_start3A_95 : memref<10240x16xf32, #tpu.memory_space<vmem_shared>>) offsets(%dma_start3A_92 : memref<128xi32, #tpu.memory_space<vmem>>) semaphore(%arg13 : memref<!tpu.dma_semaphore, #tpu.memory_space<semaphore_mem>>) {add = true}
      %scan3A_96 = arith.constant 0 : i32
      scf.yield %scan3A_96 : i32
    }
    %scan3A_15 = arith.constant 20 : i32
    %dma_wait3A = arith.constant 76 : i32
    %dma_wait3A_16 = arith.constant 0 : i32
    %dma_wait3A_17 = tpu.memref_slice %arg6[%dma_wait3A, %dma_wait3A_16] : memref<80x128xi32, #tpu.memory_space<vmem>> -> memref<1x128xi32, #tpu.memory_space<vmem>>
    %dma_wait3A_18 = tpu.memref_squeeze %dma_wait3A_17 : memref<1x128xi32, #tpu.memory_space<vmem>> -> memref<128xi32, #tpu.memory_space<vmem>>
    %dma_wait3A_19 = arith.constant 0 : i32
    %dma_wait3A_20 = arith.constant 0 : i32
    %dma_wait3A_21 = tpu.memref_slice %arg9[%dma_wait3A_19, %dma_wait3A_20] : memref<10240x16xf32, #tpu.memory_space<vmem_shared>> -> memref<10240x16xf32, #tpu.memory_space<vmem_shared>>
    tpu.wait_indirect_dma semaphore(%arg10 : memref<!tpu.dma_semaphore, #tpu.memory_space<semaphore_mem>>) src(%arg7 : memref<128x16xf32, #tpu.memory_space<vmem>>) dst(%dma_wait3A_21 : memref<10240x16xf32, #tpu.memory_space<vmem_shared>>)
    %dma_wait3A_22 = arith.constant 77 : i32
    %dma_wait3A_23 = arith.constant 0 : i32
    %dma_wait3A_24 = tpu.memref_slice %arg6[%dma_wait3A_22, %dma_wait3A_23] : memref<80x128xi32, #tpu.memory_space<vmem>> -> memref<1x128xi32, #tpu.memory_space<vmem>>
    %dma_wait3A_25 = tpu.memref_squeeze %dma_wait3A_24 : memref<1x128xi32, #tpu.memory_space<vmem>> -> memref<128xi32, #tpu.memory_space<vmem>>
    %dma_wait3A_26 = arith.constant 0 : i32
    %dma_wait3A_27 = arith.constant 0 : i32
    %dma_wait3A_28 = tpu.memref_slice %arg9[%dma_wait3A_26, %dma_wait3A_27] : memref<10240x16xf32, #tpu.memory_space<vmem_shared>> -> memref<10240x16xf32, #tpu.memory_space<vmem_shared>>
    tpu.wait_indirect_dma semaphore(%arg11 : memref<!tpu.dma_semaphore, #tpu.memory_space<semaphore_mem>>) src(%arg7 : memref<128x16xf32, #tpu.memory_space<vmem>>) dst(%dma_wait3A_28 : memref<10240x16xf32, #tpu.memory_space<vmem_shared>>)
    %dma_wait3A_29 = arith.constant 78 : i32
    %dma_wait3A_30 = arith.constant 0 : i32
    %dma_wait3A_31 = tpu.memref_slice %arg6[%dma_wait3A_29, %dma_wait3A_30] : memref<80x128xi32, #tpu.memory_space<vmem>> -> memref<1x128xi32, #tpu.memory_space<vmem>>
    %dma_wait3A_32 = tpu.memref_squeeze %dma_wait3A_31 : memref<1x128xi32, #tpu.memory_space<vmem>> -> memref<128xi32, #tpu.memory_space<vmem>>
    %dma_wait3A_33 = arith.constant 0 : i32
    %dma_wait3A_34 = arith.constant 0 : i32
    %dma_wait3A_35 = tpu.memref_slice %arg9[%dma_wait3A_33, %dma_wait3A_34] : memref<10240x16xf32, #tpu.memory_space<vmem_shared>> -> memref<10240x16xf32, #tpu.memory_space<vmem_shared>>
    tpu.wait_indirect_dma semaphore(%arg12 : memref<!tpu.dma_semaphore, #tpu.memory_space<semaphore_mem>>) src(%arg7 : memref<128x16xf32, #tpu.memory_space<vmem>>) dst(%dma_wait3A_35 : memref<10240x16xf32, #tpu.memory_space<vmem_shared>>)
    %dma_wait3A_36 = arith.constant 79 : i32
    %dma_wait3A_37 = arith.constant 0 : i32
    %dma_wait3A_38 = tpu.memref_slice %arg6[%dma_wait3A_36, %dma_wait3A_37] : memref<80x128xi32, #tpu.memory_space<vmem>> -> memref<1x128xi32, #tpu.memory_space<vmem>>
    %dma_wait3A_39 = tpu.memref_squeeze %dma_wait3A_38 : memref<1x128xi32, #tpu.memory_space<vmem>> -> memref<128xi32, #tpu.memory_space<vmem>>
    %dma_wait3A_40 = arith.constant 0 : i32
    %dma_wait3A_41 = arith.constant 0 : i32
    %dma_wait3A_42 = tpu.memref_slice %arg9[%dma_wait3A_40, %dma_wait3A_41] : memref<10240x16xf32, #tpu.memory_space<vmem_shared>> -> memref<10240x16xf32, #tpu.memory_space<vmem_shared>>
    tpu.wait_indirect_dma semaphore(%arg13 : memref<!tpu.dma_semaphore, #tpu.memory_space<semaphore_mem>>) src(%arg7 : memref<128x16xf32, #tpu.memory_space<vmem>>) dst(%dma_wait3A_42 : memref<10240x16xf32, #tpu.memory_space<vmem_shared>>)
    %barrier3A_43 = arith.constant 0 : index
    tpu.barrier barrier_id(%barrier3A_43)
    "tpu.region"() ({
      %run_scoped3A = tpu.sem_alloc : memref<!tpu.dma_semaphore, #tpu.memory_space<semaphore_mem>>
      %dma_start3A = arith.constant 0 : i32
      %dma_start3A_44 = tpu.memref_slice %arg5[%arg0, %mul3A_2, %dma_start3A] : memref<2x10240x16xf32, #tpu.memory_space<hbm>> -> memref<1x640x16xf32, #tpu.memory_space<hbm>>
      %dma_start3A_45 = tpu.memref_squeeze %dma_start3A_44 : memref<1x640x16xf32, #tpu.memory_space<hbm>> -> memref<640x16xf32, #tpu.memory_space<hbm>>
      %dma_start3A_46 = arith.constant 0 : i32
      %dma_start3A_47 = tpu.memref_slice %arg9[%mul3A_2, %dma_start3A_46] : memref<10240x16xf32, #tpu.memory_space<vmem_shared>> -> memref<640x16xf32, #tpu.memory_space<vmem_shared>>
      tpu.enqueue_dma source(%dma_start3A_47 : memref<640x16xf32, #tpu.memory_space<vmem_shared>>) target(%dma_start3A_45 : memref<640x16xf32, #tpu.memory_space<hbm>>) target_semaphore(%run_scoped3A : memref<!tpu.dma_semaphore, #tpu.memory_space<semaphore_mem>>)
      %dma_wait3A_48 = arith.constant 0 : i32
      %dma_wait3A_49 = tpu.memref_slice %arg5[%arg0, %mul3A_2, %dma_wait3A_48] : memref<2x10240x16xf32, #tpu.memory_space<hbm>> -> memref<1x640x16xf32, #tpu.memory_space<hbm>>
      %dma_wait3A_50 = tpu.memref_squeeze %dma_wait3A_49 : memref<1x640x16xf32, #tpu.memory_space<hbm>> -> memref<640x16xf32, #tpu.memory_space<hbm>>
      %dma_wait3A_51 = arith.constant 0 : i32
      %dma_wait3A_52 = tpu.memref_slice %arg9[%mul3A_2, %dma_wait3A_51] : memref<10240x16xf32, #tpu.memory_space<vmem_shared>> -> memref<640x16xf32, #tpu.memory_space<vmem_shared>>
      tpu.wait_dma2 semaphore(%run_scoped3A : memref<!tpu.dma_semaphore, #tpu.memory_space<semaphore_mem>>) src(%dma_wait3A_52 : memref<640x16xf32, #tpu.memory_space<vmem_shared>>) dst(%dma_wait3A_50 : memref<640x16xf32, #tpu.memory_space<hbm>>)
      tpu.yield
    }) : () -> ()
    return
  }
}

#map = affine_map<(d0, d1) -> (0, 0)>
#map1 = affine_map<(d0, d1) -> (0, 0, 0)>
module attributes {stable_mosaic.version = 14 : i64} {
  func.func @_sc_sum_body(%arg0: i32, %arg1: i32, %arg2: memref<10000x128xf32, #tpu.memory_space<hbm>>, %arg3: memref<32x80x128xi32, #tpu.memory_space<hbm>>, %arg4: memref<32x80x128xi32, #tpu.memory_space<hbm>>, %arg5: memref<2x10240x128xf32, #tpu.memory_space<hbm>>, %arg6: memref<40x128xi32, #tpu.memory_space<vmem>>, %arg7: memref<40x128xi32, #tpu.memory_space<vmem>>, %arg8: memref<128x128xf32, #tpu.memory_space<vmem>>, %arg9: memref<128x128xf32, #tpu.memory_space<vmem>>, %arg10: memref<10240x128xf32, #tpu.memory_space<vmem_shared>>, %arg11: memref<!tpu.dma_semaphore, #tpu.memory_space<semaphore_mem>>, %arg12: memref<!tpu.dma_semaphore, #tpu.memory_space<semaphore_mem>>) attributes {dimension_semantics = [#tpu.dimension_semantics<core_parallel>, #tpu.dimension_semantics<subcore_parallel>], iteration_bounds = array<i64: 2, 16>, scalar_prefetch = 0 : i64, scratch_operands = 7 : i64, tpu.core_type = #tpu.core_type<sc_vector_subcore>, window_params = [{transform_indices = #map}, {transform_indices = #map1}, {transform_indices = #map1}, {transform_indices = #map1}]} {
    %mul3A = arith.constant 16 : i32
    %mul3A_0 = arith.muli %arg0, %mul3A : i32
    %add3A = arith.addi %mul3A_0, %arg1 : i32
    %mul3A_1 = arith.constant 640 : i32
    %mul3A_2 = arith.muli %arg1, %mul3A_1 : i32
    %broadcast_in_dim3A = arith.constant 0.000000e+00 : f32
    %broadcast_in_dim3A_3 = vector.broadcast %broadcast_in_dim3A : f32 to vector<16xf32>
    %scan3A = arith.constant 0 : i32
    %scan3A_4 = arith.constant 0 : i32
    %scan3A_5 = arith.constant 256 : i32
    %scan3A_6 = arith.addi %scan3A_4, %scan3A_5 : i32
    %scan3A_7 = arith.constant 1 : i32
    %scan3A_8 = scf.for %scan3A_45 = %scan3A_4 to %scan3A_6 step %scan3A_7 iter_args(%scan3A_46 = %scan3A) -> (i32)  : i32 {
      %jit3A = arith.constant 8 : i32
      %div3A = arith.divsi %scan3A_45, %jit3A : i32
      %sign3A = arith.constant 0 : i32
      %sign3A_47 = arith.cmpi sgt, %scan3A_45, %sign3A : i32
      %sign3A_48 = arith.extui %sign3A_47 : i1 to i32
      %sign3A_49 = arith.constant 0 : i32
      %sign3A_50 = arith.cmpi slt, %scan3A_45, %sign3A_49 : i32
      %sign3A_51 = arith.extui %sign3A_50 : i1 to i32
      %sign3A_52 = arith.subi %sign3A_48, %sign3A_51 : i32
      %sign3A_53 = arith.constant 0 : i32
      %sign3A_54 = arith.cmpi sgt, %jit3A, %sign3A_53 : i32
      %sign3A_55 = arith.extui %sign3A_54 : i1 to i32
      %sign3A_56 = arith.constant 0 : i32
      %sign3A_57 = arith.cmpi slt, %jit3A, %sign3A_56 : i32
      %sign3A_58 = arith.extui %sign3A_57 : i1 to i32
      %sign3A_59 = arith.subi %sign3A_55, %sign3A_58 : i32
      %ne3A = arith.cmpi ne, %sign3A_52, %sign3A_59 : i32
      %rem3A = arith.remsi %scan3A_45, %jit3A : i32
      %ne3A_60 = arith.constant 0 : i32
      %ne3A_61 = arith.cmpi ne, %rem3A, %ne3A_60 : i32
      %and3A = arith.andi %ne3A, %ne3A_61 : i1
      %sub3A = arith.constant 1 : i32
      %sub3A_62 = arith.subi %div3A, %sub3A : i32
      %select_n3A = arith.select %and3A, %sub3A_62, %div3A : i32
      %jit3A_63 = arith.constant 8 : i32
      %eq3A = arith.constant 0 : i32
      %eq3A_64 = arith.cmpi eq, %jit3A_63, %eq3A : i32
      %jit3A_65 = arith.constant 1 : i32
      %select_n3A_66 = arith.select %eq3A_64, %jit3A_65, %jit3A_63 : i32
      %rem3A_67 = arith.remsi %scan3A_45, %select_n3A_66 : i32
      %ne3A_68 = arith.constant 0 : i32
      %ne3A_69 = arith.cmpi ne, %rem3A_67, %ne3A_68 : i32
      %lt3A = arith.constant 0 : i32
      %lt3A_70 = arith.cmpi slt, %rem3A_67, %lt3A : i32
      %lt3A_71 = arith.constant 0 : i32
      %lt3A_72 = arith.cmpi slt, %select_n3A_66, %lt3A_71 : i32
      %ne3A_73 = arith.xori %lt3A_70, %lt3A_72 : i1
      %and3A_74 = arith.andi %ne3A_73, %ne3A_69 : i1
      %add3A_75 = arith.addi %rem3A_67, %select_n3A_66 : i32
      %select_n3A_76 = arith.select %and3A_74, %add3A_75, %rem3A_67 : i32
      %mul3A_77 = arith.constant 16 : i32
      %mul3A_78 = arith.muli %select_n3A_76, %mul3A_77 : i32
      %swap3A = arith.index_cast %select_n3A : i32 to index
      %swap3A_79 = arith.index_cast %mul3A_78 : i32 to index
      %swap3A_80 = tpu.vector_load %arg8[%swap3A, %swap3A_79] {strides = array<i32>} : memref<128x128xf32, #tpu.memory_space<vmem>>, vector<1x16xf32>,
      %swap3A_81 = vector.shape_cast %swap3A_80 : vector<1x16xf32> to vector<16xf32>
      %swap3A_82 = vector.shape_cast %broadcast_in_dim3A_3 : vector<16xf32> to vector<1x16xf32>
      tpu.vector_store %arg8[%swap3A, %swap3A_79], %swap3A_82 {strides = array<i32>} : memref<128x128xf32, #tpu.memory_space<vmem>>, vector<1x16xf32>,
      %scan3A_83 = arith.constant 0 : i32
      scf.yield %scan3A_83 : i32
    }
    %scan3A_9 = arith.constant 256 : i32
    %scan3A_10 = arith.constant 0 : i32
    %scan3A_11 = arith.constant 0 : i32
    %scan3A_12 = arith.constant 20 : i32
    %scan3A_13 = arith.addi %scan3A_11, %scan3A_12 : i32
    %scan3A_14 = arith.constant 1 : i32
    %scan3A_15 = scf.for %scan3A_45 = %scan3A_11 to %scan3A_13 step %scan3A_14 iter_args(%scan3A_46 = %scan3A_10) -> (i32)  : i32 {
      %mul3A_47 = arith.constant 32 : i32
      %mul3A_48 = arith.muli %scan3A_45, %mul3A_47 : i32
      %add3A_49 = arith.addi %mul3A_2, %mul3A_48 : i32
      "tpu.region"() ({
        %run_scoped3A = tpu.sem_alloc : memref<!tpu.dma_semaphore, #tpu.memory_space<semaphore_mem>>
        %dma_start3A_51 = arith.constant 0 : i32
        %dma_start3A_52 = arith.constant 0 : i32
        %dma_start3A_53 = tpu.memref_slice %arg8[%dma_start3A_51, %dma_start3A_52] : memref<128x128xf32, #tpu.memory_space<vmem>> -> memref<32x128xf32, #tpu.memory_space<vmem>>
        %dma_start3A_54 = arith.constant 0 : i32
        %dma_start3A_55 = tpu.memref_slice %arg10[%add3A_49, %dma_start3A_54] : memref<10240x128xf32, #tpu.memory_space<vmem_shared>> -> memref<32x128xf32, #tpu.memory_space<vmem_shared>>
        %dma_start3A_56 = arith.constant 0 : i32
        %dma_start3A_57 = tpu.memref_slice %arg10[%add3A_49, %dma_start3A_56] : memref<10240x128xf32, #tpu.memory_space<vmem_shared>> -> memref<32x128xf32, #tpu.memory_space<vmem_shared>>
        %dma_start3A_58 = arith.constant 0 : i32
        %dma_start3A_59 = arith.constant 0 : i32
        %dma_start3A_60 = tpu.memref_slice %arg8[%dma_start3A_58, %dma_start3A_59] : memref<128x128xf32, #tpu.memory_space<vmem>> -> memref<32x128xf32, #tpu.memory_space<vmem>>
        tpu.enqueue_dma source(%dma_start3A_60 : memref<32x128xf32, #tpu.memory_space<vmem>>) target(%dma_start3A_57 : memref<32x128xf32, #tpu.memory_space<vmem_shared>>) target_semaphore(%run_scoped3A : memref<!tpu.dma_semaphore, #tpu.memory_space<semaphore_mem>>)
        %dma_wait3A = arith.constant 0 : i32
        %dma_wait3A_61 = arith.constant 0 : i32
        %dma_wait3A_62 = tpu.memref_slice %arg8[%dma_wait3A, %dma_wait3A_61] : memref<128x128xf32, #tpu.memory_space<vmem>> -> memref<32x128xf32, #tpu.memory_space<vmem>>
        %dma_wait3A_63 = arith.constant 0 : i32
        %dma_wait3A_64 = tpu.memref_slice %arg10[%add3A_49, %dma_wait3A_63] : memref<10240x128xf32, #tpu.memory_space<vmem_shared>> -> memref<32x128xf32, #tpu.memory_space<vmem_shared>>
        %dma_wait3A_65 = arith.constant 0 : i32
        %dma_wait3A_66 = tpu.memref_slice %arg10[%add3A_49, %dma_wait3A_65] : memref<10240x128xf32, #tpu.memory_space<vmem_shared>> -> memref<32x128xf32, #tpu.memory_space<vmem_shared>>
        %dma_wait3A_67 = arith.constant 0 : i32
        %dma_wait3A_68 = arith.constant 0 : i32
        %dma_wait3A_69 = tpu.memref_slice %arg8[%dma_wait3A_67, %dma_wait3A_68] : memref<128x128xf32, #tpu.memory_space<vmem>> -> memref<32x128xf32, #tpu.memory_space<vmem>>
        tpu.wait_dma2 semaphore(%run_scoped3A : memref<!tpu.dma_semaphore, #tpu.memory_space<semaphore_mem>>) src(%dma_wait3A_69 : memref<32x128xf32, #tpu.memory_space<vmem>>) dst(%dma_wait3A_66 : memref<32x128xf32, #tpu.memory_space<vmem_shared>>)
        tpu.yield
      }) : () -> ()
      %scan3A_50 = arith.constant 0 : i32
      scf.yield %scan3A_50 : i32
    }
    %scan3A_16 = arith.constant 20 : i32
    %barrier3A = arith.constant 0 : index
    tpu.barrier barrier_id(%barrier3A)
    "tpu.region"() ({
      %run_scoped3A = tpu.sem_alloc : memref<!tpu.dma_semaphore, #tpu.memory_space<semaphore_mem>>
      %dma_start3A_45 = arith.constant 0 : i32
      %dma_start3A_46 = arith.constant 0 : i32
      %dma_start3A_47 = tpu.memref_slice %arg3[%add3A, %dma_start3A_45, %dma_start3A_46] : memref<32x80x128xi32, #tpu.memory_space<hbm>> -> memref<1x40x128xi32, #tpu.memory_space<hbm>>
      %dma_start3A_48 = tpu.memref_squeeze %dma_start3A_47 : memref<1x40x128xi32, #tpu.memory_space<hbm>> -> memref<40x128xi32, #tpu.memory_space<hbm>>
      %dma_start3A_49 = arith.constant 0 : i32
      %dma_start3A_50 = arith.constant 0 : i32
      %dma_start3A_51 = tpu.memref_slice %arg3[%add3A, %dma_start3A_49, %dma_start3A_50] : memref<32x80x128xi32, #tpu.memory_space<hbm>> -> memref<1x40x128xi32, #tpu.memory_space<hbm>>
      %dma_start3A_52 = tpu.memref_squeeze %dma_start3A_51 : memref<1x40x128xi32, #tpu.memory_space<hbm>> -> memref<40x128xi32, #tpu.memory_space<hbm>>
      tpu.enqueue_dma source(%dma_start3A_52 : memref<40x128xi32, #tpu.memory_space<hbm>>) target(%arg6 : memref<40x128xi32, #tpu.memory_space<vmem>>) target_semaphore(%run_scoped3A : memref<!tpu.dma_semaphore, #tpu.memory_space<semaphore_mem>>)
      %dma_wait3A = arith.constant 0 : i32
      %dma_wait3A_53 = arith.constant 0 : i32
      %dma_wait3A_54 = tpu.memref_slice %arg3[%add3A, %dma_wait3A, %dma_wait3A_53] : memref<32x80x128xi32, #tpu.memory_space<hbm>> -> memref<1x40x128xi32, #tpu.memory_space<hbm>>
      %dma_wait3A_55 = tpu.memref_squeeze %dma_wait3A_54 : memref<1x40x128xi32, #tpu.memory_space<hbm>> -> memref<40x128xi32, #tpu.memory_space<hbm>>
      %dma_wait3A_56 = arith.constant 0 : i32
      %dma_wait3A_57 = arith.constant 0 : i32
      %dma_wait3A_58 = tpu.memref_slice %arg3[%add3A, %dma_wait3A_56, %dma_wait3A_57] : memref<32x80x128xi32, #tpu.memory_space<hbm>> -> memref<1x40x128xi32, #tpu.memory_space<hbm>>
      %dma_wait3A_59 = tpu.memref_squeeze %dma_wait3A_58 : memref<1x40x128xi32, #tpu.memory_space<hbm>> -> memref<40x128xi32, #tpu.memory_space<hbm>>
      tpu.wait_dma2 semaphore(%run_scoped3A : memref<!tpu.dma_semaphore, #tpu.memory_space<semaphore_mem>>) src(%dma_wait3A_59 : memref<40x128xi32, #tpu.memory_space<hbm>>) dst(%arg6 : memref<40x128xi32, #tpu.memory_space<vmem>>)
      tpu.yield
    }) : () -> ()
    "tpu.region"() ({
      %run_scoped3A = tpu.sem_alloc : memref<!tpu.dma_semaphore, #tpu.memory_space<semaphore_mem>>
      %dma_start3A_45 = arith.constant 0 : i32
      %dma_start3A_46 = arith.constant 0 : i32
      %dma_start3A_47 = tpu.memref_slice %arg4[%add3A, %dma_start3A_45, %dma_start3A_46] : memref<32x80x128xi32, #tpu.memory_space<hbm>> -> memref<1x40x128xi32, #tpu.memory_space<hbm>>
      %dma_start3A_48 = tpu.memref_squeeze %dma_start3A_47 : memref<1x40x128xi32, #tpu.memory_space<hbm>> -> memref<40x128xi32, #tpu.memory_space<hbm>>
      %dma_start3A_49 = arith.constant 0 : i32
      %dma_start3A_50 = arith.constant 0 : i32
      %dma_start3A_51 = tpu.memref_slice %arg4[%add3A, %dma_start3A_49, %dma_start3A_50] : memref<32x80x128xi32, #tpu.memory_space<hbm>> -> memref<1x40x128xi32, #tpu.memory_space<hbm>>
      %dma_start3A_52 = tpu.memref_squeeze %dma_start3A_51 : memref<1x40x128xi32, #tpu.memory_space<hbm>> -> memref<40x128xi32, #tpu.memory_space<hbm>>
      tpu.enqueue_dma source(%dma_start3A_52 : memref<40x128xi32, #tpu.memory_space<hbm>>) target(%arg7 : memref<40x128xi32, #tpu.memory_space<vmem>>) target_semaphore(%run_scoped3A : memref<!tpu.dma_semaphore, #tpu.memory_space<semaphore_mem>>)
      %dma_wait3A = arith.constant 0 : i32
      %dma_wait3A_53 = arith.constant 0 : i32
      %dma_wait3A_54 = tpu.memref_slice %arg4[%add3A, %dma_wait3A, %dma_wait3A_53] : memref<32x80x128xi32, #tpu.memory_space<hbm>> -> memref<1x40x128xi32, #tpu.memory_space<hbm>>
      %dma_wait3A_55 = tpu.memref_squeeze %dma_wait3A_54 : memref<1x40x128xi32, #tpu.memory_space<hbm>> -> memref<40x128xi32, #tpu.memory_space<hbm>>
      %dma_wait3A_56 = arith.constant 0 : i32
      %dma_wait3A_57 = arith.constant 0 : i32
      %dma_wait3A_58 = tpu.memref_slice %arg4[%add3A, %dma_wait3A_56, %dma_wait3A_57] : memref<32x80x128xi32, #tpu.memory_space<hbm>> -> memref<1x40x128xi32, #tpu.memory_space<hbm>>
      %dma_wait3A_59 = tpu.memref_squeeze %dma_wait3A_58 : memref<1x40x128xi32, #tpu.memory_space<hbm>> -> memref<40x128xi32, #tpu.memory_space<hbm>>
      tpu.wait_dma2 semaphore(%run_scoped3A : memref<!tpu.dma_semaphore, #tpu.memory_space<semaphore_mem>>) src(%dma_wait3A_59 : memref<40x128xi32, #tpu.memory_space<hbm>>) dst(%arg7 : memref<40x128xi32, #tpu.memory_space<vmem>>)
      tpu.yield
    }) : () -> ()
    %dma_start3A = arith.constant 0 : i32
    %dma_start3A_17 = arith.constant 0 : i32
    %dma_start3A_18 = tpu.memref_slice %arg6[%dma_start3A, %dma_start3A_17] : memref<40x128xi32, #tpu.memory_space<vmem>> -> memref<1x128xi32, #tpu.memory_space<vmem>>
    %dma_start3A_19 = tpu.memref_squeeze %dma_start3A_18 : memref<1x128xi32, #tpu.memory_space<vmem>> -> memref<128xi32, #tpu.memory_space<vmem>>
    %dma_start3A_20 = arith.constant 0 : i32
    %dma_start3A_21 = arith.constant 0 : i32
    %dma_start3A_22 = tpu.memref_slice %arg2[%dma_start3A_20, %dma_start3A_21] : memref<10000x128xf32, #tpu.memory_space<hbm>> -> memref<10000x128xf32, #tpu.memory_space<hbm>>
    tpu.enqueue_indirect_dma source(%dma_start3A_22 : memref<10000x128xf32, #tpu.memory_space<hbm>>) target(%arg8 : memref<128x128xf32, #tpu.memory_space<vmem>>) offsets(%dma_start3A_19 : memref<128xi32, #tpu.memory_space<vmem>>) semaphore(%arg11 : memref<!tpu.dma_semaphore, #tpu.memory_space<semaphore_mem>>)
    %scan3A_23 = arith.constant 0 : i32
    %scan3A_24 = arith.constant 0 : i32
    %scan3A_25 = arith.constant 20 : i32
    %scan3A_26 = arith.addi %scan3A_24, %scan3A_25 : i32
    %scan3A_27 = arith.constant 1 : i32
    %scan3A_28 = scf.for %scan3A_45 = %scan3A_24 to %scan3A_26 step %scan3A_27 iter_args(%scan3A_46 = %scan3A_23) -> (i32)  : i32 {
      %mul3A_47 = arith.constant 2 : i32
      %mul3A_48 = arith.muli %mul3A_47, %scan3A_45 : i32
      %add3A_49 = arith.constant 1 : i32
      %add3A_50 = arith.addi %mul3A_48, %add3A_49 : i32
      %dma_start3A_51 = arith.constant 0 : i32
      %dma_start3A_52 = tpu.memref_slice %arg6[%add3A_50, %dma_start3A_51] : memref<40x128xi32, #tpu.memory_space<vmem>> -> memref<1x128xi32, #tpu.memory_space<vmem>>
      %dma_start3A_53 = tpu.memref_squeeze %dma_start3A_52 : memref<1x128xi32, #tpu.memory_space<vmem>> -> memref<128xi32, #tpu.memory_space<vmem>>
      %dma_start3A_54 = arith.constant 0 : i32
      %dma_start3A_55 = arith.constant 0 : i32
      %dma_start3A_56 = tpu.memref_slice %arg2[%dma_start3A_54, %dma_start3A_55] : memref<10000x128xf32, #tpu.memory_space<hbm>> -> memref<10000x128xf32, #tpu.memory_space<hbm>>
      tpu.enqueue_indirect_dma source(%dma_start3A_56 : memref<10000x128xf32, #tpu.memory_space<hbm>>) target(%arg9 : memref<128x128xf32, #tpu.memory_space<vmem>>) offsets(%dma_start3A_53 : memref<128xi32, #tpu.memory_space<vmem>>) semaphore(%arg12 : memref<!tpu.dma_semaphore, #tpu.memory_space<semaphore_mem>>)
      %dma_wait3A = arith.constant 0 : i32
      %dma_wait3A_57 = tpu.memref_slice %arg6[%mul3A_48, %dma_wait3A] : memref<40x128xi32, #tpu.memory_space<vmem>> -> memref<1x128xi32, #tpu.memory_space<vmem>>
      %dma_wait3A_58 = tpu.memref_squeeze %dma_wait3A_57 : memref<1x128xi32, #tpu.memory_space<vmem>> -> memref<128xi32, #tpu.memory_space<vmem>>
      %dma_wait3A_59 = arith.constant 0 : i32
      %dma_wait3A_60 = arith.constant 0 : i32
      %dma_wait3A_61 = tpu.memref_slice %arg2[%dma_wait3A_59, %dma_wait3A_60] : memref<10000x128xf32, #tpu.memory_space<hbm>> -> memref<10000x128xf32, #tpu.memory_space<hbm>>
      tpu.wait_indirect_dma semaphore(%arg11 : memref<!tpu.dma_semaphore, #tpu.memory_space<semaphore_mem>>) src(%dma_wait3A_61 : memref<10000x128xf32, #tpu.memory_space<hbm>>) dst(%arg8 : memref<128x128xf32, #tpu.memory_space<vmem>>)
      "tpu.region"() ({
        %run_scoped3A = tpu.sem_alloc : memref<!tpu.dma_semaphore, #tpu.memory_space<semaphore_mem>>
        %dma_start3A_77 = arith.constant 0 : i32
        %dma_start3A_78 = tpu.memref_slice %arg7[%mul3A_48, %dma_start3A_77] : memref<40x128xi32, #tpu.memory_space<vmem>> -> memref<1x128xi32, #tpu.memory_space<vmem>>
        %dma_start3A_79 = tpu.memref_squeeze %dma_start3A_78 : memref<1x128xi32, #tpu.memory_space<vmem>> -> memref<128xi32, #tpu.memory_space<vmem>>
        %dma_start3A_80 = arith.constant 0 : i32
        %dma_start3A_81 = arith.constant 0 : i32
        %dma_start3A_82 = tpu.memref_slice %arg10[%dma_start3A_80, %dma_start3A_81] : memref<10240x128xf32, #tpu.memory_space<vmem_shared>> -> memref<10240x128xf32, #tpu.memory_space<vmem_shared>>
        tpu.enqueue_indirect_dma source(%arg8 : memref<128x128xf32, #tpu.memory_space<vmem>>) target(%dma_start3A_82 : memref<10240x128xf32, #tpu.memory_space<vmem_shared>>) offsets(%dma_start3A_79 : memref<128xi32, #tpu.memory_space<vmem>>) semaphore(%run_scoped3A : memref<!tpu.dma_semaphore, #tpu.memory_space<semaphore_mem>>) {add = true}
        %dma_wait3A_83 = arith.constant 0 : i32
        %dma_wait3A_84 = tpu.memref_slice %arg7[%mul3A_48, %dma_wait3A_83] : memref<40x128xi32, #tpu.memory_space<vmem>> -> memref<1x128xi32, #tpu.memory_space<vmem>>
        %dma_wait3A_85 = tpu.memref_squeeze %dma_wait3A_84 : memref<1x128xi32, #tpu.memory_space<vmem>> -> memref<128xi32, #tpu.memory_space<vmem>>
        %dma_wait3A_86 = arith.constant 0 : i32
        %dma_wait3A_87 = arith.constant 0 : i32
        %dma_wait3A_88 = tpu.memref_slice %arg10[%dma_wait3A_86, %dma_wait3A_87] : memref<10240x128xf32, #tpu.memory_space<vmem_shared>> -> memref<10240x128xf32, #tpu.memory_space<vmem_shared>>
        tpu.wait_indirect_dma semaphore(%run_scoped3A : memref<!tpu.dma_semaphore, #tpu.memory_space<semaphore_mem>>) src(%arg8 : memref<128x128xf32, #tpu.memory_space<vmem>>) dst(%dma_wait3A_88 : memref<10240x128xf32, #tpu.memory_space<vmem_shared>>)
        tpu.yield
      }) : () -> ()
      %add3A_62 = arith.constant 2 : i32
      %add3A_63 = arith.addi %mul3A_48, %add3A_62 : i32
      %lt3A = arith.constant 40 : i32
      %lt3A_64 = arith.cmpi slt, %add3A_63, %lt3A : i32
      %convert_element_type3A = arith.extui %lt3A_64 : i1 to i32
      %cond3A = arith.constant 0 : i32
      %cond3A_65 = arith.cmpi ne, %convert_element_type3A, %cond3A : i32
      scf.if %cond3A_65 {
        %add3A_77 = arith.constant 2 : i32
        %add3A_78 = arith.addi %mul3A_48, %add3A_77 : i32
        %dma_start3A_79 = arith.constant 0 : i32
        %dma_start3A_80 = tpu.memref_slice %arg6[%add3A_78, %dma_start3A_79] : memref<40x128xi32, #tpu.memory_space<vmem>> -> memref<1x128xi32, #tpu.memory_space<vmem>>
        %dma_start3A_81 = tpu.memref_squeeze %dma_start3A_80 : memref<1x128xi32, #tpu.memory_space<vmem>> -> memref<128xi32, #tpu.memory_space<vmem>>
        %dma_start3A_82 = arith.constant 0 : i32
        %dma_start3A_83 = arith.constant 0 : i32
        %dma_start3A_84 = tpu.memref_slice %arg2[%dma_start3A_82, %dma_start3A_83] : memref<10000x128xf32, #tpu.memory_space<hbm>> -> memref<10000x128xf32, #tpu.memory_space<hbm>>
        tpu.enqueue_indirect_dma source(%dma_start3A_84 : memref<10000x128xf32, #tpu.memory_space<hbm>>) target(%arg8 : memref<128x128xf32, #tpu.memory_space<vmem>>) offsets(%dma_start3A_81 : memref<128xi32, #tpu.memory_space<vmem>>) semaphore(%arg11 : memref<!tpu.dma_semaphore, #tpu.memory_space<semaphore_mem>>)
      } else {
      }
      %add3A_66 = arith.constant 1 : i32
      %add3A_67 = arith.addi %mul3A_48, %add3A_66 : i32
      %dma_wait3A_68 = arith.constant 0 : i32
      %dma_wait3A_69 = tpu.memref_slice %arg6[%add3A_67, %dma_wait3A_68] : memref<40x128xi32, #tpu.memory_space<vmem>> -> memref<1x128xi32, #tpu.memory_space<vmem>>
      %dma_wait3A_70 = tpu.memref_squeeze %dma_wait3A_69 : memref<1x128xi32, #tpu.memory_space<vmem>> -> memref<128xi32, #tpu.memory_space<vmem>>
      %dma_wait3A_71 = arith.constant 0 : i32
      %dma_wait3A_72 = arith.constant 0 : i32
      %dma_wait3A_73 = tpu.memref_slice %arg2[%dma_wait3A_71, %dma_wait3A_72] : memref<10000x128xf32, #tpu.memory_space<hbm>> -> memref<10000x128xf32, #tpu.memory_space<hbm>>
      tpu.wait_indirect_dma semaphore(%arg12 : memref<!tpu.dma_semaphore, #tpu.memory_space<semaphore_mem>>) src(%dma_wait3A_73 : memref<10000x128xf32, #tpu.memory_space<hbm>>) dst(%arg9 : memref<128x128xf32, #tpu.memory_space<vmem>>)
      %add3A_74 = arith.constant 1 : i32
      %add3A_75 = arith.addi %mul3A_48, %add3A_74 : i32
      "tpu.region"() ({
        %run_scoped3A = tpu.sem_alloc : memref<!tpu.dma_semaphore, #tpu.memory_space<semaphore_mem>>
        %dma_start3A_77 = arith.constant 0 : i32
        %dma_start3A_78 = tpu.memref_slice %arg7[%add3A_75, %dma_start3A_77] : memref<40x128xi32, #tpu.memory_space<vmem>> -> memref<1x128xi32, #tpu.memory_space<vmem>>
        %dma_start3A_79 = tpu.memref_squeeze %dma_start3A_78 : memref<1x128xi32, #tpu.memory_space<vmem>> -> memref<128xi32, #tpu.memory_space<vmem>>
        %dma_start3A_80 = arith.constant 0 : i32
        %dma_start3A_81 = arith.constant 0 : i32
        %dma_start3A_82 = tpu.memref_slice %arg10[%dma_start3A_80, %dma_start3A_81] : memref<10240x128xf32, #tpu.memory_space<vmem_shared>> -> memref<10240x128xf32, #tpu.memory_space<vmem_shared>>
        tpu.enqueue_indirect_dma source(%arg9 : memref<128x128xf32, #tpu.memory_space<vmem>>) target(%dma_start3A_82 : memref<10240x128xf32, #tpu.memory_space<vmem_shared>>) offsets(%dma_start3A_79 : memref<128xi32, #tpu.memory_space<vmem>>) semaphore(%run_scoped3A : memref<!tpu.dma_semaphore, #tpu.memory_space<semaphore_mem>>) {add = true}
        %dma_wait3A_83 = arith.constant 0 : i32
        %dma_wait3A_84 = tpu.memref_slice %arg7[%add3A_75, %dma_wait3A_83] : memref<40x128xi32, #tpu.memory_space<vmem>> -> memref<1x128xi32, #tpu.memory_space<vmem>>
        %dma_wait3A_85 = tpu.memref_squeeze %dma_wait3A_84 : memref<1x128xi32, #tpu.memory_space<vmem>> -> memref<128xi32, #tpu.memory_space<vmem>>
        %dma_wait3A_86 = arith.constant 0 : i32
        %dma_wait3A_87 = arith.constant 0 : i32
        %dma_wait3A_88 = tpu.memref_slice %arg10[%dma_wait3A_86, %dma_wait3A_87] : memref<10240x128xf32, #tpu.memory_space<vmem_shared>> -> memref<10240x128xf32, #tpu.memory_space<vmem_shared>>
        tpu.wait_indirect_dma semaphore(%run_scoped3A : memref<!tpu.dma_semaphore, #tpu.memory_space<semaphore_mem>>) src(%arg9 : memref<128x128xf32, #tpu.memory_space<vmem>>) dst(%dma_wait3A_88 : memref<10240x128xf32, #tpu.memory_space<vmem_shared>>)
        tpu.yield
      }) : () -> ()
      %scan3A_76 = arith.constant 0 : i32
      scf.yield %scan3A_76 : i32
    }
    %scan3A_29 = arith.constant 20 : i32
    "tpu.region"() ({
      %run_scoped3A = tpu.sem_alloc : memref<!tpu.dma_semaphore, #tpu.memory_space<semaphore_mem>>
      %dma_start3A_45 = arith.constant 40 : i32
      %dma_start3A_46 = arith.constant 0 : i32
      %dma_start3A_47 = tpu.memref_slice %arg3[%add3A, %dma_start3A_45, %dma_start3A_46] : memref<32x80x128xi32, #tpu.memory_space<hbm>> -> memref<1x40x128xi32, #tpu.memory_space<hbm>>
      %dma_start3A_48 = tpu.memref_squeeze %dma_start3A_47 : memref<1x40x128xi32, #tpu.memory_space<hbm>> -> memref<40x128xi32, #tpu.memory_space<hbm>>
      %dma_start3A_49 = arith.constant 40 : i32
      %dma_start3A_50 = arith.constant 0 : i32
      %dma_start3A_51 = tpu.memref_slice %arg3[%add3A, %dma_start3A_49, %dma_start3A_50] : memref<32x80x128xi32, #tpu.memory_space<hbm>> -> memref<1x40x128xi32, #tpu.memory_space<hbm>>
      %dma_start3A_52 = tpu.memref_squeeze %dma_start3A_51 : memref<1x40x128xi32, #tpu.memory_space<hbm>> -> memref<40x128xi32, #tpu.memory_space<hbm>>
      tpu.enqueue_dma source(%dma_start3A_52 : memref<40x128xi32, #tpu.memory_space<hbm>>) target(%arg6 : memref<40x128xi32, #tpu.memory_space<vmem>>) target_semaphore(%run_scoped3A : memref<!tpu.dma_semaphore, #tpu.memory_space<semaphore_mem>>)
      %dma_wait3A = arith.constant 40 : i32
      %dma_wait3A_53 = arith.constant 0 : i32
      %dma_wait3A_54 = tpu.memref_slice %arg3[%add3A, %dma_wait3A, %dma_wait3A_53] : memref<32x80x128xi32, #tpu.memory_space<hbm>> -> memref<1x40x128xi32, #tpu.memory_space<hbm>>
      %dma_wait3A_55 = tpu.memref_squeeze %dma_wait3A_54 : memref<1x40x128xi32, #tpu.memory_space<hbm>> -> memref<40x128xi32, #tpu.memory_space<hbm>>
      %dma_wait3A_56 = arith.constant 40 : i32
      %dma_wait3A_57 = arith.constant 0 : i32
      %dma_wait3A_58 = tpu.memref_slice %arg3[%add3A, %dma_wait3A_56, %dma_wait3A_57] : memref<32x80x128xi32, #tpu.memory_space<hbm>> -> memref<1x40x128xi32, #tpu.memory_space<hbm>>
      %dma_wait3A_59 = tpu.memref_squeeze %dma_wait3A_58 : memref<1x40x128xi32, #tpu.memory_space<hbm>> -> memref<40x128xi32, #tpu.memory_space<hbm>>
      tpu.wait_dma2 semaphore(%run_scoped3A : memref<!tpu.dma_semaphore, #tpu.memory_space<semaphore_mem>>) src(%dma_wait3A_59 : memref<40x128xi32, #tpu.memory_space<hbm>>) dst(%arg6 : memref<40x128xi32, #tpu.memory_space<vmem>>)
      tpu.yield
    }) : () -> ()
    "tpu.region"() ({
      %run_scoped3A = tpu.sem_alloc : memref<!tpu.dma_semaphore, #tpu.memory_space<semaphore_mem>>
      %dma_start3A_45 = arith.constant 40 : i32
      %dma_start3A_46 = arith.constant 0 : i32
      %dma_start3A_47 = tpu.memref_slice %arg4[%add3A, %dma_start3A_45, %dma_start3A_46] : memref<32x80x128xi32, #tpu.memory_space<hbm>> -> memref<1x40x128xi32, #tpu.memory_space<hbm>>
      %dma_start3A_48 = tpu.memref_squeeze %dma_start3A_47 : memref<1x40x128xi32, #tpu.memory_space<hbm>> -> memref<40x128xi32, #tpu.memory_space<hbm>>
      %dma_start3A_49 = arith.constant 40 : i32
      %dma_start3A_50 = arith.constant 0 : i32
      %dma_start3A_51 = tpu.memref_slice %arg4[%add3A, %dma_start3A_49, %dma_start3A_50] : memref<32x80x128xi32, #tpu.memory_space<hbm>> -> memref<1x40x128xi32, #tpu.memory_space<hbm>>
      %dma_start3A_52 = tpu.memref_squeeze %dma_start3A_51 : memref<1x40x128xi32, #tpu.memory_space<hbm>> -> memref<40x128xi32, #tpu.memory_space<hbm>>
      tpu.enqueue_dma source(%dma_start3A_52 : memref<40x128xi32, #tpu.memory_space<hbm>>) target(%arg7 : memref<40x128xi32, #tpu.memory_space<vmem>>) target_semaphore(%run_scoped3A : memref<!tpu.dma_semaphore, #tpu.memory_space<semaphore_mem>>)
      %dma_wait3A = arith.constant 40 : i32
      %dma_wait3A_53 = arith.constant 0 : i32
      %dma_wait3A_54 = tpu.memref_slice %arg4[%add3A, %dma_wait3A, %dma_wait3A_53] : memref<32x80x128xi32, #tpu.memory_space<hbm>> -> memref<1x40x128xi32, #tpu.memory_space<hbm>>
      %dma_wait3A_55 = tpu.memref_squeeze %dma_wait3A_54 : memref<1x40x128xi32, #tpu.memory_space<hbm>> -> memref<40x128xi32, #tpu.memory_space<hbm>>
      %dma_wait3A_56 = arith.constant 40 : i32
      %dma_wait3A_57 = arith.constant 0 : i32
      %dma_wait3A_58 = tpu.memref_slice %arg4[%add3A, %dma_wait3A_56, %dma_wait3A_57] : memref<32x80x128xi32, #tpu.memory_space<hbm>> -> memref<1x40x128xi32, #tpu.memory_space<hbm>>
      %dma_wait3A_59 = tpu.memref_squeeze %dma_wait3A_58 : memref<1x40x128xi32, #tpu.memory_space<hbm>> -> memref<40x128xi32, #tpu.memory_space<hbm>>
      tpu.wait_dma2 semaphore(%run_scoped3A : memref<!tpu.dma_semaphore, #tpu.memory_space<semaphore_mem>>) src(%dma_wait3A_59 : memref<40x128xi32, #tpu.memory_space<hbm>>) dst(%arg7 : memref<40x128xi32, #tpu.memory_space<vmem>>)
      tpu.yield
    }) : () -> ()
    %dma_start3A_30 = arith.constant 0 : i32
    %dma_start3A_31 = arith.constant 0 : i32
    %dma_start3A_32 = tpu.memref_slice %arg6[%dma_start3A_30, %dma_start3A_31] : memref<40x128xi32, #tpu.memory_space<vmem>> -> memref<1x128xi32, #tpu.memory_space<vmem>>
    %dma_start3A_33 = tpu.memref_squeeze %dma_start3A_32 : memref<1x128xi32, #tpu.memory_space<vmem>> -> memref<128xi32, #tpu.memory_space<vmem>>
    %dma_start3A_34 = arith.constant 0 : i32
    %dma_start3A_35 = arith.constant 0 : i32
    %dma_start3A_36 = tpu.memref_slice %arg2[%dma_start3A_34, %dma_start3A_35] : memref<10000x128xf32, #tpu.memory_space<hbm>> -> memref<10000x128xf32, #tpu.memory_space<hbm>>
    tpu.enqueue_indirect_dma source(%dma_start3A_36 : memref<10000x128xf32, #tpu.memory_space<hbm>>) target(%arg8 : memref<128x128xf32, #tpu.memory_space<vmem>>) offsets(%dma_start3A_33 : memref<128xi32, #tpu.memory_space<vmem>>) semaphore(%arg11 : memref<!tpu.dma_semaphore, #tpu.memory_space<semaphore_mem>>)
    %scan3A_37 = arith.constant 0 : i32
    %scan3A_38 = arith.constant 0 : i32
    %scan3A_39 = arith.constant 20 : i32
    %scan3A_40 = arith.addi %scan3A_38, %scan3A_39 : i32
    %scan3A_41 = arith.constant 1 : i32
    %scan3A_42 = scf.for %scan3A_45 = %scan3A_38 to %scan3A_40 step %scan3A_41 iter_args(%scan3A_46 = %scan3A_37) -> (i32)  : i32 {
      %mul3A_47 = arith.constant 2 : i32
      %mul3A_48 = arith.muli %mul3A_47, %scan3A_45 : i32
      %add3A_49 = arith.constant 1 : i32
      %add3A_50 = arith.addi %mul3A_48, %add3A_49 : i32
      %dma_start3A_51 = arith.constant 0 : i32
      %dma_start3A_52 = tpu.memref_slice %arg6[%add3A_50, %dma_start3A_51] : memref<40x128xi32, #tpu.memory_space<vmem>> -> memref<1x128xi32, #tpu.memory_space<vmem>>
      %dma_start3A_53 = tpu.memref_squeeze %dma_start3A_52 : memref<1x128xi32, #tpu.memory_space<vmem>> -> memref<128xi32, #tpu.memory_space<vmem>>
      %dma_start3A_54 = arith.constant 0 : i32
      %dma_start3A_55 = arith.constant 0 : i32
      %dma_start3A_56 = tpu.memref_slice %arg2[%dma_start3A_54, %dma_start3A_55] : memref<10000x128xf32, #tpu.memory_space<hbm>> -> memref<10000x128xf32, #tpu.memory_space<hbm>>
      tpu.enqueue_indirect_dma source(%dma_start3A_56 : memref<10000x128xf32, #tpu.memory_space<hbm>>) target(%arg9 : memref<128x128xf32, #tpu.memory_space<vmem>>) offsets(%dma_start3A_53 : memref<128xi32, #tpu.memory_space<vmem>>) semaphore(%arg12 : memref<!tpu.dma_semaphore, #tpu.memory_space<semaphore_mem>>)
      %dma_wait3A = arith.constant 0 : i32
      %dma_wait3A_57 = tpu.memref_slice %arg6[%mul3A_48, %dma_wait3A] : memref<40x128xi32, #tpu.memory_space<vmem>> -> memref<1x128xi32, #tpu.memory_space<vmem>>
      %dma_wait3A_58 = tpu.memref_squeeze %dma_wait3A_57 : memref<1x128xi32, #tpu.memory_space<vmem>> -> memref<128xi32, #tpu.memory_space<vmem>>
      %dma_wait3A_59 = arith.constant 0 : i32
      %dma_wait3A_60 = arith.constant 0 : i32
      %dma_wait3A_61 = tpu.memref_slice %arg2[%dma_wait3A_59, %dma_wait3A_60] : memref<10000x128xf32, #tpu.memory_space<hbm>> -> memref<10000x128xf32, #tpu.memory_space<hbm>>
      tpu.wait_indirect_dma semaphore(%arg11 : memref<!tpu.dma_semaphore, #tpu.memory_space<semaphore_mem>>) src(%dma_wait3A_61 : memref<10000x128xf32, #tpu.memory_space<hbm>>) dst(%arg8 : memref<128x128xf32, #tpu.memory_space<vmem>>)
      "tpu.region"() ({
        %run_scoped3A = tpu.sem_alloc : memref<!tpu.dma_semaphore, #tpu.memory_space<semaphore_mem>>
        %dma_start3A_77 = arith.constant 0 : i32
        %dma_start3A_78 = tpu.memref_slice %arg7[%mul3A_48, %dma_start3A_77] : memref<40x128xi32, #tpu.memory_space<vmem>> -> memref<1x128xi32, #tpu.memory_space<vmem>>
        %dma_start3A_79 = tpu.memref_squeeze %dma_start3A_78 : memref<1x128xi32, #tpu.memory_space<vmem>> -> memref<128xi32, #tpu.memory_space<vmem>>
        %dma_start3A_80 = arith.constant 0 : i32
        %dma_start3A_81 = arith.constant 0 : i32
        %dma_start3A_82 = tpu.memref_slice %arg10[%dma_start3A_80, %dma_start3A_81] : memref<10240x128xf32, #tpu.memory_space<vmem_shared>> -> memref<10240x128xf32, #tpu.memory_space<vmem_shared>>
        tpu.enqueue_indirect_dma source(%arg8 : memref<128x128xf32, #tpu.memory_space<vmem>>) target(%dma_start3A_82 : memref<10240x128xf32, #tpu.memory_space<vmem_shared>>) offsets(%dma_start3A_79 : memref<128xi32, #tpu.memory_space<vmem>>) semaphore(%run_scoped3A : memref<!tpu.dma_semaphore, #tpu.memory_space<semaphore_mem>>) {add = true}
        %dma_wait3A_83 = arith.constant 0 : i32
        %dma_wait3A_84 = tpu.memref_slice %arg7[%mul3A_48, %dma_wait3A_83] : memref<40x128xi32, #tpu.memory_space<vmem>> -> memref<1x128xi32, #tpu.memory_space<vmem>>
        %dma_wait3A_85 = tpu.memref_squeeze %dma_wait3A_84 : memref<1x128xi32, #tpu.memory_space<vmem>> -> memref<128xi32, #tpu.memory_space<vmem>>
        %dma_wait3A_86 = arith.constant 0 : i32
        %dma_wait3A_87 = arith.constant 0 : i32
        %dma_wait3A_88 = tpu.memref_slice %arg10[%dma_wait3A_86, %dma_wait3A_87] : memref<10240x128xf32, #tpu.memory_space<vmem_shared>> -> memref<10240x128xf32, #tpu.memory_space<vmem_shared>>
        tpu.wait_indirect_dma semaphore(%run_scoped3A : memref<!tpu.dma_semaphore, #tpu.memory_space<semaphore_mem>>) src(%arg8 : memref<128x128xf32, #tpu.memory_space<vmem>>) dst(%dma_wait3A_88 : memref<10240x128xf32, #tpu.memory_space<vmem_shared>>)
        tpu.yield
      }) : () -> ()
      %add3A_62 = arith.constant 2 : i32
      %add3A_63 = arith.addi %mul3A_48, %add3A_62 : i32
      %lt3A = arith.constant 40 : i32
      %lt3A_64 = arith.cmpi slt, %add3A_63, %lt3A : i32
      %convert_element_type3A = arith.extui %lt3A_64 : i1 to i32
      %cond3A = arith.constant 0 : i32
      %cond3A_65 = arith.cmpi ne, %convert_element_type3A, %cond3A : i32
      scf.if %cond3A_65 {
        %add3A_77 = arith.constant 2 : i32
        %add3A_78 = arith.addi %mul3A_48, %add3A_77 : i32
        %dma_start3A_79 = arith.constant 0 : i32
        %dma_start3A_80 = tpu.memref_slice %arg6[%add3A_78, %dma_start3A_79] : memref<40x128xi32, #tpu.memory_space<vmem>> -> memref<1x128xi32, #tpu.memory_space<vmem>>
        %dma_start3A_81 = tpu.memref_squeeze %dma_start3A_80 : memref<1x128xi32, #tpu.memory_space<vmem>> -> memref<128xi32, #tpu.memory_space<vmem>>
        %dma_start3A_82 = arith.constant 0 : i32
        %dma_start3A_83 = arith.constant 0 : i32
        %dma_start3A_84 = tpu.memref_slice %arg2[%dma_start3A_82, %dma_start3A_83] : memref<10000x128xf32, #tpu.memory_space<hbm>> -> memref<10000x128xf32, #tpu.memory_space<hbm>>
        tpu.enqueue_indirect_dma source(%dma_start3A_84 : memref<10000x128xf32, #tpu.memory_space<hbm>>) target(%arg8 : memref<128x128xf32, #tpu.memory_space<vmem>>) offsets(%dma_start3A_81 : memref<128xi32, #tpu.memory_space<vmem>>) semaphore(%arg11 : memref<!tpu.dma_semaphore, #tpu.memory_space<semaphore_mem>>)
      } else {
      }
      %add3A_66 = arith.constant 1 : i32
      %add3A_67 = arith.addi %mul3A_48, %add3A_66 : i32
      %dma_wait3A_68 = arith.constant 0 : i32
      %dma_wait3A_69 = tpu.memref_slice %arg6[%add3A_67, %dma_wait3A_68] : memref<40x128xi32, #tpu.memory_space<vmem>> -> memref<1x128xi32, #tpu.memory_space<vmem>>
      %dma_wait3A_70 = tpu.memref_squeeze %dma_wait3A_69 : memref<1x128xi32, #tpu.memory_space<vmem>> -> memref<128xi32, #tpu.memory_space<vmem>>
      %dma_wait3A_71 = arith.constant 0 : i32
      %dma_wait3A_72 = arith.constant 0 : i32
      %dma_wait3A_73 = tpu.memref_slice %arg2[%dma_wait3A_71, %dma_wait3A_72] : memref<10000x128xf32, #tpu.memory_space<hbm>> -> memref<10000x128xf32, #tpu.memory_space<hbm>>
      tpu.wait_indirect_dma semaphore(%arg12 : memref<!tpu.dma_semaphore, #tpu.memory_space<semaphore_mem>>) src(%dma_wait3A_73 : memref<10000x128xf32, #tpu.memory_space<hbm>>) dst(%arg9 : memref<128x128xf32, #tpu.memory_space<vmem>>)
      %add3A_74 = arith.constant 1 : i32
      %add3A_75 = arith.addi %mul3A_48, %add3A_74 : i32
      "tpu.region"() ({
        %run_scoped3A = tpu.sem_alloc : memref<!tpu.dma_semaphore, #tpu.memory_space<semaphore_mem>>
        %dma_start3A_77 = arith.constant 0 : i32
        %dma_start3A_78 = tpu.memref_slice %arg7[%add3A_75, %dma_start3A_77] : memref<40x128xi32, #tpu.memory_space<vmem>> -> memref<1x128xi32, #tpu.memory_space<vmem>>
        %dma_start3A_79 = tpu.memref_squeeze %dma_start3A_78 : memref<1x128xi32, #tpu.memory_space<vmem>> -> memref<128xi32, #tpu.memory_space<vmem>>
        %dma_start3A_80 = arith.constant 0 : i32
        %dma_start3A_81 = arith.constant 0 : i32
        %dma_start3A_82 = tpu.memref_slice %arg10[%dma_start3A_80, %dma_start3A_81] : memref<10240x128xf32, #tpu.memory_space<vmem_shared>> -> memref<10240x128xf32, #tpu.memory_space<vmem_shared>>
        tpu.enqueue_indirect_dma source(%arg9 : memref<128x128xf32, #tpu.memory_space<vmem>>) target(%dma_start3A_82 : memref<10240x128xf32, #tpu.memory_space<vmem_shared>>) offsets(%dma_start3A_79 : memref<128xi32, #tpu.memory_space<vmem>>) semaphore(%run_scoped3A : memref<!tpu.dma_semaphore, #tpu.memory_space<semaphore_mem>>) {add = true}
        %dma_wait3A_83 = arith.constant 0 : i32
        %dma_wait3A_84 = tpu.memref_slice %arg7[%add3A_75, %dma_wait3A_83] : memref<40x128xi32, #tpu.memory_space<vmem>> -> memref<1x128xi32, #tpu.memory_space<vmem>>
        %dma_wait3A_85 = tpu.memref_squeeze %dma_wait3A_84 : memref<1x128xi32, #tpu.memory_space<vmem>> -> memref<128xi32, #tpu.memory_space<vmem>>
        %dma_wait3A_86 = arith.constant 0 : i32
        %dma_wait3A_87 = arith.constant 0 : i32
        %dma_wait3A_88 = tpu.memref_slice %arg10[%dma_wait3A_86, %dma_wait3A_87] : memref<10240x128xf32, #tpu.memory_space<vmem_shared>> -> memref<10240x128xf32, #tpu.memory_space<vmem_shared>>
        tpu.wait_indirect_dma semaphore(%run_scoped3A : memref<!tpu.dma_semaphore, #tpu.memory_space<semaphore_mem>>) src(%arg9 : memref<128x128xf32, #tpu.memory_space<vmem>>) dst(%dma_wait3A_88 : memref<10240x128xf32, #tpu.memory_space<vmem_shared>>)
        tpu.yield
      }) : () -> ()
      %scan3A_76 = arith.constant 0 : i32
      scf.yield %scan3A_76 : i32
    }
    %scan3A_43 = arith.constant 20 : i32
    %barrier3A_44 = arith.constant 0 : index
    tpu.barrier barrier_id(%barrier3A_44)
    "tpu.region"() ({
      %run_scoped3A = tpu.sem_alloc : memref<!tpu.dma_semaphore, #tpu.memory_space<semaphore_mem>>
      %dma_start3A_45 = arith.constant 0 : i32
      %dma_start3A_46 = tpu.memref_slice %arg5[%arg0, %mul3A_2, %dma_start3A_45] : memref<2x10240x128xf32, #tpu.memory_space<hbm>> -> memref<1x640x128xf32, #tpu.memory_space<hbm>>
      %dma_start3A_47 = tpu.memref_squeeze %dma_start3A_46 : memref<1x640x128xf32, #tpu.memory_space<hbm>> -> memref<640x128xf32, #tpu.memory_space<hbm>>
      %dma_start3A_48 = arith.constant 0 : i32
      %dma_start3A_49 = tpu.memref_slice %arg10[%mul3A_2, %dma_start3A_48] : memref<10240x128xf32, #tpu.memory_space<vmem_shared>> -> memref<640x128xf32, #tpu.memory_space<vmem_shared>>
      tpu.enqueue_dma source(%dma_start3A_49 : memref<640x128xf32, #tpu.memory_space<vmem_shared>>) target(%dma_start3A_47 : memref<640x128xf32, #tpu.memory_space<hbm>>) target_semaphore(%run_scoped3A : memref<!tpu.dma_semaphore, #tpu.memory_space<semaphore_mem>>)
      %dma_wait3A = arith.constant 0 : i32
      %dma_wait3A_50 = tpu.memref_slice %arg5[%arg0, %mul3A_2, %dma_wait3A] : memref<2x10240x128xf32, #tpu.memory_space<hbm>> -> memref<1x640x128xf32, #tpu.memory_space<hbm>>
      %dma_wait3A_51 = tpu.memref_squeeze %dma_wait3A_50 : memref<1x640x128xf32, #tpu.memory_space<hbm>> -> memref<640x128xf32, #tpu.memory_space<hbm>>
      %dma_wait3A_52 = arith.constant 0 : i32
      %dma_wait3A_53 = tpu.memref_slice %arg10[%mul3A_2, %dma_wait3A_52] : memref<10240x128xf32, #tpu.memory_space<vmem_shared>> -> memref<640x128xf32, #tpu.memory_space<vmem_shared>>
      tpu.wait_dma2 semaphore(%run_scoped3A : memref<!tpu.dma_semaphore, #tpu.memory_space<semaphore_mem>>) src(%dma_wait3A_53 : memref<640x128xf32, #tpu.memory_space<vmem_shared>>) dst(%dma_wait3A_51 : memref<640x128xf32, #tpu.memory_space<hbm>>)
      tpu.yield
    }) : () -> ()
    return
  }
}

#map = affine_map<(d0, d1) -> (0, 0)>
#map1 = affine_map<(d0, d1) -> (0, 0, 0)>
module attributes {stable_mosaic.version = 14 : i64} {
  func.func @_sc_sum_body(%arg0: i32, %arg1: i32, %arg2: memref<10000x128xf32, #tpu.memory_space<hbm>>, %arg3: memref<32x80x128xi32, #tpu.memory_space<hbm>>, %arg4: memref<32x80x128xi32, #tpu.memory_space<hbm>>, %arg5: memref<2x10240x128xf32, #tpu.memory_space<hbm>>, %arg6: memref<40x128xi32, #tpu.memory_space<vmem>>, %arg7: memref<40x128xi32, #tpu.memory_space<vmem>>, %arg8: memref<128x128xf32, #tpu.memory_space<vmem>>, %arg9: memref<128x128xf32, #tpu.memory_space<vmem>>, %arg10: memref<10240x128xf32, #tpu.memory_space<vmem_shared>>, %arg11: memref<!tpu.dma_semaphore, #tpu.memory_space<semaphore_mem>>, %arg12: memref<!tpu.dma_semaphore, #tpu.memory_space<semaphore_mem>>) attributes {dimension_semantics = [#tpu.dimension_semantics<core_parallel>, #tpu.dimension_semantics<subcore_parallel>], iteration_bounds = array<i64: 2, 16>, scalar_prefetch = 0 : i64, scratch_operands = 7 : i64, tpu.core_type = #tpu.core_type<sc_vector_subcore>, window_params = [{transform_indices = #map}, {transform_indices = #map1}, {transform_indices = #map1}, {transform_indices = #map1}]} {
    %mul3A = arith.constant 16 : i32
    %mul3A_0 = arith.muli %arg0, %mul3A : i32
    %add3A = arith.addi %mul3A_0, %arg1 : i32
    %mul3A_1 = arith.constant 640 : i32
    %mul3A_2 = arith.muli %arg1, %mul3A_1 : i32
    %broadcast_in_dim3A = arith.constant 0.000000e+00 : f32
    %broadcast_in_dim3A_3 = vector.broadcast %broadcast_in_dim3A : f32 to vector<16xf32>
    %scan3A = arith.constant 0 : i32
    %scan3A_4 = arith.constant 0 : i32
    %scan3A_5 = arith.constant 256 : i32
    %scan3A_6 = arith.addi %scan3A_4, %scan3A_5 : i32
    %scan3A_7 = arith.constant 1 : i32
    %scan3A_8 = scf.for %scan3A_45 = %scan3A_4 to %scan3A_6 step %scan3A_7 iter_args(%scan3A_46 = %scan3A) -> (i32)  : i32 {
      %jit3A = arith.constant 8 : i32
      %div3A = arith.divsi %scan3A_45, %jit3A : i32
      %sign3A = arith.constant 0 : i32
      %sign3A_47 = arith.cmpi sgt, %scan3A_45, %sign3A : i32
      %sign3A_48 = arith.extui %sign3A_47 : i1 to i32
      %sign3A_49 = arith.constant 0 : i32
      %sign3A_50 = arith.cmpi slt, %scan3A_45, %sign3A_49 : i32
      %sign3A_51 = arith.extui %sign3A_50 : i1 to i32
      %sign3A_52 = arith.subi %sign3A_48, %sign3A_51 : i32
      %sign3A_53 = arith.constant 0 : i32
      %sign3A_54 = arith.cmpi sgt, %jit3A, %sign3A_53 : i32
      %sign3A_55 = arith.extui %sign3A_54 : i1 to i32
      %sign3A_56 = arith.constant 0 : i32
      %sign3A_57 = arith.cmpi slt, %jit3A, %sign3A_56 : i32
      %sign3A_58 = arith.extui %sign3A_57 : i1 to i32
      %sign3A_59 = arith.subi %sign3A_55, %sign3A_58 : i32
      %ne3A = arith.cmpi ne, %sign3A_52, %sign3A_59 : i32
      %rem3A = arith.remsi %scan3A_45, %jit3A : i32
      %ne3A_60 = arith.constant 0 : i32
      %ne3A_61 = arith.cmpi ne, %rem3A, %ne3A_60 : i32
      %and3A = arith.andi %ne3A, %ne3A_61 : i1
      %sub3A = arith.constant 1 : i32
      %sub3A_62 = arith.subi %div3A, %sub3A : i32
      %select_n3A = arith.select %and3A, %sub3A_62, %div3A : i32
      %jit3A_63 = arith.constant 8 : i32
      %eq3A = arith.constant 0 : i32
      %eq3A_64 = arith.cmpi eq, %jit3A_63, %eq3A : i32
      %jit3A_65 = arith.constant 1 : i32
      %select_n3A_66 = arith.select %eq3A_64, %jit3A_65, %jit3A_63 : i32
      %rem3A_67 = arith.remsi %scan3A_45, %select_n3A_66 : i32
      %ne3A_68 = arith.constant 0 : i32
      %ne3A_69 = arith.cmpi ne, %rem3A_67, %ne3A_68 : i32
      %lt3A = arith.constant 0 : i32
      %lt3A_70 = arith.cmpi slt, %rem3A_67, %lt3A : i32
      %lt3A_71 = arith.constant 0 : i32
      %lt3A_72 = arith.cmpi slt, %select_n3A_66, %lt3A_71 : i32
      %ne3A_73 = arith.xori %lt3A_70, %lt3A_72 : i1
      %and3A_74 = arith.andi %ne3A_73, %ne3A_69 : i1
      %add3A_75 = arith.addi %rem3A_67, %select_n3A_66 : i32
      %select_n3A_76 = arith.select %and3A_74, %add3A_75, %rem3A_67 : i32
      %mul3A_77 = arith.constant 16 : i32
      %mul3A_78 = arith.muli %select_n3A_76, %mul3A_77 : i32
      %swap3A = arith.index_cast %select_n3A : i32 to index
      %swap3A_79 = arith.index_cast %mul3A_78 : i32 to index
      %swap3A_80 = tpu.vector_load %arg8[%swap3A, %swap3A_79] {strides = array<i32>} : memref<128x128xf32, #tpu.memory_space<vmem>>, vector<1x16xf32>,
      %swap3A_81 = vector.shape_cast %swap3A_80 : vector<1x16xf32> to vector<16xf32>
      %swap3A_82 = vector.shape_cast %broadcast_in_dim3A_3 : vector<16xf32> to vector<1x16xf32>
      tpu.vector_store %arg8[%swap3A, %swap3A_79], %swap3A_82 {strides = array<i32>} : memref<128x128xf32, #tpu.memory_space<vmem>>, vector<1x16xf32>,
      %scan3A_83 = arith.constant 0 : i32
      scf.yield %scan3A_83 : i32
    }
    %scan3A_9 = arith.constant 256 : i32
    %scan3A_10 = arith.constant 0 : i32
    %scan3A_11 = arith.constant 0 : i32
    %scan3A_12 = arith.constant 20 : i32
    %scan3A_13 = arith.addi %scan3A_11, %scan3A_12 : i32
    %scan3A_14 = arith.constant 1 : i32
    %scan3A_15 = scf.for %scan3A_45 = %scan3A_11 to %scan3A_13 step %scan3A_14 iter_args(%scan3A_46 = %scan3A_10) -> (i32)  : i32 {
      %mul3A_47 = arith.constant 32 : i32
      %mul3A_48 = arith.muli %scan3A_45, %mul3A_47 : i32
      %add3A_49 = arith.addi %mul3A_2, %mul3A_48 : i32
      "tpu.region"() ({
        %run_scoped3A = tpu.sem_alloc : memref<!tpu.dma_semaphore, #tpu.memory_space<semaphore_mem>>
        %dma_start3A_51 = arith.constant 0 : i32
        %dma_start3A_52 = arith.constant 0 : i32
        %dma_start3A_53 = tpu.memref_slice %arg8[%dma_start3A_51, %dma_start3A_52] : memref<128x128xf32, #tpu.memory_space<vmem>> -> memref<32x128xf32, #tpu.memory_space<vmem>>
        %dma_start3A_54 = arith.constant 0 : i32
        %dma_start3A_55 = tpu.memref_slice %arg10[%add3A_49, %dma_start3A_54] : memref<10240x128xf32, #tpu.memory_space<vmem_shared>> -> memref<32x128xf32, #tpu.memory_space<vmem_shared>>
        %dma_start3A_56 = arith.constant 0 : i32
        %dma_start3A_57 = tpu.memref_slice %arg10[%add3A_49, %dma_start3A_56] : memref<10240x128xf32, #tpu.memory_space<vmem_shared>> -> memref<32x128xf32, #tpu.memory_space<vmem_shared>>
        %dma_start3A_58 = arith.constant 0 : i32
        %dma_start3A_59 = arith.constant 0 : i32
        %dma_start3A_60 = tpu.memref_slice %arg8[%dma_start3A_58, %dma_start3A_59] : memref<128x128xf32, #tpu.memory_space<vmem>> -> memref<32x128xf32, #tpu.memory_space<vmem>>
        tpu.enqueue_dma source(%dma_start3A_60 : memref<32x128xf32, #tpu.memory_space<vmem>>) target(%dma_start3A_57 : memref<32x128xf32, #tpu.memory_space<vmem_shared>>) target_semaphore(%run_scoped3A : memref<!tpu.dma_semaphore, #tpu.memory_space<semaphore_mem>>)
        %dma_wait3A = arith.constant 0 : i32
        %dma_wait3A_61 = arith.constant 0 : i32
        %dma_wait3A_62 = tpu.memref_slice %arg8[%dma_wait3A, %dma_wait3A_61] : memref<128x128xf32, #tpu.memory_space<vmem>> -> memref<32x128xf32, #tpu.memory_space<vmem>>
        %dma_wait3A_63 = arith.constant 0 : i32
        %dma_wait3A_64 = tpu.memref_slice %arg10[%add3A_49, %dma_wait3A_63] : memref<10240x128xf32, #tpu.memory_space<vmem_shared>> -> memref<32x128xf32, #tpu.memory_space<vmem_shared>>
        %dma_wait3A_65 = arith.constant 0 : i32
        %dma_wait3A_66 = tpu.memref_slice %arg10[%add3A_49, %dma_wait3A_65] : memref<10240x128xf32, #tpu.memory_space<vmem_shared>> -> memref<32x128xf32, #tpu.memory_space<vmem_shared>>
        %dma_wait3A_67 = arith.constant 0 : i32
        %dma_wait3A_68 = arith.constant 0 : i32
        %dma_wait3A_69 = tpu.memref_slice %arg8[%dma_wait3A_67, %dma_wait3A_68] : memref<128x128xf32, #tpu.memory_space<vmem>> -> memref<32x128xf32, #tpu.memory_space<vmem>>
        tpu.wait_dma2 semaphore(%run_scoped3A : memref<!tpu.dma_semaphore, #tpu.memory_space<semaphore_mem>>) src(%dma_wait3A_69 : memref<32x128xf32, #tpu.memory_space<vmem>>) dst(%dma_wait3A_66 : memref<32x128xf32, #tpu.memory_space<vmem_shared>>)
        tpu.yield
      }) : () -> ()
      %scan3A_50 = arith.constant 0 : i32
      scf.yield %scan3A_50 : i32
    }
    %scan3A_16 = arith.constant 20 : i32
    %barrier3A = arith.constant 0 : index
    tpu.barrier barrier_id(%barrier3A)
    "tpu.region"() ({
      %run_scoped3A = tpu.sem_alloc : memref<!tpu.dma_semaphore, #tpu.memory_space<semaphore_mem>>
      %dma_start3A_45 = arith.constant 0 : i32
      %dma_start3A_46 = arith.constant 0 : i32
      %dma_start3A_47 = tpu.memref_slice %arg3[%add3A, %dma_start3A_45, %dma_start3A_46] : memref<32x80x128xi32, #tpu.memory_space<hbm>> -> memref<1x40x128xi32, #tpu.memory_space<hbm>>
      %dma_start3A_48 = tpu.memref_squeeze %dma_start3A_47 : memref<1x40x128xi32, #tpu.memory_space<hbm>> -> memref<40x128xi32, #tpu.memory_space<hbm>>
      %dma_start3A_49 = arith.constant 0 : i32
      %dma_start3A_50 = arith.constant 0 : i32
      %dma_start3A_51 = tpu.memref_slice %arg3[%add3A, %dma_start3A_49, %dma_start3A_50] : memref<32x80x128xi32, #tpu.memory_space<hbm>> -> memref<1x40x128xi32, #tpu.memory_space<hbm>>
      %dma_start3A_52 = tpu.memref_squeeze %dma_start3A_51 : memref<1x40x128xi32, #tpu.memory_space<hbm>> -> memref<40x128xi32, #tpu.memory_space<hbm>>
      tpu.enqueue_dma source(%dma_start3A_52 : memref<40x128xi32, #tpu.memory_space<hbm>>) target(%arg6 : memref<40x128xi32, #tpu.memory_space<vmem>>) target_semaphore(%run_scoped3A : memref<!tpu.dma_semaphore, #tpu.memory_space<semaphore_mem>>)
      %dma_wait3A = arith.constant 0 : i32
      %dma_wait3A_53 = arith.constant 0 : i32
      %dma_wait3A_54 = tpu.memref_slice %arg3[%add3A, %dma_wait3A, %dma_wait3A_53] : memref<32x80x128xi32, #tpu.memory_space<hbm>> -> memref<1x40x128xi32, #tpu.memory_space<hbm>>
      %dma_wait3A_55 = tpu.memref_squeeze %dma_wait3A_54 : memref<1x40x128xi32, #tpu.memory_space<hbm>> -> memref<40x128xi32, #tpu.memory_space<hbm>>
      %dma_wait3A_56 = arith.constant 0 : i32
      %dma_wait3A_57 = arith.constant 0 : i32
      %dma_wait3A_58 = tpu.memref_slice %arg3[%add3A, %dma_wait3A_56, %dma_wait3A_57] : memref<32x80x128xi32, #tpu.memory_space<hbm>> -> memref<1x40x128xi32, #tpu.memory_space<hbm>>
      %dma_wait3A_59 = tpu.memref_squeeze %dma_wait3A_58 : memref<1x40x128xi32, #tpu.memory_space<hbm>> -> memref<40x128xi32, #tpu.memory_space<hbm>>
      tpu.wait_dma2 semaphore(%run_scoped3A : memref<!tpu.dma_semaphore, #tpu.memory_space<semaphore_mem>>) src(%dma_wait3A_59 : memref<40x128xi32, #tpu.memory_space<hbm>>) dst(%arg6 : memref<40x128xi32, #tpu.memory_space<vmem>>)
      tpu.yield
    }) : () -> ()
    "tpu.region"() ({
      %run_scoped3A = tpu.sem_alloc : memref<!tpu.dma_semaphore, #tpu.memory_space<semaphore_mem>>
      %dma_start3A_45 = arith.constant 0 : i32
      %dma_start3A_46 = arith.constant 0 : i32
      %dma_start3A_47 = tpu.memref_slice %arg4[%add3A, %dma_start3A_45, %dma_start3A_46] : memref<32x80x128xi32, #tpu.memory_space<hbm>> -> memref<1x40x128xi32, #tpu.memory_space<hbm>>
      %dma_start3A_48 = tpu.memref_squeeze %dma_start3A_47 : memref<1x40x128xi32, #tpu.memory_space<hbm>> -> memref<40x128xi32, #tpu.memory_space<hbm>>
      %dma_start3A_49 = arith.constant 0 : i32
      %dma_start3A_50 = arith.constant 0 : i32
      %dma_start3A_51 = tpu.memref_slice %arg4[%add3A, %dma_start3A_49, %dma_start3A_50] : memref<32x80x128xi32, #tpu.memory_space<hbm>> -> memref<1x40x128xi32, #tpu.memory_space<hbm>>
      %dma_start3A_52 = tpu.memref_squeeze %dma_start3A_51 : memref<1x40x128xi32, #tpu.memory_space<hbm>> -> memref<40x128xi32, #tpu.memory_space<hbm>>
      tpu.enqueue_dma source(%dma_start3A_52 : memref<40x128xi32, #tpu.memory_space<hbm>>) target(%arg7 : memref<40x128xi32, #tpu.memory_space<vmem>>) target_semaphore(%run_scoped3A : memref<!tpu.dma_semaphore, #tpu.memory_space<semaphore_mem>>)
      %dma_wait3A = arith.constant 0 : i32
      %dma_wait3A_53 = arith.constant 0 : i32
      %dma_wait3A_54 = tpu.memref_slice %arg4[%add3A, %dma_wait3A, %dma_wait3A_53] : memref<32x80x128xi32, #tpu.memory_space<hbm>> -> memref<1x40x128xi32, #tpu.memory_space<hbm>>
      %dma_wait3A_55 = tpu.memref_squeeze %dma_wait3A_54 : memref<1x40x128xi32, #tpu.memory_space<hbm>> -> memref<40x128xi32, #tpu.memory_space<hbm>>
      %dma_wait3A_56 = arith.constant 0 : i32
      %dma_wait3A_57 = arith.constant 0 : i32
      %dma_wait3A_58 = tpu.memref_slice %arg4[%add3A, %dma_wait3A_56, %dma_wait3A_57] : memref<32x80x128xi32, #tpu.memory_space<hbm>> -> memref<1x40x128xi32, #tpu.memory_space<hbm>>
      %dma_wait3A_59 = tpu.memref_squeeze %dma_wait3A_58 : memref<1x40x128xi32, #tpu.memory_space<hbm>> -> memref<40x128xi32, #tpu.memory_space<hbm>>
      tpu.wait_dma2 semaphore(%run_scoped3A : memref<!tpu.dma_semaphore, #tpu.memory_space<semaphore_mem>>) src(%dma_wait3A_59 : memref<40x128xi32, #tpu.memory_space<hbm>>) dst(%arg7 : memref<40x128xi32, #tpu.memory_space<vmem>>)
      tpu.yield
    }) : () -> ()
    %dma_start3A = arith.constant 0 : i32
    %dma_start3A_17 = arith.constant 0 : i32
    %dma_start3A_18 = tpu.memref_slice %arg6[%dma_start3A, %dma_start3A_17] : memref<40x128xi32, #tpu.memory_space<vmem>> -> memref<1x128xi32, #tpu.memory_space<vmem>>
    %dma_start3A_19 = tpu.memref_squeeze %dma_start3A_18 : memref<1x128xi32, #tpu.memory_space<vmem>> -> memref<128xi32, #tpu.memory_space<vmem>>
    %dma_start3A_20 = arith.constant 0 : i32
    %dma_start3A_21 = arith.constant 0 : i32
    %dma_start3A_22 = tpu.memref_slice %arg2[%dma_start3A_20, %dma_start3A_21] : memref<10000x128xf32, #tpu.memory_space<hbm>> -> memref<10000x128xf32, #tpu.memory_space<hbm>>
    tpu.enqueue_indirect_dma source(%dma_start3A_22 : memref<10000x128xf32, #tpu.memory_space<hbm>>) target(%arg8 : memref<128x128xf32, #tpu.memory_space<vmem>>) offsets(%dma_start3A_19 : memref<128xi32, #tpu.memory_space<vmem>>) semaphore(%arg11 : memref<!tpu.dma_semaphore, #tpu.memory_space<semaphore_mem>>)
    %scan3A_23 = arith.constant 0 : i32
    %scan3A_24 = arith.constant 0 : i32
    %scan3A_25 = arith.constant 20 : i32
    %scan3A_26 = arith.addi %scan3A_24, %scan3A_25 : i32
    %scan3A_27 = arith.constant 1 : i32
    %scan3A_28 = scf.for %scan3A_45 = %scan3A_24 to %scan3A_26 step %scan3A_27 iter_args(%scan3A_46 = %scan3A_23) -> (i32)  : i32 {
      %mul3A_47 = arith.constant 2 : i32
      %mul3A_48 = arith.muli %mul3A_47, %scan3A_45 : i32
      %add3A_49 = arith.constant 1 : i32
      %add3A_50 = arith.addi %mul3A_48, %add3A_49 : i32
      %dma_start3A_51 = arith.constant 0 : i32
      %dma_start3A_52 = tpu.memref_slice %arg6[%add3A_50, %dma_start3A_51] : memref<40x128xi32, #tpu.memory_space<vmem>> -> memref<1x128xi32, #tpu.memory_space<vmem>>
      %dma_start3A_53 = tpu.memref_squeeze %dma_start3A_52 : memref<1x128xi32, #tpu.memory_space<vmem>> -> memref<128xi32, #tpu.memory_space<vmem>>
      %dma_start3A_54 = arith.constant 0 : i32
      %dma_start3A_55 = arith.constant 0 : i32
      %dma_start3A_56 = tpu.memref_slice %arg2[%dma_start3A_54, %dma_start3A_55] : memref<10000x128xf32, #tpu.memory_space<hbm>> -> memref<10000x128xf32, #tpu.memory_space<hbm>>
      tpu.enqueue_indirect_dma source(%dma_start3A_56 : memref<10000x128xf32, #tpu.memory_space<hbm>>) target(%arg9 : memref<128x128xf32, #tpu.memory_space<vmem>>) offsets(%dma_start3A_53 : memref<128xi32, #tpu.memory_space<vmem>>) semaphore(%arg12 : memref<!tpu.dma_semaphore, #tpu.memory_space<semaphore_mem>>)
      %dma_wait3A = arith.constant 0 : i32
      %dma_wait3A_57 = tpu.memref_slice %arg6[%mul3A_48, %dma_wait3A] : memref<40x128xi32, #tpu.memory_space<vmem>> -> memref<1x128xi32, #tpu.memory_space<vmem>>
      %dma_wait3A_58 = tpu.memref_squeeze %dma_wait3A_57 : memref<1x128xi32, #tpu.memory_space<vmem>> -> memref<128xi32, #tpu.memory_space<vmem>>
      %dma_wait3A_59 = arith.constant 0 : i32
      %dma_wait3A_60 = arith.constant 0 : i32
      %dma_wait3A_61 = tpu.memref_slice %arg2[%dma_wait3A_59, %dma_wait3A_60] : memref<10000x128xf32, #tpu.memory_space<hbm>> -> memref<10000x128xf32, #tpu.memory_space<hbm>>
      tpu.wait_indirect_dma semaphore(%arg11 : memref<!tpu.dma_semaphore, #tpu.memory_space<semaphore_mem>>) src(%dma_wait3A_61 : memref<10000x128xf32, #tpu.memory_space<hbm>>) dst(%arg8 : memref<128x128xf32, #tpu.memory_space<vmem>>)
      "tpu.region"() ({
        %run_scoped3A = tpu.sem_alloc : memref<!tpu.dma_semaphore, #tpu.memory_space<semaphore_mem>>
        %dma_start3A_77 = arith.constant 0 : i32
        %dma_start3A_78 = tpu.memref_slice %arg7[%mul3A_48, %dma_start3A_77] : memref<40x128xi32, #tpu.memory_space<vmem>> -> memref<1x128xi32, #tpu.memory_space<vmem>>
        %dma_start3A_79 = tpu.memref_squeeze %dma_start3A_78 : memref<1x128xi32, #tpu.memory_space<vmem>> -> memref<128xi32, #tpu.memory_space<vmem>>
        %dma_start3A_80 = arith.constant 0 : i32
        %dma_start3A_81 = arith.constant 0 : i32
        %dma_start3A_82 = tpu.memref_slice %arg10[%dma_start3A_80, %dma_start3A_81] : memref<10240x128xf32, #tpu.memory_space<vmem_shared>> -> memref<10240x128xf32, #tpu.memory_space<vmem_shared>>
        tpu.enqueue_indirect_dma source(%arg8 : memref<128x128xf32, #tpu.memory_space<vmem>>) target(%dma_start3A_82 : memref<10240x128xf32, #tpu.memory_space<vmem_shared>>) offsets(%dma_start3A_79 : memref<128xi32, #tpu.memory_space<vmem>>) semaphore(%run_scoped3A : memref<!tpu.dma_semaphore, #tpu.memory_space<semaphore_mem>>) {add = true}
        %dma_wait3A_83 = arith.constant 0 : i32
        %dma_wait3A_84 = tpu.memref_slice %arg7[%mul3A_48, %dma_wait3A_83] : memref<40x128xi32, #tpu.memory_space<vmem>> -> memref<1x128xi32, #tpu.memory_space<vmem>>
        %dma_wait3A_85 = tpu.memref_squeeze %dma_wait3A_84 : memref<1x128xi32, #tpu.memory_space<vmem>> -> memref<128xi32, #tpu.memory_space<vmem>>
        %dma_wait3A_86 = arith.constant 0 : i32
        %dma_wait3A_87 = arith.constant 0 : i32
        %dma_wait3A_88 = tpu.memref_slice %arg10[%dma_wait3A_86, %dma_wait3A_87] : memref<10240x128xf32, #tpu.memory_space<vmem_shared>> -> memref<10240x128xf32, #tpu.memory_space<vmem_shared>>
        tpu.wait_indirect_dma semaphore(%run_scoped3A : memref<!tpu.dma_semaphore, #tpu.memory_space<semaphore_mem>>) src(%arg8 : memref<128x128xf32, #tpu.memory_space<vmem>>) dst(%dma_wait3A_88 : memref<10240x128xf32, #tpu.memory_space<vmem_shared>>)
        tpu.yield
      }) : () -> ()
      %add3A_62 = arith.constant 2 : i32
      %add3A_63 = arith.addi %mul3A_48, %add3A_62 : i32
      %lt3A = arith.constant 40 : i32
      %lt3A_64 = arith.cmpi slt, %add3A_63, %lt3A : i32
      %convert_element_type3A = arith.extui %lt3A_64 : i1 to i32
      %cond3A = arith.constant 0 : i32
      %cond3A_65 = arith.cmpi ne, %convert_element_type3A, %cond3A : i32
      scf.if %cond3A_65 {
        %add3A_77 = arith.constant 2 : i32
        %add3A_78 = arith.addi %mul3A_48, %add3A_77 : i32
        %dma_start3A_79 = arith.constant 0 : i32
        %dma_start3A_80 = tpu.memref_slice %arg6[%add3A_78, %dma_start3A_79] : memref<40x128xi32, #tpu.memory_space<vmem>> -> memref<1x128xi32, #tpu.memory_space<vmem>>
        %dma_start3A_81 = tpu.memref_squeeze %dma_start3A_80 : memref<1x128xi32, #tpu.memory_space<vmem>> -> memref<128xi32, #tpu.memory_space<vmem>>
        %dma_start3A_82 = arith.constant 0 : i32
        %dma_start3A_83 = arith.constant 0 : i32
        %dma_start3A_84 = tpu.memref_slice %arg2[%dma_start3A_82, %dma_start3A_83] : memref<10000x128xf32, #tpu.memory_space<hbm>> -> memref<10000x128xf32, #tpu.memory_space<hbm>>
        tpu.enqueue_indirect_dma source(%dma_start3A_84 : memref<10000x128xf32, #tpu.memory_space<hbm>>) target(%arg8 : memref<128x128xf32, #tpu.memory_space<vmem>>) offsets(%dma_start3A_81 : memref<128xi32, #tpu.memory_space<vmem>>) semaphore(%arg11 : memref<!tpu.dma_semaphore, #tpu.memory_space<semaphore_mem>>)
      } else {
      }
      %add3A_66 = arith.constant 1 : i32
      %add3A_67 = arith.addi %mul3A_48, %add3A_66 : i32
      %dma_wait3A_68 = arith.constant 0 : i32
      %dma_wait3A_69 = tpu.memref_slice %arg6[%add3A_67, %dma_wait3A_68] : memref<40x128xi32, #tpu.memory_space<vmem>> -> memref<1x128xi32, #tpu.memory_space<vmem>>
      %dma_wait3A_70 = tpu.memref_squeeze %dma_wait3A_69 : memref<1x128xi32, #tpu.memory_space<vmem>> -> memref<128xi32, #tpu.memory_space<vmem>>
      %dma_wait3A_71 = arith.constant 0 : i32
      %dma_wait3A_72 = arith.constant 0 : i32
      %dma_wait3A_73 = tpu.memref_slice %arg2[%dma_wait3A_71, %dma_wait3A_72] : memref<10000x128xf32, #tpu.memory_space<hbm>> -> memref<10000x128xf32, #tpu.memory_space<hbm>>
      tpu.wait_indirect_dma semaphore(%arg12 : memref<!tpu.dma_semaphore, #tpu.memory_space<semaphore_mem>>) src(%dma_wait3A_73 : memref<10000x128xf32, #tpu.memory_space<hbm>>) dst(%arg9 : memref<128x128xf32, #tpu.memory_space<vmem>>)
      %add3A_74 = arith.constant 1 : i32
      %add3A_75 = arith.addi %mul3A_48, %add3A_74 : i32
      "tpu.region"() ({
        %run_scoped3A = tpu.sem_alloc : memref<!tpu.dma_semaphore, #tpu.memory_space<semaphore_mem>>
        %dma_start3A_77 = arith.constant 0 : i32
        %dma_start3A_78 = tpu.memref_slice %arg7[%add3A_75, %dma_start3A_77] : memref<40x128xi32, #tpu.memory_space<vmem>> -> memref<1x128xi32, #tpu.memory_space<vmem>>
        %dma_start3A_79 = tpu.memref_squeeze %dma_start3A_78 : memref<1x128xi32, #tpu.memory_space<vmem>> -> memref<128xi32, #tpu.memory_space<vmem>>
        %dma_start3A_80 = arith.constant 0 : i32
        %dma_start3A_81 = arith.constant 0 : i32
        %dma_start3A_82 = tpu.memref_slice %arg10[%dma_start3A_80, %dma_start3A_81] : memref<10240x128xf32, #tpu.memory_space<vmem_shared>> -> memref<10240x128xf32, #tpu.memory_space<vmem_shared>>
        tpu.enqueue_indirect_dma source(%arg9 : memref<128x128xf32, #tpu.memory_space<vmem>>) target(%dma_start3A_82 : memref<10240x128xf32, #tpu.memory_space<vmem_shared>>) offsets(%dma_start3A_79 : memref<128xi32, #tpu.memory_space<vmem>>) semaphore(%run_scoped3A : memref<!tpu.dma_semaphore, #tpu.memory_space<semaphore_mem>>) {add = true}
        %dma_wait3A_83 = arith.constant 0 : i32
        %dma_wait3A_84 = tpu.memref_slice %arg7[%add3A_75, %dma_wait3A_83] : memref<40x128xi32, #tpu.memory_space<vmem>> -> memref<1x128xi32, #tpu.memory_space<vmem>>
        %dma_wait3A_85 = tpu.memref_squeeze %dma_wait3A_84 : memref<1x128xi32, #tpu.memory_space<vmem>> -> memref<128xi32, #tpu.memory_space<vmem>>
        %dma_wait3A_86 = arith.constant 0 : i32
        %dma_wait3A_87 = arith.constant 0 : i32
        %dma_wait3A_88 = tpu.memref_slice %arg10[%dma_wait3A_86, %dma_wait3A_87] : memref<10240x128xf32, #tpu.memory_space<vmem_shared>> -> memref<10240x128xf32, #tpu.memory_space<vmem_shared>>
        tpu.wait_indirect_dma semaphore(%run_scoped3A : memref<!tpu.dma_semaphore, #tpu.memory_space<semaphore_mem>>) src(%arg9 : memref<128x128xf32, #tpu.memory_space<vmem>>) dst(%dma_wait3A_88 : memref<10240x128xf32, #tpu.memory_space<vmem_shared>>)
        tpu.yield
      }) : () -> ()
      %scan3A_76 = arith.constant 0 : i32
      scf.yield %scan3A_76 : i32
    }
    %scan3A_29 = arith.constant 20 : i32
    "tpu.region"() ({
      %run_scoped3A = tpu.sem_alloc : memref<!tpu.dma_semaphore, #tpu.memory_space<semaphore_mem>>
      %dma_start3A_45 = arith.constant 40 : i32
      %dma_start3A_46 = arith.constant 0 : i32
      %dma_start3A_47 = tpu.memref_slice %arg3[%add3A, %dma_start3A_45, %dma_start3A_46] : memref<32x80x128xi32, #tpu.memory_space<hbm>> -> memref<1x40x128xi32, #tpu.memory_space<hbm>>
      %dma_start3A_48 = tpu.memref_squeeze %dma_start3A_47 : memref<1x40x128xi32, #tpu.memory_space<hbm>> -> memref<40x128xi32, #tpu.memory_space<hbm>>
      %dma_start3A_49 = arith.constant 40 : i32
      %dma_start3A_50 = arith.constant 0 : i32
      %dma_start3A_51 = tpu.memref_slice %arg3[%add3A, %dma_start3A_49, %dma_start3A_50] : memref<32x80x128xi32, #tpu.memory_space<hbm>> -> memref<1x40x128xi32, #tpu.memory_space<hbm>>
      %dma_start3A_52 = tpu.memref_squeeze %dma_start3A_51 : memref<1x40x128xi32, #tpu.memory_space<hbm>> -> memref<40x128xi32, #tpu.memory_space<hbm>>
      tpu.enqueue_dma source(%dma_start3A_52 : memref<40x128xi32, #tpu.memory_space<hbm>>) target(%arg6 : memref<40x128xi32, #tpu.memory_space<vmem>>) target_semaphore(%run_scoped3A : memref<!tpu.dma_semaphore, #tpu.memory_space<semaphore_mem>>)
      %dma_wait3A = arith.constant 40 : i32
      %dma_wait3A_53 = arith.constant 0 : i32
      %dma_wait3A_54 = tpu.memref_slice %arg3[%add3A, %dma_wait3A, %dma_wait3A_53] : memref<32x80x128xi32, #tpu.memory_space<hbm>> -> memref<1x40x128xi32, #tpu.memory_space<hbm>>
      %dma_wait3A_55 = tpu.memref_squeeze %dma_wait3A_54 : memref<1x40x128xi32, #tpu.memory_space<hbm>> -> memref<40x128xi32, #tpu.memory_space<hbm>>
      %dma_wait3A_56 = arith.constant 40 : i32
      %dma_wait3A_57 = arith.constant 0 : i32
      %dma_wait3A_58 = tpu.memref_slice %arg3[%add3A, %dma_wait3A_56, %dma_wait3A_57] : memref<32x80x128xi32, #tpu.memory_space<hbm>> -> memref<1x40x128xi32, #tpu.memory_space<hbm>>
      %dma_wait3A_59 = tpu.memref_squeeze %dma_wait3A_58 : memref<1x40x128xi32, #tpu.memory_space<hbm>> -> memref<40x128xi32, #tpu.memory_space<hbm>>
      tpu.wait_dma2 semaphore(%run_scoped3A : memref<!tpu.dma_semaphore, #tpu.memory_space<semaphore_mem>>) src(%dma_wait3A_59 : memref<40x128xi32, #tpu.memory_space<hbm>>) dst(%arg6 : memref<40x128xi32, #tpu.memory_space<vmem>>)
      tpu.yield
    }) : () -> ()
    "tpu.region"() ({
      %run_scoped3A = tpu.sem_alloc : memref<!tpu.dma_semaphore, #tpu.memory_space<semaphore_mem>>
      %dma_start3A_45 = arith.constant 40 : i32
      %dma_start3A_46 = arith.constant 0 : i32
      %dma_start3A_47 = tpu.memref_slice %arg4[%add3A, %dma_start3A_45, %dma_start3A_46] : memref<32x80x128xi32, #tpu.memory_space<hbm>> -> memref<1x40x128xi32, #tpu.memory_space<hbm>>
      %dma_start3A_48 = tpu.memref_squeeze %dma_start3A_47 : memref<1x40x128xi32, #tpu.memory_space<hbm>> -> memref<40x128xi32, #tpu.memory_space<hbm>>
      %dma_start3A_49 = arith.constant 40 : i32
      %dma_start3A_50 = arith.constant 0 : i32
      %dma_start3A_51 = tpu.memref_slice %arg4[%add3A, %dma_start3A_49, %dma_start3A_50] : memref<32x80x128xi32, #tpu.memory_space<hbm>> -> memref<1x40x128xi32, #tpu.memory_space<hbm>>
      %dma_start3A_52 = tpu.memref_squeeze %dma_start3A_51 : memref<1x40x128xi32, #tpu.memory_space<hbm>> -> memref<40x128xi32, #tpu.memory_space<hbm>>
      tpu.enqueue_dma source(%dma_start3A_52 : memref<40x128xi32, #tpu.memory_space<hbm>>) target(%arg7 : memref<40x128xi32, #tpu.memory_space<vmem>>) target_semaphore(%run_scoped3A : memref<!tpu.dma_semaphore, #tpu.memory_space<semaphore_mem>>)
      %dma_wait3A = arith.constant 40 : i32
      %dma_wait3A_53 = arith.constant 0 : i32
      %dma_wait3A_54 = tpu.memref_slice %arg4[%add3A, %dma_wait3A, %dma_wait3A_53] : memref<32x80x128xi32, #tpu.memory_space<hbm>> -> memref<1x40x128xi32, #tpu.memory_space<hbm>>
      %dma_wait3A_55 = tpu.memref_squeeze %dma_wait3A_54 : memref<1x40x128xi32, #tpu.memory_space<hbm>> -> memref<40x128xi32, #tpu.memory_space<hbm>>
      %dma_wait3A_56 = arith.constant 40 : i32
      %dma_wait3A_57 = arith.constant 0 : i32
      %dma_wait3A_58 = tpu.memref_slice %arg4[%add3A, %dma_wait3A_56, %dma_wait3A_57] : memref<32x80x128xi32, #tpu.memory_space<hbm>> -> memref<1x40x128xi32, #tpu.memory_space<hbm>>
      %dma_wait3A_59 = tpu.memref_squeeze %dma_wait3A_58 : memref<1x40x128xi32, #tpu.memory_space<hbm>> -> memref<40x128xi32, #tpu.memory_space<hbm>>
      tpu.wait_dma2 semaphore(%run_scoped3A : memref<!tpu.dma_semaphore, #tpu.memory_space<semaphore_mem>>) src(%dma_wait3A_59 : memref<40x128xi32, #tpu.memory_space<hbm>>) dst(%arg7 : memref<40x128xi32, #tpu.memory_space<vmem>>)
      tpu.yield
    }) : () -> ()
    %dma_start3A_30 = arith.constant 0 : i32
    %dma_start3A_31 = arith.constant 0 : i32
    %dma_start3A_32 = tpu.memref_slice %arg6[%dma_start3A_30, %dma_start3A_31] : memref<40x128xi32, #tpu.memory_space<vmem>> -> memref<1x128xi32, #tpu.memory_space<vmem>>
    %dma_start3A_33 = tpu.memref_squeeze %dma_start3A_32 : memref<1x128xi32, #tpu.memory_space<vmem>> -> memref<128xi32, #tpu.memory_space<vmem>>
    %dma_start3A_34 = arith.constant 0 : i32
    %dma_start3A_35 = arith.constant 0 : i32
    %dma_start3A_36 = tpu.memref_slice %arg2[%dma_start3A_34, %dma_start3A_35] : memref<10000x128xf32, #tpu.memory_space<hbm>> -> memref<10000x128xf32, #tpu.memory_space<hbm>>
    tpu.enqueue_indirect_dma source(%dma_start3A_36 : memref<10000x128xf32, #tpu.memory_space<hbm>>) target(%arg8 : memref<128x128xf32, #tpu.memory_space<vmem>>) offsets(%dma_start3A_33 : memref<128xi32, #tpu.memory_space<vmem>>) semaphore(%arg11 : memref<!tpu.dma_semaphore, #tpu.memory_space<semaphore_mem>>)
    %scan3A_37 = arith.constant 0 : i32
    %scan3A_38 = arith.constant 0 : i32
    %scan3A_39 = arith.constant 20 : i32
    %scan3A_40 = arith.addi %scan3A_38, %scan3A_39 : i32
    %scan3A_41 = arith.constant 1 : i32
    %scan3A_42 = scf.for %scan3A_45 = %scan3A_38 to %scan3A_40 step %scan3A_41 iter_args(%scan3A_46 = %scan3A_37) -> (i32)  : i32 {
      %mul3A_47 = arith.constant 2 : i32
      %mul3A_48 = arith.muli %mul3A_47, %scan3A_45 : i32
      %add3A_49 = arith.constant 1 : i32
      %add3A_50 = arith.addi %mul3A_48, %add3A_49 : i32
      %dma_start3A_51 = arith.constant 0 : i32
      %dma_start3A_52 = tpu.memref_slice %arg6[%add3A_50, %dma_start3A_51] : memref<40x128xi32, #tpu.memory_space<vmem>> -> memref<1x128xi32, #tpu.memory_space<vmem>>
      %dma_start3A_53 = tpu.memref_squeeze %dma_start3A_52 : memref<1x128xi32, #tpu.memory_space<vmem>> -> memref<128xi32, #tpu.memory_space<vmem>>
      %dma_start3A_54 = arith.constant 0 : i32
      %dma_start3A_55 = arith.constant 0 : i32
      %dma_start3A_56 = tpu.memref_slice %arg2[%dma_start3A_54, %dma_start3A_55] : memref<10000x128xf32, #tpu.memory_space<hbm>> -> memref<10000x128xf32, #tpu.memory_space<hbm>>
      tpu.enqueue_indirect_dma source(%dma_start3A_56 : memref<10000x128xf32, #tpu.memory_space<hbm>>) target(%arg9 : memref<128x128xf32, #tpu.memory_space<vmem>>) offsets(%dma_start3A_53 : memref<128xi32, #tpu.memory_space<vmem>>) semaphore(%arg12 : memref<!tpu.dma_semaphore, #tpu.memory_space<semaphore_mem>>)
      %dma_wait3A = arith.constant 0 : i32
      %dma_wait3A_57 = tpu.memref_slice %arg6[%mul3A_48, %dma_wait3A] : memref<40x128xi32, #tpu.memory_space<vmem>> -> memref<1x128xi32, #tpu.memory_space<vmem>>
      %dma_wait3A_58 = tpu.memref_squeeze %dma_wait3A_57 : memref<1x128xi32, #tpu.memory_space<vmem>> -> memref<128xi32, #tpu.memory_space<vmem>>
      %dma_wait3A_59 = arith.constant 0 : i32
      %dma_wait3A_60 = arith.constant 0 : i32
      %dma_wait3A_61 = tpu.memref_slice %arg2[%dma_wait3A_59, %dma_wait3A_60] : memref<10000x128xf32, #tpu.memory_space<hbm>> -> memref<10000x128xf32, #tpu.memory_space<hbm>>
      tpu.wait_indirect_dma semaphore(%arg11 : memref<!tpu.dma_semaphore, #tpu.memory_space<semaphore_mem>>) src(%dma_wait3A_61 : memref<10000x128xf32, #tpu.memory_space<hbm>>) dst(%arg8 : memref<128x128xf32, #tpu.memory_space<vmem>>)
      "tpu.region"() ({
        %run_scoped3A = tpu.sem_alloc : memref<!tpu.dma_semaphore, #tpu.memory_space<semaphore_mem>>
        %dma_start3A_77 = arith.constant 0 : i32
        %dma_start3A_78 = tpu.memref_slice %arg7[%mul3A_48, %dma_start3A_77] : memref<40x128xi32, #tpu.memory_space<vmem>> -> memref<1x128xi32, #tpu.memory_space<vmem>>
        %dma_start3A_79 = tpu.memref_squeeze %dma_start3A_78 : memref<1x128xi32, #tpu.memory_space<vmem>> -> memref<128xi32, #tpu.memory_space<vmem>>
        %dma_start3A_80 = arith.constant 0 : i32
        %dma_start3A_81 = arith.constant 0 : i32
        %dma_start3A_82 = tpu.memref_slice %arg10[%dma_start3A_80, %dma_start3A_81] : memref<10240x128xf32, #tpu.memory_space<vmem_shared>> -> memref<10240x128xf32, #tpu.memory_space<vmem_shared>>
        tpu.enqueue_indirect_dma source(%arg8 : memref<128x128xf32, #tpu.memory_space<vmem>>) target(%dma_start3A_82 : memref<10240x128xf32, #tpu.memory_space<vmem_shared>>) offsets(%dma_start3A_79 : memref<128xi32, #tpu.memory_space<vmem>>) semaphore(%run_scoped3A : memref<!tpu.dma_semaphore, #tpu.memory_space<semaphore_mem>>) {add = true}
        %dma_wait3A_83 = arith.constant 0 : i32
        %dma_wait3A_84 = tpu.memref_slice %arg7[%mul3A_48, %dma_wait3A_83] : memref<40x128xi32, #tpu.memory_space<vmem>> -> memref<1x128xi32, #tpu.memory_space<vmem>>
        %dma_wait3A_85 = tpu.memref_squeeze %dma_wait3A_84 : memref<1x128xi32, #tpu.memory_space<vmem>> -> memref<128xi32, #tpu.memory_space<vmem>>
        %dma_wait3A_86 = arith.constant 0 : i32
        %dma_wait3A_87 = arith.constant 0 : i32
        %dma_wait3A_88 = tpu.memref_slice %arg10[%dma_wait3A_86, %dma_wait3A_87] : memref<10240x128xf32, #tpu.memory_space<vmem_shared>> -> memref<10240x128xf32, #tpu.memory_space<vmem_shared>>
        tpu.wait_indirect_dma semaphore(%run_scoped3A : memref<!tpu.dma_semaphore, #tpu.memory_space<semaphore_mem>>) src(%arg8 : memref<128x128xf32, #tpu.memory_space<vmem>>) dst(%dma_wait3A_88 : memref<10240x128xf32, #tpu.memory_space<vmem_shared>>)
        tpu.yield
      }) : () -> ()
      %add3A_62 = arith.constant 2 : i32
      %add3A_63 = arith.addi %mul3A_48, %add3A_62 : i32
      %lt3A = arith.constant 40 : i32
      %lt3A_64 = arith.cmpi slt, %add3A_63, %lt3A : i32
      %convert_element_type3A = arith.extui %lt3A_64 : i1 to i32
      %cond3A = arith.constant 0 : i32
      %cond3A_65 = arith.cmpi ne, %convert_element_type3A, %cond3A : i32
      scf.if %cond3A_65 {
        %add3A_77 = arith.constant 2 : i32
        %add3A_78 = arith.addi %mul3A_48, %add3A_77 : i32
        %dma_start3A_79 = arith.constant 0 : i32
        %dma_start3A_80 = tpu.memref_slice %arg6[%add3A_78, %dma_start3A_79] : memref<40x128xi32, #tpu.memory_space<vmem>> -> memref<1x128xi32, #tpu.memory_space<vmem>>
        %dma_start3A_81 = tpu.memref_squeeze %dma_start3A_80 : memref<1x128xi32, #tpu.memory_space<vmem>> -> memref<128xi32, #tpu.memory_space<vmem>>
        %dma_start3A_82 = arith.constant 0 : i32
        %dma_start3A_83 = arith.constant 0 : i32
        %dma_start3A_84 = tpu.memref_slice %arg2[%dma_start3A_82, %dma_start3A_83] : memref<10000x128xf32, #tpu.memory_space<hbm>> -> memref<10000x128xf32, #tpu.memory_space<hbm>>
        tpu.enqueue_indirect_dma source(%dma_start3A_84 : memref<10000x128xf32, #tpu.memory_space<hbm>>) target(%arg8 : memref<128x128xf32, #tpu.memory_space<vmem>>) offsets(%dma_start3A_81 : memref<128xi32, #tpu.memory_space<vmem>>) semaphore(%arg11 : memref<!tpu.dma_semaphore, #tpu.memory_space<semaphore_mem>>)
      } else {
      }
      %add3A_66 = arith.constant 1 : i32
      %add3A_67 = arith.addi %mul3A_48, %add3A_66 : i32
      %dma_wait3A_68 = arith.constant 0 : i32
      %dma_wait3A_69 = tpu.memref_slice %arg6[%add3A_67, %dma_wait3A_68] : memref<40x128xi32, #tpu.memory_space<vmem>> -> memref<1x128xi32, #tpu.memory_space<vmem>>
      %dma_wait3A_70 = tpu.memref_squeeze %dma_wait3A_69 : memref<1x128xi32, #tpu.memory_space<vmem>> -> memref<128xi32, #tpu.memory_space<vmem>>
      %dma_wait3A_71 = arith.constant 0 : i32
      %dma_wait3A_72 = arith.constant 0 : i32
      %dma_wait3A_73 = tpu.memref_slice %arg2[%dma_wait3A_71, %dma_wait3A_72] : memref<10000x128xf32, #tpu.memory_space<hbm>> -> memref<10000x128xf32, #tpu.memory_space<hbm>>
      tpu.wait_indirect_dma semaphore(%arg12 : memref<!tpu.dma_semaphore, #tpu.memory_space<semaphore_mem>>) src(%dma_wait3A_73 : memref<10000x128xf32, #tpu.memory_space<hbm>>) dst(%arg9 : memref<128x128xf32, #tpu.memory_space<vmem>>)
      %add3A_74 = arith.constant 1 : i32
      %add3A_75 = arith.addi %mul3A_48, %add3A_74 : i32
      "tpu.region"() ({
        %run_scoped3A = tpu.sem_alloc : memref<!tpu.dma_semaphore, #tpu.memory_space<semaphore_mem>>
        %dma_start3A_77 = arith.constant 0 : i32
        %dma_start3A_78 = tpu.memref_slice %arg7[%add3A_75, %dma_start3A_77] : memref<40x128xi32, #tpu.memory_space<vmem>> -> memref<1x128xi32, #tpu.memory_space<vmem>>
        %dma_start3A_79 = tpu.memref_squeeze %dma_start3A_78 : memref<1x128xi32, #tpu.memory_space<vmem>> -> memref<128xi32, #tpu.memory_space<vmem>>
        %dma_start3A_80 = arith.constant 0 : i32
        %dma_start3A_81 = arith.constant 0 : i32
        %dma_start3A_82 = tpu.memref_slice %arg10[%dma_start3A_80, %dma_start3A_81] : memref<10240x128xf32, #tpu.memory_space<vmem_shared>> -> memref<10240x128xf32, #tpu.memory_space<vmem_shared>>
        tpu.enqueue_indirect_dma source(%arg9 : memref<128x128xf32, #tpu.memory_space<vmem>>) target(%dma_start3A_82 : memref<10240x128xf32, #tpu.memory_space<vmem_shared>>) offsets(%dma_start3A_79 : memref<128xi32, #tpu.memory_space<vmem>>) semaphore(%run_scoped3A : memref<!tpu.dma_semaphore, #tpu.memory_space<semaphore_mem>>) {add = true}
        %dma_wait3A_83 = arith.constant 0 : i32
        %dma_wait3A_84 = tpu.memref_slice %arg7[%add3A_75, %dma_wait3A_83] : memref<40x128xi32, #tpu.memory_space<vmem>> -> memref<1x128xi32, #tpu.memory_space<vmem>>
        %dma_wait3A_85 = tpu.memref_squeeze %dma_wait3A_84 : memref<1x128xi32, #tpu.memory_space<vmem>> -> memref<128xi32, #tpu.memory_space<vmem>>
        %dma_wait3A_86 = arith.constant 0 : i32
        %dma_wait3A_87 = arith.constant 0 : i32
        %dma_wait3A_88 = tpu.memref_slice %arg10[%dma_wait3A_86, %dma_wait3A_87] : memref<10240x128xf32, #tpu.memory_space<vmem_shared>> -> memref<10240x128xf32, #tpu.memory_space<vmem_shared>>
        tpu.wait_indirect_dma semaphore(%run_scoped3A : memref<!tpu.dma_semaphore, #tpu.memory_space<semaphore_mem>>) src(%arg9 : memref<128x128xf32, #tpu.memory_space<vmem>>) dst(%dma_wait3A_88 : memref<10240x128xf32, #tpu.memory_space<vmem_shared>>)
        tpu.yield
      }) : () -> ()
      %scan3A_76 = arith.constant 0 : i32
      scf.yield %scan3A_76 : i32
    }
    %scan3A_43 = arith.constant 20 : i32
    %barrier3A_44 = arith.constant 0 : index
    tpu.barrier barrier_id(%barrier3A_44)
    "tpu.region"() ({
      %run_scoped3A = tpu.sem_alloc : memref<!tpu.dma_semaphore, #tpu.memory_space<semaphore_mem>>
      %dma_start3A_45 = arith.constant 0 : i32
      %dma_start3A_46 = tpu.memref_slice %arg5[%arg0, %mul3A_2, %dma_start3A_45] : memref<2x10240x128xf32, #tpu.memory_space<hbm>> -> memref<1x640x128xf32, #tpu.memory_space<hbm>>
      %dma_start3A_47 = tpu.memref_squeeze %dma_start3A_46 : memref<1x640x128xf32, #tpu.memory_space<hbm>> -> memref<640x128xf32, #tpu.memory_space<hbm>>
      %dma_start3A_48 = arith.constant 0 : i32
      %dma_start3A_49 = tpu.memref_slice %arg10[%mul3A_2, %dma_start3A_48] : memref<10240x128xf32, #tpu.memory_space<vmem_shared>> -> memref<640x128xf32, #tpu.memory_space<vmem_shared>>
      tpu.enqueue_dma source(%dma_start3A_49 : memref<640x128xf32, #tpu.memory_space<vmem_shared>>) target(%dma_start3A_47 : memref<640x128xf32, #tpu.memory_space<hbm>>) target_semaphore(%run_scoped3A : memref<!tpu.dma_semaphore, #tpu.memory_space<semaphore_mem>>)
      %dma_wait3A = arith.constant 0 : i32
      %dma_wait3A_50 = tpu.memref_slice %arg5[%arg0, %mul3A_2, %dma_wait3A] : memref<2x10240x128xf32, #tpu.memory_space<hbm>> -> memref<1x640x128xf32, #tpu.memory_space<hbm>>
      %dma_wait3A_51 = tpu.memref_squeeze %dma_wait3A_50 : memref<1x640x128xf32, #tpu.memory_space<hbm>> -> memref<640x128xf32, #tpu.memory_space<hbm>>
      %dma_wait3A_52 = arith.constant 0 : i32
      %dma_wait3A_53 = tpu.memref_slice %arg10[%mul3A_2, %dma_wait3A_52] : memref<10240x128xf32, #tpu.memory_space<vmem_shared>> -> memref<640x128xf32, #tpu.memory_space<vmem_shared>>
      tpu.wait_dma2 semaphore(%run_scoped3A : memref<!tpu.dma_semaphore, #tpu.memory_space<semaphore_mem>>) src(%dma_wait3A_53 : memref<640x128xf32, #tpu.memory_space<vmem_shared>>) dst(%dma_wait3A_51 : memref<640x128xf32, #tpu.memory_space<hbm>>)
      tpu.yield
    }) : () -> ()
    return
  }
}

module attributes {stable_mosaic.version = 14 : i64} {
  func.func @body(%arg0: i32, %arg1: memref<2x1000x128xf32, #tpu.memory_space<vmem>>, %arg2: memref<2x1000x16xf32, #tpu.memory_space<vmem>>, %arg3: memref<1000x128xf32, #tpu.memory_space<vmem>>, %arg4: memref<128x128xf32, #tpu.memory_space<vmem>>, %arg5: memref<1x128xf32, #tpu.memory_space<vmem>>, %arg6: memref<128x128xf32, #tpu.memory_space<vmem>>, %arg7: memref<1000x128xf32, #tpu.memory_space<vmem>>) attributes {dimension_semantics = [#tpu.dimension_semantics<arbitrary>], iteration_bounds = array<i64: 10>, scalar_prefetch = 0 : i64, scratch_operands = 0 : i64, tpu.core_type = #tpu.core_type<tc>, window_params = [{transform_indices = @transform_0, window_bounds = array<i64: 2, 1000, 128>}, {transform_indices = @transform_1, window_bounds = array<i64: 2, 1000, 16>}, {transform_indices = @transform_2, window_bounds = array<i64: 1000, 128>}, {pipeline_mode = #tpu.pipeline_mode<synchronous>, transform_indices = @transform_3, window_bounds = array<i64: 128, 128>}, {pipeline_mode = #tpu.pipeline_mode<synchronous>, transform_indices = @transform_4, window_bounds = array<i64: 1, 128>}, {pipeline_mode = #tpu.pipeline_mode<synchronous>, transform_indices = @transform_5, window_bounds = array<i64: 128, 128>}, {transform_indices = @transform_6, window_bounds = array<i64: 1000, 128>}]} {
    %get3A = arith.constant 0 : index
    %get3A_0 = arith.constant 0 : index
    %get3A_1 = arith.constant 0 : index
    %get3A_2 = vector.load %arg1[%get3A, %get3A_0, %get3A_1] : memref<2x1000x128xf32, #tpu.memory_space<vmem>>, vector<1x1000x128xf32>
    %get3A_3 = vector.shape_cast %get3A_2 : vector<1x1000x128xf32> to vector<1000x128xf32>
    %get3A_4 = arith.constant 1 : index
    %get3A_5 = arith.constant 0 : index
    %get3A_6 = arith.constant 0 : index
    %get3A_7 = vector.load %arg1[%get3A_4, %get3A_5, %get3A_6] : memref<2x1000x128xf32, #tpu.memory_space<vmem>>, vector<1x1000x128xf32>
    %get3A_8 = vector.shape_cast %get3A_7 : vector<1x1000x128xf32> to vector<1000x128xf32>
    %add3A = arith.addf %get3A_3, %get3A_8 : vector<1000x128xf32>
    %get3A_9 = arith.constant 0 : index
    %get3A_10 = arith.constant 0 : index
    %get3A_11 = arith.constant 0 : index
    %get3A_12 = vector.load %arg2[%get3A_9, %get3A_10, %get3A_11] : memref<2x1000x16xf32, #tpu.memory_space<vmem>>, vector<1x1000x1xf32>
    %get3A_13 = vector.shape_cast %get3A_12 : vector<1x1000x1xf32> to vector<1000x1xf32>
    %get3A_14 = arith.constant 1 : index
    %get3A_15 = arith.constant 0 : index
    %get3A_16 = arith.constant 0 : index
    %get3A_17 = vector.load %arg2[%get3A_14, %get3A_15, %get3A_16] : memref<2x1000x16xf32, #tpu.memory_space<vmem>>, vector<1x1000x1xf32>
    %get3A_18 = vector.shape_cast %get3A_17 : vector<1x1000x1xf32> to vector<1000x1xf32>
    %add3A_19 = arith.addf %get3A_13, %get3A_18 : vector<1000x1xf32>
    %max3A = arith.constant 1.000000e+00 : f32
    %max3A_20 = vector.broadcast %max3A : f32 to vector<1000x1xf32>
    %max3A_21 = arith.maximumf %add3A_19, %max3A_20 : vector<1000x1xf32>
    %div3A = vector.broadcast %max3A_21 : vector<1000x1xf32> to vector<1000x128xf32>
    %div3A_22 = arith.divf %add3A, %div3A : vector<1000x128xf32>
    %get3A_23 = arith.constant 0 : index
    %get3A_24 = arith.constant 0 : index
    %get3A_25 = vector.load %arg4[%get3A_23, %get3A_24] : memref<128x128xf32, #tpu.memory_space<vmem>>, vector<128x128xf32>
    %dot_general3A = arith.constant dense<0.000000e+00> : vector<1000x128xf32>
    %dot_general3A_26 = tpu.matmul %div3A_22, %get3A_25, %dot_general3A {dimension_numbers = #tpu.dot_dimension_numbers<[1], [1], [0], [0], [0, 0, 1, 0], [], []>, transpose_lhs_hint = false} : vector<1000x128xf32>, vector<128x128xf32>, vector<1000x128xf32> -> vector<1000x128xf32>
    %get3A_27 = arith.constant 0 : index
    %get3A_28 = arith.constant 0 : index
    %get3A_29 = vector.load %arg3[%get3A_27, %get3A_28] : memref<1000x128xf32, #tpu.memory_space<vmem>>, vector<1000x128xf32>
    %get3A_30 = arith.constant 0 : index
    %get3A_31 = arith.constant 0 : index
    %get3A_32 = vector.load %arg6[%get3A_30, %get3A_31] : memref<128x128xf32, #tpu.memory_space<vmem>>, vector<128x128xf32>
    %dot_general3A_33 = arith.constant dense<0.000000e+00> : vector<1000x128xf32>
    %dot_general3A_34 = tpu.matmul %get3A_29, %get3A_32, %dot_general3A_33 {dimension_numbers = #tpu.dot_dimension_numbers<[1], [1], [0], [0], [0, 0, 1, 0], [], []>, transpose_lhs_hint = false} : vector<1000x128xf32>, vector<128x128xf32>, vector<1000x128xf32> -> vector<1000x128xf32>
    %add3A_35 = arith.addf %dot_general3A_26, %dot_general3A_34 : vector<1000x128xf32>
    %get3A_36 = arith.constant 0 : index
    %get3A_37 = arith.constant 0 : index
    %get3A_38 = vector.load %arg5[%get3A_36, %get3A_37] : memref<1x128xf32, #tpu.memory_space<vmem>>, vector<1x128xf32>
    %add3A_39 = vector.broadcast %get3A_38 : vector<1x128xf32> to vector<1000x128xf32>
    %add3A_40 = arith.addf %add3A_35, %add3A_39 : vector<1000x128xf32>
    %max3A_41 = arith.constant 0.000000e+00 : f32
    %max3A_42 = vector.broadcast %max3A_41 : f32 to vector<1000x128xf32>
    %max3A_43 = arith.maximumf %add3A_40, %max3A_42 : vector<1000x128xf32>
    %swap3A = arith.constant 0 : index
    %swap3A_44 = arith.constant 0 : index
    %swap3A_45 = vector.load %arg7[%swap3A, %swap3A_44] : memref<1000x128xf32, #tpu.memory_space<vmem>>, vector<1000x128xf32>
    tpu.vector_store %arg7[%swap3A, %swap3A_44], %max3A_43 {strides = array<i32>} : memref<1000x128xf32, #tpu.memory_space<vmem>>, vector<1000x128xf32>,
    return
  }
  func.func @transform_0(%arg0: i32) -> (i32, i32, i32) {
    %c0_i32 = arith.constant 0 : i32
    %c0_i32_0 = arith.constant 0 : i32
    %c0_i32_1 = arith.constant 0 : i32
    return %c0_i32, %arg0, %c0_i32_0 : i32, i32, i32
  }
  func.func @transform_1(%arg0: i32) -> (i32, i32, i32) {
    %c0_i32 = arith.constant 0 : i32
    %c0_i32_0 = arith.constant 0 : i32
    %c0_i32_1 = arith.constant 0 : i32
    return %c0_i32, %arg0, %c0_i32_0 : i32, i32, i32
  }
  func.func @transform_2(%arg0: i32) -> (i32, i32) {
    %c0_i32 = arith.constant 0 : i32
    %c0_i32_0 = arith.constant 0 : i32
    return %arg0, %c0_i32 : i32, i32
  }
  func.func @transform_3(%arg0: i32) -> (i32, i32) {
    %c0_i32 = arith.constant 0 : i32
    %c0_i32_0 = arith.constant 0 : i32
    %c0_i32_1 = arith.constant 0 : i32
    return %c0_i32, %c0_i32_0 : i32, i32
  }
  func.func @transform_4(%arg0: i32) -> (i32, i32) {
    %c0_i32 = arith.constant 0 : i32
    %c0_i32_0 = arith.constant 0 : i32
    %c0_i32_1 = arith.constant 0 : i32
    return %c0_i32, %c0_i32_0 : i32, i32
  }
  func.func @transform_5(%arg0: i32) -> (i32, i32) {
    %c0_i32 = arith.constant 0 : i32
    %c0_i32_0 = arith.constant 0 : i32
    %c0_i32_1 = arith.constant 0 : i32
    return %c0_i32, %c0_i32_0 : i32, i32
  }
  func.func @transform_6(%arg0: i32) -> (i32, i32) {
    %c0_i32 = arith.constant 0 : i32
    %c0_i32_0 = arith.constant 0 : i32
    return %arg0, %c0_i32 : i32, i32
  }
}

module attributes {stable_mosaic.version = 14 : i64} {
  func.func @body(%arg0: i32, %arg1: memref<2x1000x128xf32, #tpu.memory_space<vmem>>, %arg2: memref<2x1000x16xf32, #tpu.memory_space<vmem>>, %arg3: memref<1000x128xf32, #tpu.memory_space<vmem>>, %arg4: memref<128x128xf32, #tpu.memory_space<vmem>>, %arg5: memref<1x128xf32, #tpu.memory_space<vmem>>, %arg6: memref<128x128xf32, #tpu.memory_space<vmem>>, %arg7: memref<1000x128xf32, #tpu.memory_space<vmem>>) attributes {dimension_semantics = [#tpu.dimension_semantics<arbitrary>], iteration_bounds = array<i64: 10>, scalar_prefetch = 0 : i64, scratch_operands = 0 : i64, tpu.core_type = #tpu.core_type<tc>, window_params = [{transform_indices = @transform_0, window_bounds = array<i64: 2, 1000, 128>}, {transform_indices = @transform_1, window_bounds = array<i64: 2, 1000, 16>}, {transform_indices = @transform_2, window_bounds = array<i64: 1000, 128>}, {pipeline_mode = #tpu.pipeline_mode<synchronous>, transform_indices = @transform_3, window_bounds = array<i64: 128, 128>}, {pipeline_mode = #tpu.pipeline_mode<synchronous>, transform_indices = @transform_4, window_bounds = array<i64: 1, 128>}, {pipeline_mode = #tpu.pipeline_mode<synchronous>, transform_indices = @transform_5, window_bounds = array<i64: 128, 128>}, {transform_indices = @transform_6, window_bounds = array<i64: 1000, 128>}]} {
    %get3A = arith.constant 0 : index
    %get3A_0 = arith.constant 0 : index
    %get3A_1 = arith.constant 0 : index
    %get3A_2 = vector.load %arg1[%get3A, %get3A_0, %get3A_1] : memref<2x1000x128xf32, #tpu.memory_space<vmem>>, vector<1x1000x128xf32>
    %get3A_3 = vector.shape_cast %get3A_2 : vector<1x1000x128xf32> to vector<1000x128xf32>
    %get3A_4 = arith.constant 1 : index
    %get3A_5 = arith.constant 0 : index
    %get3A_6 = arith.constant 0 : index
    %get3A_7 = vector.load %arg1[%get3A_4, %get3A_5, %get3A_6] : memref<2x1000x128xf32, #tpu.memory_space<vmem>>, vector<1x1000x128xf32>
    %get3A_8 = vector.shape_cast %get3A_7 : vector<1x1000x128xf32> to vector<1000x128xf32>
    %add3A = arith.addf %get3A_3, %get3A_8 : vector<1000x128xf32>
    %get3A_9 = arith.constant 0 : index
    %get3A_10 = arith.constant 0 : index
    %get3A_11 = arith.constant 0 : index
    %get3A_12 = vector.load %arg2[%get3A_9, %get3A_10, %get3A_11] : memref<2x1000x16xf32, #tpu.memory_space<vmem>>, vector<1x1000x1xf32>
    %get3A_13 = vector.shape_cast %get3A_12 : vector<1x1000x1xf32> to vector<1000x1xf32>
    %get3A_14 = arith.constant 1 : index
    %get3A_15 = arith.constant 0 : index
    %get3A_16 = arith.constant 0 : index
    %get3A_17 = vector.load %arg2[%get3A_14, %get3A_15, %get3A_16] : memref<2x1000x16xf32, #tpu.memory_space<vmem>>, vector<1x1000x1xf32>
    %get3A_18 = vector.shape_cast %get3A_17 : vector<1x1000x1xf32> to vector<1000x1xf32>
    %add3A_19 = arith.addf %get3A_13, %get3A_18 : vector<1000x1xf32>
    %max3A = arith.constant 1.000000e+00 : f32
    %max3A_20 = vector.broadcast %max3A : f32 to vector<1000x1xf32>
    %max3A_21 = arith.maximumf %add3A_19, %max3A_20 : vector<1000x1xf32>
    %div3A = vector.broadcast %max3A_21 : vector<1000x1xf32> to vector<1000x128xf32>
    %div3A_22 = arith.divf %add3A, %div3A : vector<1000x128xf32>
    %get3A_23 = arith.constant 0 : index
    %get3A_24 = arith.constant 0 : index
    %get3A_25 = vector.load %arg4[%get3A_23, %get3A_24] : memref<128x128xf32, #tpu.memory_space<vmem>>, vector<128x128xf32>
    %dot_general3A = arith.constant dense<0.000000e+00> : vector<1000x128xf32>
    %dot_general3A_26 = tpu.matmul %div3A_22, %get3A_25, %dot_general3A {dimension_numbers = #tpu.dot_dimension_numbers<[1], [1], [0], [0], [0, 0, 1, 0], [], []>, transpose_lhs_hint = false} : vector<1000x128xf32>, vector<128x128xf32>, vector<1000x128xf32> -> vector<1000x128xf32>
    %get3A_27 = arith.constant 0 : index
    %get3A_28 = arith.constant 0 : index
    %get3A_29 = vector.load %arg3[%get3A_27, %get3A_28] : memref<1000x128xf32, #tpu.memory_space<vmem>>, vector<1000x128xf32>
    %get3A_30 = arith.constant 0 : index
    %get3A_31 = arith.constant 0 : index
    %get3A_32 = vector.load %arg6[%get3A_30, %get3A_31] : memref<128x128xf32, #tpu.memory_space<vmem>>, vector<128x128xf32>
    %dot_general3A_33 = arith.constant dense<0.000000e+00> : vector<1000x128xf32>
    %dot_general3A_34 = tpu.matmul %get3A_29, %get3A_32, %dot_general3A_33 {dimension_numbers = #tpu.dot_dimension_numbers<[1], [1], [0], [0], [0, 0, 1, 0], [], []>, transpose_lhs_hint = false} : vector<1000x128xf32>, vector<128x128xf32>, vector<1000x128xf32> -> vector<1000x128xf32>
    %add3A_35 = arith.addf %dot_general3A_26, %dot_general3A_34 : vector<1000x128xf32>
    %get3A_36 = arith.constant 0 : index
    %get3A_37 = arith.constant 0 : index
    %get3A_38 = vector.load %arg5[%get3A_36, %get3A_37] : memref<1x128xf32, #tpu.memory_space<vmem>>, vector<1x128xf32>
    %add3A_39 = vector.broadcast %get3A_38 : vector<1x128xf32> to vector<1000x128xf32>
    %add3A_40 = arith.addf %add3A_35, %add3A_39 : vector<1000x128xf32>
    %swap3A = arith.constant 0 : index
    %swap3A_41 = arith.constant 0 : index
    %swap3A_42 = vector.load %arg7[%swap3A, %swap3A_41] : memref<1000x128xf32, #tpu.memory_space<vmem>>, vector<1000x128xf32>
    tpu.vector_store %arg7[%swap3A, %swap3A_41], %add3A_40 {strides = array<i32>} : memref<1000x128xf32, #tpu.memory_space<vmem>>, vector<1000x128xf32>,
    return
  }
  func.func @transform_0(%arg0: i32) -> (i32, i32, i32) {
    %c0_i32 = arith.constant 0 : i32
    %c0_i32_0 = arith.constant 0 : i32
    %c0_i32_1 = arith.constant 0 : i32
    return %c0_i32, %arg0, %c0_i32_0 : i32, i32, i32
  }
  func.func @transform_1(%arg0: i32) -> (i32, i32, i32) {
    %c0_i32 = arith.constant 0 : i32
    %c0_i32_0 = arith.constant 0 : i32
    %c0_i32_1 = arith.constant 0 : i32
    return %c0_i32, %arg0, %c0_i32_0 : i32, i32, i32
  }
  func.func @transform_2(%arg0: i32) -> (i32, i32) {
    %c0_i32 = arith.constant 0 : i32
    %c0_i32_0 = arith.constant 0 : i32
    return %arg0, %c0_i32 : i32, i32
  }
  func.func @transform_3(%arg0: i32) -> (i32, i32) {
    %c0_i32 = arith.constant 0 : i32
    %c0_i32_0 = arith.constant 0 : i32
    %c0_i32_1 = arith.constant 0 : i32
    return %c0_i32, %c0_i32_0 : i32, i32
  }
  func.func @transform_4(%arg0: i32) -> (i32, i32) {
    %c0_i32 = arith.constant 0 : i32
    %c0_i32_0 = arith.constant 0 : i32
    %c0_i32_1 = arith.constant 0 : i32
    return %c0_i32, %c0_i32_0 : i32, i32
  }
  func.func @transform_5(%arg0: i32) -> (i32, i32) {
    %c0_i32 = arith.constant 0 : i32
    %c0_i32_0 = arith.constant 0 : i32
    %c0_i32_1 = arith.constant 0 : i32
    return %c0_i32, %c0_i32_0 : i32, i32
  }
  func.func @transform_6(%arg0: i32) -> (i32, i32) {
    %c0_i32 = arith.constant 0 : i32
    %c0_i32_0 = arith.constant 0 : i32
    return %arg0, %c0_i32 : i32, i32
  }
}

</mosaic_0001>

<sc_bundles>
// kernel: kernel.10.cloned.1.call-start
scs
__scs_entry_jumppad:
0x0: {  	(pc) =	sbr.rel $0x88, $3  }
0x1: {  	(tag) =	ssettag $0x0;
	lr =	simm.s32 $0x1  }
0x2: {  	[smem:$0x3F99] =	sst lr;
	_ =	strace $0xD0000000  }
0x3: {  	_ = 	snop  }
0x4: {  	_ = 	snop  }
0x5: {  	_ = 	snop  }
0x6: {  	_ = 	snop  }
0x7: {  	_ = 	snop  }
__scs_overlays_trampoline_lowered:
0x8: {  	[smem:$0x3FA8] =	sst s0  }
0x9: {  	[smem:$0x3FA9] =	sst s1  }
0xa: {  	[smem:$0x3FAA] =	sst s2  }
0xb: {  	[smem:$0x3FAB] =	sst s3  }
0xc: {  	[smem:$0x3FAC] =	sst s4  }
0xd: {  	[smem:$0x3FAD] =	sst s5  }
0xe: {  	[smem:$0x3FAE] =	sst s6  }
0xf: {  	[smem:$0x3FAF] =	sst s7  }
0x10: {  	[smem:$0x3FB0] =	sst s8  }
0x11: {  	[smem:$0x3FB1] =	sst s9;
	s0 =	simm.s32 @!p0 $0x0  }
0x12: {  	s1 =	sld [smem:$0x3F97];
	s0 =	simm.s32 @p0 $0x1  }
0x13: {  	[smem:$0x3FB2] =	sst s0;
	s0 =	simm.s32 @!p1 $0x0  }
0x14: {  	s2 =	sld [smem:$0x3F96];
	s0 =	simm.s32 @p1 $0x1  }
0x15: {  	[smem:$0x3FB3] =	sst s0;
	s0 =	simm.s32 @!p2 $0x0  }
0x16: {  	s3 =	sld [smem:$0x3FDB];
	s0 =	simm.s32 @p2 $0x1  }
0x17: {  	s4 =	simm.s32 $0x1BF5;
	[smem:$0x3FB5] =	sst s0  }
0x18: {  	s0 =	sld [smem:$0x3F98];
	_ =	swait.ge [sflag:s4], $0x0  }
0x19: {  	s7 =	sld [smem:$0x3F99]  }
0x1a: {  	s8 =	sadd.s32 $0xFFFFE003, lr  }
0x1b: {  	s9 =	sadd.s32 $0xFFFFFEF7, lr;
	s5 =	simm.s32 $0xFFFFFFFF;
	p2 =	slt.u32 s8, $0xFFFFF086  }
0x1c: {  	p1 =	slt.u32 s9, $0xF7A;
	s5 =	simm.s32 @!p2 $0x0  }
0x1d: {  	s5 =	simm.s32 @p1 $0x1;
	p0 =	seq.s32 s7, s2  }
0x1e: {  	s7 =	smul.u32 @!p0 $0xF7A, s2;
	p2 =	seq.s32 @!p0 s5, $0x0  }
0x1f: {  	s9 =	smul.u32 $0xF7A, s1;
	s8 =	simm.s32 @!p0 $0x1BF5;
	p2 =	por !p2, p0  }
0x20: {  	[sflag:s8] =	ssyncset.s32 @!p0 $0xFFFFF086;
	s6 =	sadd.s32 @!p0 s3, s7;
	s7 =	simm.s32 @!p0 $0x108  }
0x21: {  	s3 =	sadd.s32 s3, s9;
	s6 =	sadd.s32 @!p0 $0x88, s6;
	s7 =	simm.s32 @p2 $0x1082  }
0x22: {  	[simem:s7], [sflag:s8] =	dma.local @!p0 [hbm:s6], $0xF7A  }
0x23: {  	s9 =	sor.u32 $0xD0000000, s2;
	s6 =	simm.s32 $0x108;
	_ =	swait.ge @!p0 [sflag:s8], $0x0  }
0x24: {  	s3 =	sadd.s32 $0x88, s3;
	s6 =	simm.s32 @!p1 $0x1082;
	[sflag:s4] =	ssyncset.s32 $0xFFFFF086  }
0x25: {  	[simem:s6], [sflag:s4] =	dma.local [hbm:s3], $0xF7A  }
0x26: {  	[smem:$0x3F99] =	sst s1;
	(tag) =	ssettag s2;
	_ =	strace s9  }
0x27: {  	s1 =	sld [smem:$0x3FA9]  }
0x28: {  	s2 =	sld [smem:$0x3FAA]  }
0x29: {  	s4 =	sld [smem:$0x3FAC]  }
0x2a: {  	p0 =	seq.s32 s5, $0x0;
	s5 =	sld [smem:$0x3FAD]  }
0x2b: {  	s6 =	sld [smem:$0x3FAE]  }
0x2c: {  	s7 =	sld [smem:$0x3FAF]  }
0x2d: {  	s3 =	simm.s32 $0x108;
	s8 =	sld [smem:$0x3FB0]  }
0x2e: {  	s3 =	simm.s32 @!p0 $0x1082;
	s9 =	sld [smem:$0x3FB1]  }
0x2f: {  	lr =	sadd.s32 s0, s3;
	s0 =	sld [smem:$0x3FA8]  }
0x30: {  	s3 =	sld [smem:$0x3FAB]  }
0x31: {  	[smem:$0x3FB4] =	sst s10  }
0x32: {  	s10 =	sld [smem:$0x3FB2];
	_ =	sdelay $0x3  }
0x33: {  	p0 =	seq.s32 s10, $0x1;
	s10 =	sld [smem:$0x3FB4];
	_ =	sdelay $0x3  }
0x34: {  	[smem:$0x3FB4] =	sst s10  }
0x35: {  	s10 =	sld [smem:$0x3FB3];
	_ =	sdelay $0x3  }
0x36: {  	p1 =	seq.s32 s10, $0x1;
	s10 =	sld [smem:$0x3FB4];
	_ =	sdelay $0x3  }
0x37: {  	[smem:$0x3FB4] =	sst s10  }
0x38: {  	s10 =	sld [smem:$0x3FB5]  }
0x39: {  	_ = 	snop;
	(pc) =	sbr.ind lr, $3  }
0x3a: {  	_ = 	snop  }
0x3b: {  	_ = 	snop  }
0x3c: {  	p2 =	seq.s32 s10, $0x1;
	s10 =	sld [smem:$0x3FB4]  }
0x3d: {  	_ =	shalt  }
0x3e: {  	_ =	shalt  }
0x3f: {  	_ =	shalt  }
0x40: {  	_ =	shalt  }
0x41: {  	_ =	shalt  }
0x42: {  	_ =	shalt  }
0x43: {  	_ =	shalt  }
0x44: {  	_ =	shalt  }
0x45: {  	_ =	shalt  }
0x46: {  	_ =	shalt  }
0x47: {  	_ =	shalt  }
0x48: {  	_ =	shalt  }
0x49: {  	_ =	shalt  }
0x4a: {  	_ =	shalt  }
0x4b: {  	_ =	shalt  }
0x4c: {  	_ =	shalt  }
0x4d: {  	_ =	shalt  }
0x4e: {  	_ =	shalt  }
0x4f: {  	_ =	shalt  }
0x50: {  	_ =	shalt  }
0x51: {  	_ =	shalt  }
0x52: {  	_ =	shalt  }
0x53: {  	_ =	shalt  }
0x54: {  	_ =	shalt  }
0x55: {  	_ =	shalt  }
0x56: {  	_ =	shalt  }
0x57: {  	_ =	shalt  }
0x58: {  	_ =	shalt  }
0x59: {  	_ =	shalt  }
0x5a: {  	_ =	shalt  }
0x5b: {  	_ =	shalt  }
0x5c: {  	_ =	shalt  }
0x5d: {  	_ =	shalt  }
0x5e: {  	_ =	shalt  }
0x5f: {  	_ =	shalt  }
0x60: {  	_ =	shalt  }
0x61: {  	_ =	shalt  }
0x62: {  	_ =	shalt  }
0x63: {  	_ =	shalt  }
0x64: {  	_ =	shalt  }
0x65: {  	_ =	shalt  }
0x66: {  	_ =	shalt  }
0x67: {  	_ =	shalt  }
0x68: {  	_ =	shalt  }
0x69: {  	_ =	shalt  }
0x6a: {  	_ =	shalt  }
0x6b: {  	_ =	shalt  }
0x6c: {  	_ =	shalt  }
0x6d: {  	_ =	shalt  }
0x6e: {  	_ =	shalt  }
0x6f: {  	_ =	shalt  }
0x70: {  	_ =	shalt  }
0x71: {  	_ =	shalt  }
0x72: {  	_ =	shalt  }
0x73: {  	_ =	shalt  }
0x74: {  	_ =	shalt  }
0x75: {  	_ =	shalt  }
0x76: {  	_ =	shalt  }
0x77: {  	_ =	shalt  }
0x78: {  	_ =	shalt  }
0x79: {  	_ =	shalt  }
0x7a: {  	_ =	shalt  }
0x7b: {  	_ =	shalt  }
0x7c: {  	_ =	shalt  }
0x7d: {  	_ =	shalt  }
0x7e: {  	_ =	shalt  }
0x7f: {  	_ =	shalt  }
0x80: {  	_ =	shalt  }
0x81: {  	_ =	shalt  }
0x82: {  	_ =	shalt  }
0x83: {  	_ =	shalt  }
0x84: {  	_ =	shalt  }
0x85: {  	_ =	shalt  }
0x86: {  	_ =	shalt  }
0x87: {  	_ =	shalt  }
.Lfunc_end0:
.L_simem_size_0:
called_computation.1_lowered:
.L_overlay_start_0:
0x88: {  	s2 =	sld [smem:$0x3FD9]  }
0x89: {  	s3 =	sld [smem:$0x3FFE];
	_ =	sdelay $0x1  }
0x8a: {  	s1 =	srdreg.scid  }
0x8b: {  	s0 =	sand.u32 $0x1, s1  }
0x8c: {  	s17 =	sshll.u32 s0, $0xA;
	s2 =	sadd.s32 s3, s2  }
0x8d: {  	s2 =	sadd.s32 s2, s17  }
0x8e: {  	[smem:$0x3FC0] =	sst s2  }
0x8f: {  	_ = 	snop  }
0x90: {  	s2 =	sld [smem:$0x3FD0];
	(tm) =	ssettm $0x1  }
0x91: {  	s18 =	sld [smem:$0x3FFB];
	_ =	sdelay $0x3  }
0x92: {  	_ =	strace s18  }
0x93: {  	s3 =	sld [smem:$0x3FFC];
	_ =	sdelay $0x3  }
0x94: {  	_ =	strace s3  }
0x95: {  	s3 =	sld [smem:$0x3FFD];
	_ =	sdelay $0x3  }
0x96: {  	_ =	strace s3  }
0x97: {  	_ =	strace $0x8FFFFFFF  }
0x98: {  	s19 =	sld [smem:$0x3FDB];
	_ =	sdelay $0x1  }
0x99: {  	s4 =	simm.s32 $_scs_section_size  }
0x9a: {  	s5 =	simm.s32 $_size__tile_overlayer_lowered;
	s6 =	simm.s32 $_tile_overlayer_lowered  }
0x9b: {  	s22 =	simm.s32 $0x1BFF;
	s21 =	sshll.u32 s6, $0x1;
	s3 =	sadd.s32 s4, s19  }
0x9c: {  	s7 =	simm.s32 $0x0;
	s20 =	sshll.u32 s5, $0x1;
	s5 =	sadd.s32 s21, s3  }
0x9d: {  	[timem:s7], [sflag:s22] =	dma.local [hbm:s5], s20  }
0x9e: {  	_ =	swait.ge [sflag:s22], s20  }
0x9f: {  	s4 =	ssub.s32 $0x0, s20;
	[sflag:s22] =	ssyncset.done $0x0  }
0xa0: {  	[sflag:s22] =	ssyncadd.s32 s4;
	_ =	sdelay $0x1  }
0xa1: {  	s23 =	simm.s32 $0x1B8B  }
0xa2: {  	_ =	swait.ge [sflag:s23], $0x1  }
0xa3: {  	[sflag:s23] =	ssyncset.done $0x0  }
0xa4: {  	s25 =	simm.s32 $0x1B8E;
	s24 =	sld [smem:$0x3FFE];
	[sflag:s23] =	ssyncadd.s32 $0xFFFFFFFF  }
0xa5: {  	s26 =	simm.s32 $execute0_lowered;
	[smem:$0x3FD2] =	sst s25  }
0xa6: {  	s5 =	sshll.u32 s26, $0x1;
	_ =	strace $0x80000046;
	[dreg:$0x1] =	wrdreg $0xFFFFFFFF  }
0xa7: {  	s28 =	simm.s32 $_size_execute0_lowered;
	s3 =	sadd.s32 s3, s5;
	[dreg:$0x0] =	wrdreg $0x0  }
0xa8: {  	s5 =	sshll.u32 s28, $0x1;
	[dreg:$0x2] =	wrdreg s3  }
0xa9: {  	[dreg:$0x3] =	wrdreg s5  }
0xaa: {  	[dreg:$0x4] =	wrdreg $0xC0  }
0xab: {  	_ =	task [dreg:s7], $0x5FFFF  }
0xac: {  	[dreg:$0x1] =	wrdreg $0xFFFFFFFF  }
0xad: {  	[dreg:$0x0] =	wrdreg $0x60  }
0xae: {  	[dreg:$0x2] =	wrdreg s24  }
0xaf: {  	[dreg:$0x3] =	wrdreg s2  }
0xb0: {  	[dreg:$0x4] =	wrdreg $0x32000  }
0xb1: {  	[dreg:$0x5] =	wrdreg $0xA  }
0xb2: {  	_ =	task.clear_ibuf [dreg:s7], $0x6FFFF;
	_ =	strace $0x90000046  }
0xb3: {  	s29 =	simm.s32 $0xA;
	_ =	strace $0x80000048  }
0xb4: {  	_ =	swait.ge [sflag:s29], $0x1  }
0xb5: {  	[sflag:s29] =	ssyncadd.s32 $0xFFFFFFFF  }
0xb6: {  	_ =	strace $0x90000048  }
0xb7: {  	_ =	sfence  }
0xb8: {  	s30 =	sld [smem:$0x0];
	_ =	sdelay $0x2  }
0xb9: {  	s31 =	sshll.u32 s1, $0xD;
	s1 =	sshrl.u32 s1, $0x2  }
0xba: {  	s3 =	sand.u32 $0x4000, s31;
	s1 =	sadd.s32 s1, s30  }
0xbb: {  	s0 =	sor.u32 s3, s0;
	s1 =	sshll.u32 s1, $0x11  }
0xbc: {  	s0 =	sor.u32 s1, s0  }
0xbd: {  	s0 =	sadd.s32 $0x8F2B, s0  }
0xbe: {  	[sflag:s0] =	ssyncadd.remote.s32 $0x1  }
0xbf: {  	_ =	sfence.sel $0xFFFF  }
0xc0: {  	[dreg:$0x0] =	wrdreg $0xFFFFFFFF;
	(pc) =	sbr.abs _section_cstart, $3  }
0xc1: {  	[dreg:$0x1] =	wrdreg $0xFFFFFFFF  }
0xc2: {  	_ =	task.clear_ibuf [dreg:s7], $0x2FFFF;
	_ =	strace $0x9FFFFFFF  }
0xc3: {  	(tm) =	ssettm $0x7FFFFFFF  }
tec
execute0_lowered:
.L_overlay_start_1:
0x0: {  	(tag) =	ssettag $0x1  }
0x1: {  	s0 =	srdreg.scid;
	s1 =	rddreg [dreg:$0x0]  }
0x2: {  	s4 =	rddreg [dreg:$0x1];
	s8 =	stileid.u32  }
0x3: {  	s2 =	rddreg [dreg:$0x2];
	s31 =	simm.s32 $0x3000;
	s0 =	sand.u32 $0x1, s0  }
0x4: {  	s7 =	smul.u32 $0x2800, s8;
	s9 =	sadd.s32 $0x16800, s1;
	s3 =	sshll.u32 s0, $0x4  }
0x5: {  	s6 =	smul.u32 $0x28000, s0;
	s0 =	ssub.s32 $0x2, s0;
	s5 =	sor.u32 s8, s3  }
0x6: {  	s3 =	simm.s32 $0x0;
	s8 =	smul.u32 $0xA000, s8;
	s26 =	sshrl.u32 s0, $0x1  }
0x7: {  	s13 =	sadd.s32 s7, s2;
	s5 =	smul.u32 $0x500, s5;
	[smem:$0x7FF] =	sst s3  }
0x8: {  	s6 =	sadd.s32 s7, s6;
	s0 =	ssub.s32 s0, s26;
	s7 =	simm.s32 $0x2  }
0x9: {  	_ =	strace $0x80000047;
	[dreg:$0x4] =	wrdreg s9;
	s9 =	sshrl.u32 s8, $0x2  }
0xa: {  	s10 =	sshrl.u32 s6, $0x3;
	s0 =	smax.u32 s0, $0x1;
	s8 =	simm.s32 $0x3  }
0xb: {  	s5 =	sadd.s32 s5, s1;
	s1 =	sadd.s32 $0x16A00, s1;
	s6 =	sadd.s32 s9, s2  }
0xc: {  	s12 =	sadd.s32 s4, s10;
	[dreg:$0x8] =	wrdreg s0;
	s0 =	simm.s32 $0x2800  }
0xd: {  	s4 =	simm.s32 $0x80;
	s9 =	simm.s32 $0x4;
	[dreg:$0x5] =	wrdreg s1  }
0xe: {  	s10 =	simm.s32 $0x0;
	s11 =	sadd.s32 $0xC800, s5;
	[dreg:$0x7] =	wrdreg s12  }
0xf: {  	s23 =	sadd.s32 $0x200, s6;
	s24 =	sadd.s32 $0x400, s6;
	s25 =	sadd.s32 $0x600, s6  }
0x10: {  	s26 =	sadd.s32 $0x800, s6;
	s14 =	sadd.s32 $0xA00, s6;
	s15 =	sadd.s32 $0xC00, s6  }
0x11: {  	s16 =	sadd.s32 $0xE00, s6;
	s17 =	sadd.s32 $0x1000, s6;
	s18 =	sadd.s32 $0x1200, s6  }
0x12: {  	s19 =	sadd.s32 $0x1400, s6;
	s20 =	sadd.s32 $0x1600, s6;
	[dreg:$0x6] =	wrdreg s11  }
0x13: {  	s21 =	sadd.s32 $0x1800, s6;
	s22 =	sadd.s32 $0x1A00, s6;
	[dreg:$0x9] =	wrdreg s23  }
0x14: {  	s28 =	sadd.s32 $0x2200, s6;
	s29 =	sadd.s32 $0x2400, s6;
	[dreg:$0xa] =	wrdreg s24  }
0x15: {  	s30 =	sadd.s32 $0x2600, s6;
	s1 =	simm.s32 $0x5;
	[dreg:$0xb] =	wrdreg s25  }
0x16: {  	s5 =	simm.s32 $0x1;
	[dreg:$0xc] =	wrdreg s26;
	s23 =	sadd.s32 $0x1C00, s6  }
0x17: {  	s24 =	sadd.s32 $0x1E00, s6;
	s25 =	sshrl.u32 s13, $0x3;
	s26 =	sadd.s32 $0x2000, s6  }
.LBB2_1:
0x18: {  	s11 =	rddreg [dreg:$0x4]  }
0x19: {  	[tilespmem:s31], [sflag:$0x5] =	stream.linear.gather [hbm4b:s11+s3], $0x200, $0x38;
	[tilespmem:$0x5A00] =	vst v63  }
0x1a: {  	_ =	swait.ge [sflag:s1], $0x200  }
0x1b: {  	[sflag:s1] =	ssyncset.done $0x0  }
0x1c: {  	s13 =	rddreg [dreg:$0x5];
	[sflag:s1] =	ssyncadd.s32 $0xFFFFFE00  }
0x1d: {  	[tilespmem:s0], [sflag:$0x5] =	stream.linear.gather [hbm4b:s13+s3], $0x800, $0x38;
	[tilespmem:$0x5A00] =	vst v63  }
0x1e: {  	_ =	swait.ge [sflag:s1], $0x800  }
0x1f: {  	[sflag:s1] =	ssyncset.done $0x0  }
0x20: {  	[sflag:s1] =	ssyncadd.s32 $0xFFFFF800  }
0x21: {  	[spmem:s6] =	stream.linear.scatter [tilespmem:s31], [sflag:$0x5], $0x200, $0x38;
	[tilespmem:$0x5A00] =	vst v63  }
0x22: {  	_ =	swait.ge [sflag:s1], $0x200  }
0x23: {  	[sflag:s1] =	ssyncset.done $0x0  }
0x24: {  	s12 =	rddreg [dreg:$0x9];
	[sflag:s1] =	ssyncadd.s32 $0xFFFFFE00  }
0x25: {  	[spmem:s12] =	stream.linear.scatter [tilespmem:s31], [sflag:$0x5], $0x200, $0x38;
	[tilespmem:$0x5A00] =	vst v63  }
0x26: {  	_ =	swait.ge [sflag:s1], $0x200  }
0x27: {  	[sflag:s1] =	ssyncset.done $0x0  }
0x28: {  	s13 =	rddreg [dreg:$0xa];
	[sflag:s1] =	ssyncadd.s32 $0xFFFFFE00  }
0x29: {  	[spmem:s13] =	stream.linear.scatter [tilespmem:s31], [sflag:$0x5], $0x200, $0x38;
	[tilespmem:$0x5A00] =	vst v63  }
0x2a: {  	_ =	swait.ge [sflag:s1], $0x200  }
0x2b: {  	[sflag:s1] =	ssyncset.done $0x0  }
0x2c: {  	s12 =	rddreg [dreg:$0xb];
	[sflag:s1] =	ssyncadd.s32 $0xFFFFFE00  }
0x2d: {  	[spmem:s12] =	stream.linear.scatter [tilespmem:s31], [sflag:$0x5], $0x200, $0x38;
	[tilespmem:$0x5A00] =	vst v63  }
0x2e: {  	_ =	swait.ge [sflag:s1], $0x200  }
0x2f: {  	[sflag:s1] =	ssyncset.done $0x0  }
0x30: {  	s13 =	rddreg [dreg:$0xc];
	[sflag:s1] =	ssyncadd.s32 $0xFFFFFE00  }
0x31: {  	[spmem:s13] =	stream.linear.scatter [tilespmem:s31], [sflag:$0x5], $0x200, $0x38;
	[tilespmem:$0x5A00] =	vst v63  }
0x32: {  	_ =	swait.ge [sflag:s1], $0x200  }
0x33: {  	[sflag:s1] =	ssyncset.done $0x0  }
0x34: {  	[sflag:s1] =	ssyncadd.s32 $0xFFFFFE00  }
0x35: {  	[spmem:s14] =	stream.linear.scatter [tilespmem:s31], [sflag:$0x5], $0x200, $0x38;
	[tilespmem:$0x5A00] =	vst v63  }
0x36: {  	_ =	swait.ge [sflag:s1], $0x200  }
0x37: {  	[sflag:s1] =	ssyncset.done $0x0  }
0x38: {  	[sflag:s1] =	ssyncadd.s32 $0xFFFFFE00  }
0x39: {  	[spmem:s15] =	stream.linear.scatter [tilespmem:s31], [sflag:$0x5], $0x200, $0x38;
	[tilespmem:$0x5A00] =	vst v63  }
0x3a: {  	_ =	swait.ge [sflag:s1], $0x200  }
0x3b: {  	[sflag:s1] =	ssyncset.done $0x0  }
0x3c: {  	[sflag:s1] =	ssyncadd.s32 $0xFFFFFE00  }
0x3d: {  	[spmem:s16] =	stream.linear.scatter [tilespmem:s31], [sflag:$0x5], $0x200, $0x38;
	[tilespmem:$0x5A00] =	vst v63  }
0x3e: {  	_ =	swait.ge [sflag:s1], $0x200  }
0x3f: {  	[sflag:s1] =	ssyncset.done $0x0  }
0x40: {  	[sflag:s1] =	ssyncadd.s32 $0xFFFFFE00  }
0x41: {  	[spmem:s17] =	stream.linear.scatter [tilespmem:s31], [sflag:$0x5], $0x200, $0x38;
	[tilespmem:$0x5A00] =	vst v63  }
0x42: {  	_ =	swait.ge [sflag:s1], $0x200  }
0x43: {  	[sflag:s1] =	ssyncset.done $0x0  }
0x44: {  	[sflag:s1] =	ssyncadd.s32 $0xFFFFFE00  }
0x45: {  	[spmem:s18] =	stream.linear.scatter [tilespmem:s31], [sflag:$0x5], $0x200, $0x38;
	[tilespmem:$0x5A00] =	vst v63  }
0x46: {  	_ =	swait.ge [sflag:s1], $0x200  }
0x47: {  	[sflag:s1] =	ssyncset.done $0x0  }
0x48: {  	[sflag:s1] =	ssyncadd.s32 $0xFFFFFE00  }
0x49: {  	[spmem:s19] =	stream.linear.scatter [tilespmem:s31], [sflag:$0x5], $0x200, $0x38;
	[tilespmem:$0x5A00] =	vst v63  }
0x4a: {  	_ =	swait.ge [sflag:s1], $0x200  }
0x4b: {  	[sflag:s1] =	ssyncset.done $0x0  }
0x4c: {  	[sflag:s1] =	ssyncadd.s32 $0xFFFFFE00  }
0x4d: {  	[spmem:s20] =	stream.linear.scatter [tilespmem:s31], [sflag:$0x5], $0x200, $0x38;
	[tilespmem:$0x5A00] =	vst v63  }
0x4e: {  	_ =	swait.ge [sflag:s1], $0x200  }
0x4f: {  	[sflag:s1] =	ssyncset.done $0x0  }
0x50: {  	[sflag:s1] =	ssyncadd.s32 $0xFFFFFE00  }
0x51: {  	[spmem:s21] =	stream.linear.scatter [tilespmem:s31], [sflag:$0x5], $0x200, $0x38;
	[tilespmem:$0x5A00] =	vst v63  }
0x52: {  	_ =	swait.ge [sflag:s1], $0x200  }
0x53: {  	[sflag:s1] =	ssyncset.done $0x0  }
0x54: {  	[sflag:s1] =	ssyncadd.s32 $0xFFFFFE00  }
0x55: {  	[spmem:s22] =	stream.linear.scatter [tilespmem:s31], [sflag:$0x5], $0x200, $0x38;
	[tilespmem:$0x5A00] =	vst v63  }
0x56: {  	_ =	swait.ge [sflag:s1], $0x200  }
0x57: {  	[sflag:s1] =	ssyncset.done $0x0  }
0x58: {  	[sflag:s1] =	ssyncadd.s32 $0xFFFFFE00  }
0x59: {  	[spmem:s23] =	stream.linear.scatter [tilespmem:s31], [sflag:$0x5], $0x200, $0x38;
	[tilespmem:$0x5A00] =	vst v63  }
0x5a: {  	_ =	swait.ge [sflag:s1], $0x200  }
0x5b: {  	[sflag:s1] =	ssyncset.done $0x0  }
0x5c: {  	[sflag:s1] =	ssyncadd.s32 $0xFFFFFE00  }
0x5d: {  	[spmem:s24] =	stream.linear.scatter [tilespmem:s31], [sflag:$0x5], $0x200, $0x38;
	[tilespmem:$0x5A00] =	vst v63  }
0x5e: {  	_ =	swait.ge [sflag:s1], $0x200  }
0x5f: {  	[sflag:s1] =	ssyncset.done $0x0  }
0x60: {  	[sflag:s1] =	ssyncadd.s32 $0xFFFFFE00  }
0x61: {  	[spmem:s26] =	stream.linear.scatter [tilespmem:s31], [sflag:$0x5], $0x200, $0x38;
	[tilespmem:$0x5A00] =	vst v63  }
0x62: {  	_ =	swait.ge [sflag:s1], $0x200  }
0x63: {  	[sflag:s1] =	ssyncset.done $0x0  }
0x64: {  	[sflag:s1] =	ssyncadd.s32 $0xFFFFFE00  }
0x65: {  	[spmem:s28] =	stream.linear.scatter [tilespmem:s31], [sflag:$0x5], $0x200, $0x38;
	[tilespmem:$0x5A00] =	vst v63  }
0x66: {  	_ =	swait.ge [sflag:s1], $0x200  }
0x67: {  	[sflag:s1] =	ssyncset.done $0x0  }
0x68: {  	[sflag:s1] =	ssyncadd.s32 $0xFFFFFE00  }
0x69: {  	[spmem:s29] =	stream.linear.scatter [tilespmem:s31], [sflag:$0x5], $0x200, $0x38;
	[tilespmem:$0x5A00] =	vst v63  }
0x6a: {  	_ =	swait.ge [sflag:s1], $0x200  }
0x6b: {  	[sflag:s1] =	ssyncset.done $0x0  }
0x6c: {  	[sflag:s1] =	ssyncadd.s32 $0xFFFFFE00  }
0x6d: {  	[spmem:s30] =	stream.linear.scatter [tilespmem:s31], [sflag:$0x5], $0x200, $0x38;
	[tilespmem:$0x5A00] =	vst v63  }
0x6e: {  	_ =	swait.ge [sflag:s1], $0x200  }
0x6f: {  	[sflag:s1] =	ssyncset.done $0x0  }
0x70: {  	[sflag:s1] =	ssyncadd.s32 $0xFFFFFE00  }
0x71: {  	[bflag:$0x0] =	sbarrier.arrive $0xFFFF  }
0x72: {  	s12 =	rddreg [dreg:$0x6]  }
0x73: {  	[tilespmem:s3], [sflag:$0x5] =	stream.linear.gather [hbm4b:s12+s3], $0x2800, $0x38;
	[tilespmem:$0x5A00] =	vst v63  }
0x74: {  	_ =	swait.ge [sflag:s1], $0x2800  }
0x75: {  	[sflag:s1] =	ssyncset.done $0x0  }
0x76: {  	[sflag:s1] =	ssyncadd.s32 $0xFFFFD800  }
0x77: {  	[spmem:s2] =	stream.indirect.scatter.add.f32 [tilespmem:s0], [sflag:$0x1], $0x10, s3, s4, $0xb8;
	[tilespmem:$0x5A00] =	vst v63  }
0x78: {  	_ = 	snop  }
0x79: {  	[spmem:s2] =	stream.indirect.scatter.add.f32 [tilespmem:s0], [sflag:$0x2], $0x10, s4, s4, $0xb8;
	[tilespmem:$0x5A00] =	vst v63  }
0x7a: {  	s13 =	simm.s32 $0x100  }
0x7b: {  	[spmem:s2] =	stream.indirect.scatter.add.f32 [tilespmem:s0], [sflag:$0x3], $0x10, s13, s4, $0xb8;
	[tilespmem:$0x5A00] =	vst v63  }
0x7c: {  	s12 =	simm.s32 $0x180  }
0x7d: {  	[spmem:s2] =	stream.indirect.scatter.add.f32 [tilespmem:s0], [sflag:$0x4], $0x10, s12, s4, $0xb8;
	[tilespmem:$0x5A00] =	vst v63  }
0x7e: {  	_ =	swait.ge [sflag:s5], $0x800  }
0x7f: {  	[sflag:s5] =	ssyncset.done $0x0  }
0x80: {  	s13 =	simm.s32 $0x200;
	[sflag:s5] =	ssyncadd.s32 $0xFFFFF800  }
0x81: {  	[spmem:s2] =	stream.indirect.scatter.add.f32 [tilespmem:s0], [sflag:$0x1], $0x10, s13, s4, $0xb8;
	[tilespmem:$0x5A00] =	vst v63  }
0x82: {  	_ =	swait.ge [sflag:s7], $0x800  }
0x83: {  	[sflag:s7] =	ssyncset.done $0x0  }
0x84: {  	s12 =	simm.s32 $0x280;
	[sflag:s7] =	ssyncadd.s32 $0xFFFFF800  }
0x85: {  	[spmem:s2] =	stream.indirect.scatter.add.f32 [tilespmem:s0], [sflag:$0x2], $0x10, s12, s4, $0xb8;
	[tilespmem:$0x5A00] =	vst v63  }
0x86: {  	_ =	swait.ge [sflag:s8], $0x800  }
0x87: {  	[sflag:s8] =	ssyncset.done $0x0  }
0x88: {  	s13 =	simm.s32 $0x300;
	[sflag:s8] =	ssyncadd.s32 $0xFFFFF800  }
0x89: {  	[spmem:s2] =	stream.indirect.scatter.add.f32 [tilespmem:s0], [sflag:$0x3], $0x10, s13, s4, $0xb8;
	[tilespmem:$0x5A00] =	vst v63  }
0x8a: {  	_ =	swait.ge [sflag:s9], $0x800  }
0x8b: {  	[sflag:s9] =	ssyncset.done $0x0  }
0x8c: {  	s11 =	simm.s32 $0xFFFF7000;
	s12 =	simm.s32 $0x380;
	[sflag:s9] =	ssyncadd.s32 $0xFFFFF800  }
.LBB2_2:
0x8d: {  	[spmem:s2] =	stream.indirect.scatter.add.f32 [tilespmem:s0], [sflag:$0x4], $0x10, s12, s4, $0xb8;
	[tilespmem:$0x5A00] =	vst v63  }
0x8e: {  	s12 =	smov.u32 s11  }
0x8f: {  	p0 =	sne.s32 s11, $0xFFFFF800;
	s11 =	sadd.s32 $0x800, s11;
	_ =	swait.ge [sflag:s5], $0x800  }
0x90: {  	s12 =	sshra.s32 s12, $0x2;
	[sflag:s5] =	ssyncset.done $0x0  }
0x91: {  	s13 =	sadd.s32 $0x2800, s12;
	[sflag:s5] =	ssyncadd.s32 $0xFFFFF800  }
0x92: {  	[spmem:s2] =	stream.indirect.scatter.add.f32 [tilespmem:s0], [sflag:$0x1], $0x10, s13, s4, $0xb8;
	[tilespmem:$0x5A00] =	vst v63  }
0x93: {  	_ =	swait.ge [sflag:s7], $0x800  }
0x94: {  	[sflag:s7] =	ssyncset.done $0x0  }
0x95: {  	s13 =	sadd.s32 $0x2880, s12;
	[sflag:s7] =	ssyncadd.s32 $0xFFFFF800  }
0x96: {  	[spmem:s2] =	stream.indirect.scatter.add.f32 [tilespmem:s0], [sflag:$0x2], $0x10, s13, s4, $0xb8;
	[tilespmem:$0x5A00] =	vst v63  }
0x97: {  	_ =	swait.ge [sflag:s8], $0x800  }
0x98: {  	[sflag:s8] =	ssyncset.done $0x0  }
.Ltmp0:
0x99: {  	s13 =	sadd.s32 $0x2900, s12;
	[sflag:s8] =	ssyncadd.s32 $0xFFFFF800;
	(pc) =	sbr.rel @p0 .LBB2_2-.Ltmp0, $4  }
0x9a: {  	[spmem:s2] =	stream.indirect.scatter.add.f32 [tilespmem:s0], [sflag:$0x3], $0x10, s13, s4, $0xb8;
	[tilespmem:$0x5A00] =	vst v63  }
0x9b: {  	_ =	swait.ge [sflag:s9], $0x800  }
0x9c: {  	[sflag:s9] =	ssyncset.done $0x0  }
0x9d: {  	s12 =	sadd.s32 $0x2980, s12;
	[sflag:s9] =	ssyncadd.s32 $0xFFFFF800  }
0x9e: {  	[spmem:s2] =	stream.indirect.scatter.add.f32 [tilespmem:s0], [sflag:$0x4], $0x10, s12, s4, $0xb8;
	[tilespmem:$0x5A00] =	vst v63  }
0x9f: {  	_ =	swait.ge [sflag:s5], $0x800  }
0xa0: {  	[sflag:s5] =	ssyncset.done $0x0  }
0xa1: {  	[sflag:s5] =	ssyncadd.s32 $0xFFFFF800  }
0xa2: {  	_ =	swait.ge [sflag:s7], $0x800  }
0xa3: {  	[sflag:s7] =	ssyncset.done $0x0  }
0xa4: {  	[sflag:s7] =	ssyncadd.s32 $0xFFFFF800  }
0xa5: {  	_ =	swait.ge [sflag:s8], $0x800  }
0xa6: {  	[sflag:s8] =	ssyncset.done $0x0  }
0xa7: {  	[sflag:s8] =	ssyncadd.s32 $0xFFFFF800  }
0xa8: {  	_ =	swait.ge [sflag:s9], $0x800  }
0xa9: {  	[sflag:s9] =	ssyncset.done $0x0  }
0xaa: {  	s11 =	stileid.u32;
	[sflag:s9] =	ssyncadd.s32 $0xFFFFF800  }
0xab: {  	s11 =	sshll.u32 s11, $0x6;
	[bflag:$0x0] =	sbarrier.arrive $0xFFFF  }
0xac: {  	s11 =	sor.u32 $0x1C05, s11;
	s13 =	rddreg [dreg:$0x7]  }
0xad: {  	[hbm:s13], [sflag:s11] =	dma.local [spmem:s25], $0x500  }
0xae: {  	_ =	swait.ge [sflag:s1], $0x500  }
0xaf: {  	s10 =	sadd.s32 $0x1, s10;
	s13 =	rddreg [dreg:$0x8]  }
0xb0: {  	p0 =	sne.s32 s10, s13  }
.Ltmp1:
0xb1: {  	_ = 	snop;
	(pc) =	sbr.rel @p0 .LBB2_1-.Ltmp1, $3  }
0xb2: {  	_ =	sdelay $0x1  }
0xb3: {  	[sflag:s1] =	ssyncset.done $0x0  }
0xb4: {  	[sflag:s1] =	ssyncadd.s32 $0xFFFFFB00  }
0xb5: {  	_ =	sfence.sel $0x180000  }
0xb6: {  	[bflag:$0x0] =	sbarrier.arrive $0xFFFF  }
0xb7: {  	_ =	strace $0x90000047  }
0xb8: {  	s0 =	stileid.u32;
	[bflag:$0x2] =	sbarrier.arrive $0xFFFF  }
0xb9: {  	p0 =	sne.s32 s0, $0x0;
	s0 =	rddreg [dreg:$0x3]  }
0xba: {  	s0 =	sadd.s32 @!p0 $0x100000, s0  }
0xbb: {  	[sflag:s0] =	ssyncadd.tile.s32 @!p0 $0x1;
	_ =	shalt  }
.Lfunc_end2:
_tile_overlayer_lowered:
.L_overlay_start_2:
0xbc: {  	(tag) =	ssettag $0x2  }
0xbd: {  	s0 =	rddreg [dreg:$0x0];
	s2 =	stileid.u32  }
0xbe: {  	s1 =	rddreg [dreg:$0x1];
	p0 =	sne.s32 s2, $0x0  }
0xbf: {  	s3 =	rddreg [dreg:$0x2];
	[bflag:$0x3] =	sbarrier.arrive $0xFFFF;
	s2 =	simm.s32 @!p0 $0x1C05  }
0xc0: {  	[timem:s3], [sflag:s2] =	dma.local @!p0 [hbm:s0], s1  }
0xc1: {  	s0 =	simm.s32 @!p0 $0x5  }
0xc2: {  	_ =	swait.ge @!p0 [sflag:s0], s1  }
0xc3: {  	s1 =	ssub.s32 @!p0 $0x0, s1;
	[sflag:s0] =	ssyncset.done @!p0 $0x0  }
0xc4: {  	[sflag:s0] =	ssyncadd.s32 @!p0 s1  }
0xc5: {  	[bflag:$0x3] =	sbarrier.arrive $0xFFFF  }
0xc6: {  	_ =	shalt  }

// kernel: kernel.13.cloned.1.call-start
scs
__scs_entry_jumppad:
0x0: {  	(pc) =	sbr.rel $0x88, $3  }
0x1: {  	(tag) =	ssettag $0x0;
	lr =	simm.s32 $0x1  }
0x2: {  	[smem:$0x3F99] =	sst lr;
	_ =	strace $0xD0000000  }
0x3: {  	_ = 	snop  }
0x4: {  	_ = 	snop  }
0x5: {  	_ = 	snop  }
0x6: {  	_ = 	snop  }
0x7: {  	_ = 	snop  }
__scs_overlays_trampoline_lowered:
0x8: {  	[smem:$0x3FA8] =	sst s0  }
0x9: {  	[smem:$0x3FA9] =	sst s1  }
0xa: {  	[smem:$0x3FAA] =	sst s2  }
0xb: {  	[smem:$0x3FAB] =	sst s3  }
0xc: {  	[smem:$0x3FAC] =	sst s4  }
0xd: {  	[smem:$0x3FAD] =	sst s5  }
0xe: {  	[smem:$0x3FAE] =	sst s6  }
0xf: {  	[smem:$0x3FAF] =	sst s7  }
0x10: {  	[smem:$0x3FB0] =	sst s8  }
0x11: {  	[smem:$0x3FB1] =	sst s9;
	s0 =	simm.s32 @!p0 $0x0  }
0x12: {  	s1 =	sld [smem:$0x3F97];
	s0 =	simm.s32 @p0 $0x1  }
0x13: {  	[smem:$0x3FB2] =	sst s0;
	s0 =	simm.s32 @!p1 $0x0  }
0x14: {  	s2 =	sld [smem:$0x3F96];
	s0 =	simm.s32 @p1 $0x1  }
0x15: {  	[smem:$0x3FB3] =	sst s0;
	s0 =	simm.s32 @!p2 $0x0  }
0x16: {  	s3 =	sld [smem:$0x3FDB];
	s0 =	simm.s32 @p2 $0x1  }
0x17: {  	s4 =	simm.s32 $0x1BF5;
	[smem:$0x3FB5] =	sst s0  }
0x18: {  	s0 =	sld [smem:$0x3F98];
	_ =	swait.ge [sflag:s4], $0x0  }
0x19: {  	s7 =	sld [smem:$0x3F99]  }
0x1a: {  	s8 =	sadd.s32 $0xFFFFE003, lr  }
0x1b: {  	s9 =	sadd.s32 $0xFFFFFEF7, lr;
	s5 =	simm.s32 $0xFFFFFFFF;
	p2 =	slt.u32 s8, $0xFFFFF086  }
0x1c: {  	p1 =	slt.u32 s9, $0xF7A;
	s5 =	simm.s32 @!p2 $0x0  }
0x1d: {  	s5 =	simm.s32 @p1 $0x1;
	p0 =	seq.s32 s7, s2  }
0x1e: {  	s7 =	smul.u32 @!p0 $0xF7A, s2;
	p2 =	seq.s32 @!p0 s5, $0x0  }
0x1f: {  	s9 =	smul.u32 $0xF7A, s1;
	s8 =	simm.s32 @!p0 $0x1BF5;
	p2 =	por !p2, p0  }
0x20: {  	[sflag:s8] =	ssyncset.s32 @!p0 $0xFFFFF086;
	s6 =	sadd.s32 @!p0 s3, s7;
	s7 =	simm.s32 @!p0 $0x108  }
0x21: {  	s3 =	sadd.s32 s3, s9;
	s6 =	sadd.s32 @!p0 $0x88, s6;
	s7 =	simm.s32 @p2 $0x1082  }
0x22: {  	[simem:s7], [sflag:s8] =	dma.local @!p0 [hbm:s6], $0xF7A  }
0x23: {  	s9 =	sor.u32 $0xD0000000, s2;
	s6 =	simm.s32 $0x108;
	_ =	swait.ge @!p0 [sflag:s8], $0x0  }
0x24: {  	s3 =	sadd.s32 $0x88, s3;
	s6 =	simm.s32 @!p1 $0x1082;
	[sflag:s4] =	ssyncset.s32 $0xFFFFF086  }
0x25: {  	[simem:s6], [sflag:s4] =	dma.local [hbm:s3], $0xF7A  }
0x26: {  	[smem:$0x3F99] =	sst s1;
	(tag) =	ssettag s2;
	_ =	strace s9  }
0x27: {  	s1 =	sld [smem:$0x3FA9]  }
0x28: {  	s2 =	sld [smem:$0x3FAA]  }
0x29: {  	s4 =	sld [smem:$0x3FAC]  }
0x2a: {  	p0 =	seq.s32 s5, $0x0;
	s5 =	sld [smem:$0x3FAD]  }
0x2b: {  	s6 =	sld [smem:$0x3FAE]  }
0x2c: {  	s7 =	sld [smem:$0x3FAF]  }
0x2d: {  	s3 =	simm.s32 $0x108;
	s8 =	sld [smem:$0x3FB0]  }
0x2e: {  	s3 =	simm.s32 @!p0 $0x1082;
	s9 =	sld [smem:$0x3FB1]  }
0x2f: {  	lr =	sadd.s32 s0, s3;
	s0 =	sld [smem:$0x3FA8]  }
0x30: {  	s3 =	sld [smem:$0x3FAB]  }
0x31: {  	[smem:$0x3FB4] =	sst s10  }
0x32: {  	s10 =	sld [smem:$0x3FB2];
	_ =	sdelay $0x3  }
0x33: {  	p0 =	seq.s32 s10, $0x1;
	s10 =	sld [smem:$0x3FB4];
	_ =	sdelay $0x3  }
0x34: {  	[smem:$0x3FB4] =	sst s10  }
0x35: {  	s10 =	sld [smem:$0x3FB3];
	_ =	sdelay $0x3  }
0x36: {  	p1 =	seq.s32 s10, $0x1;
	s10 =	sld [smem:$0x3FB4];
	_ =	sdelay $0x3  }
0x37: {  	[smem:$0x3FB4] =	sst s10  }
0x38: {  	s10 =	sld [smem:$0x3FB5]  }
0x39: {  	_ = 	snop;
	(pc) =	sbr.ind lr, $3  }
0x3a: {  	_ = 	snop  }
0x3b: {  	_ = 	snop  }
0x3c: {  	p2 =	seq.s32 s10, $0x1;
	s10 =	sld [smem:$0x3FB4]  }
0x3d: {  	_ =	shalt  }
0x3e: {  	_ =	shalt  }
0x3f: {  	_ =	shalt  }
0x40: {  	_ =	shalt  }
0x41: {  	_ =	shalt  }
0x42: {  	_ =	shalt  }
0x43: {  	_ =	shalt  }
0x44: {  	_ =	shalt  }
0x45: {  	_ =	shalt  }
0x46: {  	_ =	shalt  }
0x47: {  	_ =	shalt  }
0x48: {  	_ =	shalt  }
0x49: {  	_ =	shalt  }
0x4a: {  	_ =	shalt  }
0x4b: {  	_ =	shalt  }
0x4c: {  	_ =	shalt  }
0x4d: {  	_ =	shalt  }
0x4e: {  	_ =	shalt  }
0x4f: {  	_ =	shalt  }
0x50: {  	_ =	shalt  }
0x51: {  	_ =	shalt  }
0x52: {  	_ =	shalt  }
0x53: {  	_ =	shalt  }
0x54: {  	_ =	shalt  }
0x55: {  	_ =	shalt  }
0x56: {  	_ =	shalt  }
0x57: {  	_ =	shalt  }
0x58: {  	_ =	shalt  }
0x59: {  	_ =	shalt  }
0x5a: {  	_ =	shalt  }
0x5b: {  	_ =	shalt  }
0x5c: {  	_ =	shalt  }
0x5d: {  	_ =	shalt  }
0x5e: {  	_ =	shalt  }
0x5f: {  	_ =	shalt  }
0x60: {  	_ =	shalt  }
0x61: {  	_ =	shalt  }
0x62: {  	_ =	shalt  }
0x63: {  	_ =	shalt  }
0x64: {  	_ =	shalt  }
0x65: {  	_ =	shalt  }
0x66: {  	_ =	shalt  }
0x67: {  	_ =	shalt  }
0x68: {  	_ =	shalt  }
0x69: {  	_ =	shalt  }
0x6a: {  	_ =	shalt  }
0x6b: {  	_ =	shalt  }
0x6c: {  	_ =	shalt  }
0x6d: {  	_ =	shalt  }
0x6e: {  	_ =	shalt  }
0x6f: {  	_ =	shalt  }
0x70: {  	_ =	shalt  }
0x71: {  	_ =	shalt  }
0x72: {  	_ =	shalt  }
0x73: {  	_ =	shalt  }
0x74: {  	_ =	shalt  }
0x75: {  	_ =	shalt  }
0x76: {  	_ =	shalt  }
0x77: {  	_ =	shalt  }
0x78: {  	_ =	shalt  }
0x79: {  	_ =	shalt  }
0x7a: {  	_ =	shalt  }
0x7b: {  	_ =	shalt  }
0x7c: {  	_ =	shalt  }
0x7d: {  	_ =	shalt  }
0x7e: {  	_ =	shalt  }
0x7f: {  	_ =	shalt  }
0x80: {  	_ =	shalt  }
0x81: {  	_ =	shalt  }
0x82: {  	_ =	shalt  }
0x83: {  	_ =	shalt  }
0x84: {  	_ =	shalt  }
0x85: {  	_ =	shalt  }
0x86: {  	_ =	shalt  }
0x87: {  	_ =	shalt  }
.Lfunc_end0:
.L_simem_size_0:
called_computation.2_lowered:
.L_overlay_start_0:
0x88: {  	s2 =	sld [smem:$0x3FD9]  }
0x89: {  	s3 =	sld [smem:$0x3FFE];
	_ =	sdelay $0x1  }
0x8a: {  	s1 =	srdreg.scid  }
0x8b: {  	s0 =	sand.u32 $0x1, s1  }
0x8c: {  	s17 =	sshll.u32 s0, $0xA;
	s2 =	sadd.s32 s3, s2  }
0x8d: {  	s2 =	sadd.s32 s2, s17  }
0x8e: {  	[smem:$0x3FC0] =	sst s2  }
0x8f: {  	_ = 	snop  }
0x90: {  	s2 =	sld [smem:$0x3FD0];
	(tm) =	ssettm $0x1  }
0x91: {  	s18 =	sld [smem:$0x3FFB];
	_ =	sdelay $0x3  }
0x92: {  	_ =	strace s18  }
0x93: {  	s3 =	sld [smem:$0x3FFC];
	_ =	sdelay $0x3  }
0x94: {  	_ =	strace s3  }
0x95: {  	s3 =	sld [smem:$0x3FFD];
	_ =	sdelay $0x3  }
0x96: {  	_ =	strace s3  }
0x97: {  	_ =	strace $0x8FFFFFFF  }
0x98: {  	s19 =	sld [smem:$0x3FDB];
	_ =	sdelay $0x1  }
0x99: {  	s4 =	simm.s32 $_scs_section_size  }
0x9a: {  	s5 =	simm.s32 $_size__tile_overlayer_lowered;
	s6 =	simm.s32 $_tile_overlayer_lowered  }
0x9b: {  	s22 =	simm.s32 $0x1BFF;
	s21 =	sshll.u32 s6, $0x1;
	s3 =	sadd.s32 s4, s19  }
0x9c: {  	s7 =	simm.s32 $0x0;
	s20 =	sshll.u32 s5, $0x1;
	s5 =	sadd.s32 s21, s3  }
0x9d: {  	[timem:s7], [sflag:s22] =	dma.local [hbm:s5], s20  }
0x9e: {  	_ =	swait.ge [sflag:s22], s20  }
0x9f: {  	s4 =	ssub.s32 $0x0, s20;
	[sflag:s22] =	ssyncset.done $0x0  }
0xa0: {  	[sflag:s22] =	ssyncadd.s32 s4;
	_ =	sdelay $0x1  }
0xa1: {  	s23 =	simm.s32 $0x1B8B  }
0xa2: {  	_ =	swait.ge [sflag:s23], $0x1  }
0xa3: {  	[sflag:s23] =	ssyncset.done $0x0  }
0xa4: {  	s25 =	simm.s32 $0x1B8E;
	s24 =	sld [smem:$0x3FFE];
	[sflag:s23] =	ssyncadd.s32 $0xFFFFFFFF  }
0xa5: {  	s26 =	simm.s32 $execute0_lowered;
	[smem:$0x3FD2] =	sst s25  }
0xa6: {  	s5 =	sshll.u32 s26, $0x1;
	_ =	strace $0x8000004C;
	[dreg:$0x1] =	wrdreg $0xFFFFFFFF  }
0xa7: {  	s28 =	simm.s32 $_size_execute0_lowered;
	s3 =	sadd.s32 s3, s5;
	[dreg:$0x0] =	wrdreg $0x0  }
0xa8: {  	s5 =	sshll.u32 s28, $0x1;
	[dreg:$0x2] =	wrdreg s3  }
0xa9: {  	[dreg:$0x3] =	wrdreg s5  }
0xaa: {  	[dreg:$0x4] =	wrdreg $0xC0  }
0xab: {  	_ =	task [dreg:s7], $0x5FFFF  }
0xac: {  	[dreg:$0x1] =	wrdreg $0xFFFFFFFF  }
0xad: {  	[dreg:$0x0] =	wrdreg $0x60  }
0xae: {  	[dreg:$0x2] =	wrdreg s2  }
0xaf: {  	[dreg:$0x3] =	wrdreg s24  }
0xb0: {  	[dreg:$0x4] =	wrdreg $0xA8000  }
0xb1: {  	[dreg:$0x5] =	wrdreg $0x9  }
0xb2: {  	_ =	task.clear_ibuf [dreg:s7], $0x6FFFF;
	_ =	strace $0x9000004C  }
0xb3: {  	s29 =	simm.s32 $0x9;
	_ =	strace $0x8000004E  }
0xb4: {  	_ =	swait.ge [sflag:s29], $0x1  }
0xb5: {  	[sflag:s29] =	ssyncadd.s32 $0xFFFFFFFF  }
0xb6: {  	_ =	strace $0x9000004E  }
0xb7: {  	_ =	sfence  }
0xb8: {  	s30 =	sld [smem:$0x0];
	_ =	sdelay $0x2  }
0xb9: {  	s31 =	sshll.u32 s1, $0xD;
	s1 =	sshrl.u32 s1, $0x2  }
0xba: {  	s3 =	sand.u32 $0x4000, s31;
	s1 =	sadd.s32 s1, s30  }
0xbb: {  	s0 =	sor.u32 s3, s0;
	s1 =	sshll.u32 s1, $0x11  }
0xbc: {  	s0 =	sor.u32 s1, s0  }
0xbd: {  	s0 =	sadd.s32 $0x8F2B, s0  }
0xbe: {  	[sflag:s0] =	ssyncadd.remote.s32 $0x1  }
0xbf: {  	_ =	sfence.sel $0xFFFF  }
0xc0: {  	[dreg:$0x0] =	wrdreg $0xFFFFFFFF;
	(pc) =	sbr.abs _section_cstart, $3  }
0xc1: {  	[dreg:$0x1] =	wrdreg $0xFFFFFFFF  }
0xc2: {  	_ =	task.clear_ibuf [dreg:s7], $0x2FFFF;
	_ =	strace $0x9FFFFFFF  }
0xc3: {  	(tm) =	ssettm $0x7FFFFFFF  }
tec
execute0_lowered:
.L_overlay_start_1:
0x0: {  	(tag) =	ssettag $0x1  }
0x1: {  	s1 =	rddreg [dreg:$0x0]  }
0x2: {  	s0 =	rddreg [dreg:$0x1]  }
0x3: {  	s2 =	rddreg [dreg:$0x2];
	s4 =	simm.s32 $0x0  }
0x4: {  	s3 =	srdreg.scid;
	s9 =	stileid.u32;
	s11 =	simm.s32 $0x1380  }
0x5: {  	[smem:$0x7FF] =	sst s4;
	s3 =	sand.u32 $0x1, s3;
	s6 =	smul.u32 $0x14000, s9  }
0x6: {  	s7 =	sadd.s32 $0x2800, s0;
	s8 =	sadd.s32 $0xC800, s0;
	s12 =	smul.u32 $0x140000, s3  }
0x7: {  	_ =	strace $0x8000004D;
	s5 =	sshll.u32 s3, $0x4;
	s3 =	ssub.s32 $0x2, s3  }
0x8: {  	s5 =	sor.u32 s9, s5;
	s9 =	smul.u32 $0x50000, s9;
	s13 =	sshrl.u32 s3, $0x1  }
0x9: {  	s18 =	sadd.s32 s6, s2;
	s4 =	sadd.s32 s6, s12;
	s10 =	smul.u32 $0x2800, s5  }
0xa: {  	s3 =	ssub.s32 s3, s13;
	s6 =	simm.s32 $0x1400;
	s12 =	simm.s32 $0x2700  }
0xb: {  	s13 =	simm.s32 $0x2780;
	s4 =	sshrl.u32 s4, $0x3;
	s14 =	sshrl.u32 s9, $0x2  }
0xc: {  	s3 =	smax.u32 s3, $0x1;
	s9 =	simm.s32 $0x1;
	s15 =	sshrl.u32 s10, $0x3  }
0xd: {  	s0 =	sadd.s32 s4, s0;
	[dreg:$0x9] =	wrdreg s3;
	s16 =	sadd.s32 s7, s15  }
0xe: {  	s5 =	sadd.s32 s14, s2;
	s17 =	sadd.s32 s8, s15;
	[dreg:$0x4] =	wrdreg s16  }
0xf: {  	s3 =	simm.s32 $0x2800;
	s0 =	sadd.s32 $0x16800, s0;
	[dreg:$0x5] =	wrdreg s17  }
0x10: {  	s10 =	simm.s32 $0x2;
	s19 =	sadd.s32 $0x1000, s5;
	[dreg:$0x8] =	wrdreg s0  }
0x11: {  	s14 =	simm.s32 $0x0;
	s20 =	sadd.s32 $0x2000, s5;
	[dreg:$0xa] =	wrdreg s19  }
0x12: {  	s4 =	sadd.s32 $0x280, s15;
	s21 =	sadd.s32 $0x3000, s5;
	[dreg:$0xb] =	wrdreg s20  }
0x13: {  	s22 =	sadd.s32 $0x4000, s5;
	s23 =	sadd.s32 $0x5000, s5;
	[dreg:$0xc] =	wrdreg s21  }
0x14: {  	s24 =	sadd.s32 $0x6000, s5;
	s25 =	sadd.s32 $0x7000, s5;
	[dreg:$0xd] =	wrdreg s22  }
0x15: {  	s26 =	sadd.s32 $0x8000, s5;
	s28 =	sadd.s32 $0xF000, s5;
	[dreg:$0xe] =	wrdreg s23  }
0x16: {  	s29 =	sadd.s32 $0x10000, s5;
	s30 =	sadd.s32 $0x11000, s5;
	[dreg:$0xf] =	wrdreg s24  }
0x17: {  	s31 =	sadd.s32 $0x12000, s5;
	s7 =	sadd.s32 s7, s4;
	[dreg:$0x10] =	wrdreg s25  }
0x18: {  	s4 =	sadd.s32 s8, s4;
	[dreg:$0x11] =	wrdreg s26;
	s20 =	sadd.s32 $0x9000, s5  }
0x19: {  	s21 =	sadd.s32 $0xA000, s5;
	s22 =	sadd.s32 $0xB000, s5;
	s23 =	sadd.s32 $0xC000, s5  }
0x1a: {  	s24 =	sadd.s32 $0xD000, s5;
	s25 =	sshrl.u32 s18, $0x3;
	s26 =	sadd.s32 $0xE000, s5  }
0x1b: {  	s0 =	sadd.s32 $0x13000, s5;
	s8 =	simm.s32 $0x6800;
	[dreg:$0x6] =	wrdreg s7  }
0x1c: {  	v0 =	vimm.f32 $0.0e+00;
	[dreg:$0x7] =	wrdreg s4;
	s4 =	simm.s32 $0x3;
	s7 =	simm.s32 $0x80  }
.LBB2_1:
0x1d: {  	s16 =	simm.s32 $0x0  }
0x1e: {  	s15 =	sand.u32 $0x3E00, s16  }
0x1f: {  	s16 =	sand.u32 $0x70, s16;
	s17 =	sshrl.u32 s15, $0x2  }
0x20: {  	s15 =	simm.s32 $0x40;
	s17 =	sor.u32 s16, s17;
	s16 =	simm.s32 $0x0  }
.LBB2_2:
0x21: {  	p0 =	sne.s32 s15, $0x3FC0  }
0x22: {  	[tilespmem:s17+$0x2800] =	vst v0;
	s16 =	sadd.s32 $0x10, s16;
	s17 =	smov.u32 s15;
	s15 =	sadd.s32 $0x40, s15  }
.Ltmp0:
0x23: {  	(pc) =	sbr.rel @p0 .LBB2_2-.Ltmp0, $4  }
0x24: {  	_ = 	snop  }
0x25: {  	s17 =	sand.u32 $0x3E00, s17  }
0x26: {  	s18 =	sand.u32 $0x70, s16;
	s17 =	sshrl.u32 s17, $0x2  }
0x27: {  	s17 =	sor.u32 s18, s17  }
0x28: {  	[tilespmem:s17+$0x2800] =	vst v0  }
0x29: {  	[spmem:s5] =	stream.linear.scatter [tilespmem:s3], [sflag:$0x3], $0x1000, $0x38;
	[tilespmem:$0x1E800] =	vst v63  }
0x2a: {  	_ =	swait.ge [sflag:s4], $0x1000  }
0x2b: {  	[sflag:s4] =	ssyncset.done $0x0  }
0x2c: {  	s15 =	rddreg [dreg:$0xa];
	[sflag:s4] =	ssyncadd.s32 $0xFFFFF000  }
0x2d: {  	[spmem:s15] =	stream.linear.scatter [tilespmem:s3], [sflag:$0x3], $0x1000, $0x38;
	[tilespmem:$0x1E800] =	vst v63  }
0x2e: {  	_ =	swait.ge [sflag:s4], $0x1000  }
0x2f: {  	[sflag:s4] =	ssyncset.done $0x0  }
0x30: {  	s19 =	rddreg [dreg:$0xb];
	[sflag:s4] =	ssyncadd.s32 $0xFFFFF000  }
0x31: {  	[spmem:s19] =	stream.linear.scatter [tilespmem:s3], [sflag:$0x3], $0x1000, $0x38;
	[tilespmem:$0x1E800] =	vst v63  }
0x32: {  	_ =	swait.ge [sflag:s4], $0x1000  }
0x33: {  	[sflag:s4] =	ssyncset.done $0x0  }
0x34: {  	s16 =	rddreg [dreg:$0xc];
	[sflag:s4] =	ssyncadd.s32 $0xFFFFF000  }
0x35: {  	[spmem:s16] =	stream.linear.scatter [tilespmem:s3], [sflag:$0x3], $0x1000, $0x38;
	[tilespmem:$0x1E800] =	vst v63  }
0x36: {  	_ =	swait.ge [sflag:s4], $0x1000  }
0x37: {  	[sflag:s4] =	ssyncset.done $0x0  }
0x38: {  	s17 =	rddreg [dreg:$0xd];
	[sflag:s4] =	ssyncadd.s32 $0xFFFFF000  }
0x39: {  	[spmem:s17] =	stream.linear.scatter [tilespmem:s3], [sflag:$0x3], $0x1000, $0x38;
	[tilespmem:$0x1E800] =	vst v63  }
0x3a: {  	_ =	swait.ge [sflag:s4], $0x1000  }
0x3b: {  	[sflag:s4] =	ssyncset.done $0x0  }
0x3c: {  	s18 =	rddreg [dreg:$0xe];
	[sflag:s4] =	ssyncadd.s32 $0xFFFFF000  }
0x3d: {  	[spmem:s18] =	stream.linear.scatter [tilespmem:s3], [sflag:$0x3], $0x1000, $0x38;
	[tilespmem:$0x1E800] =	vst v63  }
0x3e: {  	_ =	swait.ge [sflag:s4], $0x1000  }
0x3f: {  	[sflag:s4] =	ssyncset.done $0x0  }
0x40: {  	s19 =	rddreg [dreg:$0xf];
	[sflag:s4] =	ssyncadd.s32 $0xFFFFF000  }
0x41: {  	[spmem:s19] =	stream.linear.scatter [tilespmem:s3], [sflag:$0x3], $0x1000, $0x38;
	[tilespmem:$0x1E800] =	vst v63  }
0x42: {  	_ =	swait.ge [sflag:s4], $0x1000  }
0x43: {  	[sflag:s4] =	ssyncset.done $0x0  }
0x44: {  	s16 =	rddreg [dreg:$0x10];
	[sflag:s4] =	ssyncadd.s32 $0xFFFFF000  }
0x45: {  	[spmem:s16] =	stream.linear.scatter [tilespmem:s3], [sflag:$0x3], $0x1000, $0x38;
	[tilespmem:$0x1E800] =	vst v63  }
0x46: {  	_ =	swait.ge [sflag:s4], $0x1000  }
0x47: {  	[sflag:s4] =	ssyncset.done $0x0  }
0x48: {  	s17 =	rddreg [dreg:$0x11];
	[sflag:s4] =	ssyncadd.s32 $0xFFFFF000  }
0x49: {  	[spmem:s17] =	stream.linear.scatter [tilespmem:s3], [sflag:$0x3], $0x1000, $0x38;
	[tilespmem:$0x1E800] =	vst v63  }
0x4a: {  	_ =	swait.ge [sflag:s4], $0x1000  }
0x4b: {  	[sflag:s4] =	ssyncset.done $0x0  }
0x4c: {  	[sflag:s4] =	ssyncadd.s32 $0xFFFFF000  }
0x4d: {  	[spmem:s20] =	stream.linear.scatter [tilespmem:s3], [sflag:$0x3], $0x1000, $0x38;
	[tilespmem:$0x1E800] =	vst v63  }
0x4e: {  	_ =	swait.ge [sflag:s4], $0x1000  }
0x4f: {  	[sflag:s4] =	ssyncset.done $0x0  }
0x50: {  	[sflag:s4] =	ssyncadd.s32 $0xFFFFF000  }
0x51: {  	[spmem:s21] =	stream.linear.scatter [tilespmem:s3], [sflag:$0x3], $0x1000, $0x38;
	[tilespmem:$0x1E800] =	vst v63  }
0x52: {  	_ =	swait.ge [sflag:s4], $0x1000  }
0x53: {  	[sflag:s4] =	ssyncset.done $0x0  }
0x54: {  	[sflag:s4] =	ssyncadd.s32 $0xFFFFF000  }
0x55: {  	[spmem:s22] =	stream.linear.scatter [tilespmem:s3], [sflag:$0x3], $0x1000, $0x38;
	[tilespmem:$0x1E800] =	vst v63  }
0x56: {  	_ =	swait.ge [sflag:s4], $0x1000  }
0x57: {  	[sflag:s4] =	ssyncset.done $0x0  }
0x58: {  	[sflag:s4] =	ssyncadd.s32 $0xFFFFF000  }
0x59: {  	[spmem:s23] =	stream.linear.scatter [tilespmem:s3], [sflag:$0x3], $0x1000, $0x38;
	[tilespmem:$0x1E800] =	vst v63  }
0x5a: {  	_ =	swait.ge [sflag:s4], $0x1000  }
0x5b: {  	[sflag:s4] =	ssyncset.done $0x0  }
0x5c: {  	[sflag:s4] =	ssyncadd.s32 $0xFFFFF000  }
0x5d: {  	[spmem:s24] =	stream.linear.scatter [tilespmem:s3], [sflag:$0x3], $0x1000, $0x38;
	[tilespmem:$0x1E800] =	vst v63  }
0x5e: {  	_ =	swait.ge [sflag:s4], $0x1000  }
0x5f: {  	[sflag:s4] =	ssyncset.done $0x0  }
0x60: {  	[sflag:s4] =	ssyncadd.s32 $0xFFFFF000  }
0x61: {  	[spmem:s26] =	stream.linear.scatter [tilespmem:s3], [sflag:$0x3], $0x1000, $0x38;
	[tilespmem:$0x1E800] =	vst v63  }
0x62: {  	_ =	swait.ge [sflag:s4], $0x1000  }
0x63: {  	[sflag:s4] =	ssyncset.done $0x0  }
0x64: {  	[sflag:s4] =	ssyncadd.s32 $0xFFFFF000  }
0x65: {  	[spmem:s28] =	stream.linear.scatter [tilespmem:s3], [sflag:$0x3], $0x1000, $0x38;
	[tilespmem:$0x1E800] =	vst v63  }
0x66: {  	_ =	swait.ge [sflag:s4], $0x1000  }
0x67: {  	[sflag:s4] =	ssyncset.done $0x0  }
0x68: {  	[sflag:s4] =	ssyncadd.s32 $0xFFFFF000  }
0x69: {  	[spmem:s29] =	stream.linear.scatter [tilespmem:s3], [sflag:$0x3], $0x1000, $0x38;
	[tilespmem:$0x1E800] =	vst v63  }
0x6a: {  	_ =	swait.ge [sflag:s4], $0x1000  }
0x6b: {  	[sflag:s4] =	ssyncset.done $0x0  }
0x6c: {  	[sflag:s4] =	ssyncadd.s32 $0xFFFFF000  }
0x6d: {  	[spmem:s30] =	stream.linear.scatter [tilespmem:s3], [sflag:$0x3], $0x1000, $0x38;
	[tilespmem:$0x1E800] =	vst v63  }
0x6e: {  	_ =	swait.ge [sflag:s4], $0x1000  }
0x6f: {  	[sflag:s4] =	ssyncset.done $0x0  }
0x70: {  	[sflag:s4] =	ssyncadd.s32 $0xFFFFF000  }
0x71: {  	[spmem:s31] =	stream.linear.scatter [tilespmem:s3], [sflag:$0x3], $0x1000, $0x38;
	[tilespmem:$0x1E800] =	vst v63  }
0x72: {  	_ =	swait.ge [sflag:s4], $0x1000  }
0x73: {  	[sflag:s4] =	ssyncset.done $0x0  }
0x74: {  	[sflag:s4] =	ssyncadd.s32 $0xFFFFF000  }
0x75: {  	[spmem:s0] =	stream.linear.scatter [tilespmem:s3], [sflag:$0x3], $0x1000, $0x38;
	[tilespmem:$0x1E800] =	vst v63  }
0x76: {  	_ =	swait.ge [sflag:s4], $0x1000  }
0x77: {  	[sflag:s4] =	ssyncset.done $0x0  }
0x78: {  	[sflag:s4] =	ssyncadd.s32 $0xFFFFF000  }
0x79: {  	[bflag:$0x0] =	sbarrier.arrive $0xFFFF  }
0x7a: {  	s18 =	simm.s32 $0x0;
	s16 =	rddreg [dreg:$0x4]  }
0x7b: {  	[tilespmem:s18], [sflag:$0x3] =	stream.linear.gather [hbm4b:s16+s18], $0x1400, $0x38;
	[tilespmem:$0x1E800] =	vst v63  }
0x7c: {  	_ =	swait.ge [sflag:s4], $0x1400  }
0x7d: {  	[sflag:s4] =	ssyncset.done $0x0  }
0x7e: {  	s19 =	rddreg [dreg:$0x5];
	[sflag:s4] =	ssyncadd.s32 $0xFFFFEC00  }
0x7f: {  	[tilespmem:s6], [sflag:$0x3] =	stream.linear.gather [hbm4b:s19+s18], $0x1400, $0x38;
	[tilespmem:$0x1E800] =	vst v63  }
0x80: {  	_ =	swait.ge [sflag:s4], $0x1400  }
0x81: {  	[sflag:s4] =	ssyncset.done $0x0  }
0x82: {  	[sflag:s4] =	ssyncadd.s32 $0xFFFFEC00  }
0x83: {  	[tilespmem:s3], [sflag:$0x1] =	stream.indirect.gather [hbm4b:s1+s7], $0x80, s18, s7, $0xb8;
	[tilespmem:$0x1E800] =	vst v63  }
0x84: {  	s16 =	simm.s32 $0x80  }
0x85: {  	[tilespmem:s8], [sflag:$0x2] =	stream.indirect.gather [hbm4b:s1+s7], $0x80, s16, s7, $0xb8;
	[tilespmem:$0x1E800] =	vst v63  }
0x86: {  	_ =	swait.ge [sflag:s9], $0x4000  }
0x87: {  	[sflag:s9] =	ssyncset.done $0x0  }
0x88: {  	s17 =	simm.s32 $0x1400;
	[sflag:s9] =	ssyncadd.s32 $0xFFFFC000  }
0x89: {  	[spmem:s2] =	stream.indirect.scatter.add.f32 [tilespmem:s3], [sflag:$0x3], $0x80, s17, s7, $0xb8;
	[tilespmem:$0x1E800] =	vst v63  }
0x8a: {  	_ =	swait.ge [sflag:s4], $0x4000  }
0x8b: {  	[sflag:s4] =	ssyncset.done $0x0  }
0x8c: {  	s18 =	simm.s32 $0x100;
	[sflag:s4] =	ssyncadd.s32 $0xFFFFC000  }
0x8d: {  	[tilespmem:s3], [sflag:$0x1] =	stream.indirect.gather [hbm4b:s1+s7], $0x80, s18, s7, $0xb8;
	[tilespmem:$0x1E800] =	vst v63  }
0x8e: {  	_ =	swait.ge [sflag:s10], $0x4000  }
0x8f: {  	[sflag:s10] =	ssyncset.done $0x0  }
0x90: {  	s19 =	simm.s32 $0x1480;
	[sflag:s10] =	ssyncadd.s32 $0xFFFFC000  }
0x91: {  	[spmem:s2] =	stream.indirect.scatter.add.f32 [tilespmem:s8], [sflag:$0x3], $0x80, s19, s7, $0xb8;
	[tilespmem:$0x1E800] =	vst v63  }
0x92: {  	_ =	swait.ge [sflag:s4], $0x4000  }
0x93: {  	s15 =	simm.s32 $0x100;
	s16 =	simm.s32 $0x800;
	[sflag:s4] =	ssyncset.done $0x0  }
.LBB2_4:
0x94: {  	s17 =	sadd.s32 $0x80, s15  }
0x95: {  	[sflag:s4] =	ssyncadd.s32 $0xFFFFC000;
	s18 =	smov.u32 s16;
	s19 =	sadd.s32 $0x400, s16  }
0x96: {  	[tilespmem:s8], [sflag:$0x2] =	stream.indirect.gather [hbm4b:s1+s7], $0x80, s17, s7, $0xb8;
	[tilespmem:$0x1E800] =	vst v63  }
0x97: {  	p0 =	sne.s32 s16, $0x4800;
	_ =	swait.ge [sflag:s9], $0x4000  }
0x98: {  	[sflag:s9] =	ssyncset.done $0x0  }
0x99: {  	s16 =	sadd.s32 $0x1400, s15;
	[sflag:s9] =	ssyncadd.s32 $0xFFFFC000  }
0x9a: {  	[spmem:s2] =	stream.indirect.scatter.add.f32 [tilespmem:s3], [sflag:$0x3], $0x80, s16, s7, $0xb8;
	[tilespmem:$0x1E800] =	vst v63  }
0x9b: {  	_ =	swait.ge [sflag:s4], $0x4000  }
0x9c: {  	[sflag:s4] =	ssyncset.done $0x0  }
0x9d: {  	s16 =	sadd.s32 $0x100, s15;
	[sflag:s4] =	ssyncadd.s32 $0xFFFFC000  }
0x9e: {  	[tilespmem:s3], [sflag:$0x1] =	stream.indirect.gather [hbm4b:s1+s7], $0x80, s16, s7, $0xb8;
	[tilespmem:$0x1E800] =	vst v63  }
0x9f: {  	_ =	swait.ge [sflag:s10], $0x4000  }
.Ltmp1:
0xa0: {  	[sflag:s10] =	ssyncset.done $0x0;
	(pc) =	sbr.rel @p0 .LBB2_4-.Ltmp1, $4  }
0xa1: {  	s15 =	sadd.s32 $0x1480, s15;
	[sflag:s10] =	ssyncadd.s32 $0xFFFFC000  }
0xa2: {  	[spmem:s2] =	stream.indirect.scatter.add.f32 [tilespmem:s8], [sflag:$0x3], $0x80, s15, s7, $0xb8;
	[tilespmem:$0x1E800] =	vst v63  }
0xa3: {  	_ =	swait.ge [sflag:s4], $0x4000  }
0xa4: {  	s16 =	smov.u32 s19;
	s15 =	sshra.s32 s18, $0x2;
	[sflag:s4] =	ssyncset.done $0x0  }
0xa5: {  	s16 =	sadd.s32 $0x80, s15;
	[sflag:s4] =	ssyncadd.s32 $0xFFFFC000  }
0xa6: {  	[tilespmem:s8], [sflag:$0x2] =	stream.indirect.gather [hbm4b:s1+s7], $0x80, s16, s7, $0xb8;
	[tilespmem:$0x1E800] =	vst v63  }
0xa7: {  	_ =	swait.ge [sflag:s9], $0x4000  }
0xa8: {  	[sflag:s9] =	ssyncset.done $0x0  }
0xa9: {  	s18 =	sadd.s32 $0x1400, s15;
	[sflag:s9] =	ssyncadd.s32 $0xFFFFC000  }
0xaa: {  	[spmem:s2] =	stream.indirect.scatter.add.f32 [tilespmem:s3], [sflag:$0x3], $0x80, s18, s7, $0xb8;
	[tilespmem:$0x1E800] =	vst v63  }
0xab: {  	_ =	swait.ge [sflag:s4], $0x4000  }
0xac: {  	[sflag:s4] =	ssyncset.done $0x0  }
0xad: {  	s19 =	sadd.s32 $0x100, s15;
	[sflag:s4] =	ssyncadd.s32 $0xFFFFC000  }
0xae: {  	[tilespmem:s3], [sflag:$0x1] =	stream.indirect.gather [hbm4b:s1+s7], $0x80, s19, s7, $0xb8;
	[tilespmem:$0x1E800] =	vst v63  }
0xaf: {  	_ =	swait.ge [sflag:s10], $0x4000  }
0xb0: {  	[sflag:s10] =	ssyncset.done $0x0  }
0xb1: {  	s16 =	sadd.s32 $0x1480, s15;
	[sflag:s10] =	ssyncadd.s32 $0xFFFFC000  }
0xb2: {  	[spmem:s2] =	stream.indirect.scatter.add.f32 [tilespmem:s8], [sflag:$0x3], $0x80, s16, s7, $0xb8;
	[tilespmem:$0x1E800] =	vst v63  }
0xb3: {  	_ =	swait.ge [sflag:s4], $0x4000  }
0xb4: {  	[sflag:s4] =	ssyncset.done $0x0  }
0xb5: {  	[sflag:s4] =	ssyncadd.s32 $0xFFFFC000  }
0xb6: {  	[tilespmem:s8], [sflag:$0x2] =	stream.indirect.gather [hbm4b:s1+s7], $0x80, s11, s7, $0xb8;
	[tilespmem:$0x1E800] =	vst v63  }
0xb7: {  	_ =	swait.ge [sflag:s9], $0x4000  }
0xb8: {  	[sflag:s9] =	ssyncset.done $0x0  }
0xb9: {  	[sflag:s9] =	ssyncadd.s32 $0xFFFFC000  }
0xba: {  	[spmem:s2] =	stream.indirect.scatter.add.f32 [tilespmem:s3], [sflag:$0x3], $0x80, s12, s7, $0xb8;
	[tilespmem:$0x1E800] =	vst v63  }
0xbb: {  	_ =	swait.ge [sflag:s4], $0x4000  }
0xbc: {  	[sflag:s4] =	ssyncset.done $0x0  }
0xbd: {  	[sflag:s4] =	ssyncadd.s32 $0xFFFFC000  }
0xbe: {  	_ =	swait.ge [sflag:s10], $0x4000  }
0xbf: {  	[sflag:s10] =	ssyncset.done $0x0  }
0xc0: {  	[sflag:s10] =	ssyncadd.s32 $0xFFFFC000  }
0xc1: {  	[spmem:s2] =	stream.indirect.scatter.add.f32 [tilespmem:s8], [sflag:$0x3], $0x80, s13, s7, $0xb8;
	[tilespmem:$0x1E800] =	vst v63  }
0xc2: {  	_ =	swait.ge [sflag:s4], $0x4000  }
0xc3: {  	[sflag:s4] =	ssyncset.done $0x0  }
0xc4: {  	s17 =	simm.s32 $0x0;
	s18 =	rddreg [dreg:$0x6];
	[sflag:s4] =	ssyncadd.s32 $0xFFFFC000  }
0xc5: {  	[tilespmem:s17], [sflag:$0x3] =	stream.linear.gather [hbm4b:s18+s17], $0x1400, $0x38;
	[tilespmem:$0x1E800] =	vst v63  }
0xc6: {  	_ =	swait.ge [sflag:s4], $0x1400  }
0xc7: {  	[sflag:s4] =	ssyncset.done $0x0  }
0xc8: {  	s19 =	rddreg [dreg:$0x7];
	[sflag:s4] =	ssyncadd.s32 $0xFFFFEC00  }
0xc9: {  	[tilespmem:s6], [sflag:$0x3] =	stream.linear.gather [hbm4b:s19+s17], $0x1400, $0x38;
	[tilespmem:$0x1E800] =	vst v63  }
0xca: {  	_ =	swait.ge [sflag:s4], $0x1400  }
0xcb: {  	[sflag:s4] =	ssyncset.done $0x0  }
0xcc: {  	[sflag:s4] =	ssyncadd.s32 $0xFFFFEC00  }
0xcd: {  	[tilespmem:s3], [sflag:$0x1] =	stream.indirect.gather [hbm4b:s1+s7], $0x80, s17, s7, $0xb8;
	[tilespmem:$0x1E800] =	vst v63  }
0xce: {  	s16 =	simm.s32 $0x80  }
0xcf: {  	[tilespmem:s8], [sflag:$0x2] =	stream.indirect.gather [hbm4b:s1+s7], $0x80, s16, s7, $0xb8;
	[tilespmem:$0x1E800] =	vst v63  }
0xd0: {  	_ =	swait.ge [sflag:s9], $0x4000  }
0xd1: {  	[sflag:s9] =	ssyncset.done $0x0  }
0xd2: {  	s17 =	simm.s32 $0x1400;
	[sflag:s9] =	ssyncadd.s32 $0xFFFFC000  }
0xd3: {  	[spmem:s2] =	stream.indirect.scatter.add.f32 [tilespmem:s3], [sflag:$0x3], $0x80, s17, s7, $0xb8;
	[tilespmem:$0x1E800] =	vst v63  }
0xd4: {  	_ =	swait.ge [sflag:s4], $0x4000  }
0xd5: {  	[sflag:s4] =	ssyncset.done $0x0  }
0xd6: {  	s18 =	simm.s32 $0x100;
	[sflag:s4] =	ssyncadd.s32 $0xFFFFC000  }
0xd7: {  	[tilespmem:s3], [sflag:$0x1] =	stream.indirect.gather [hbm4b:s1+s7], $0x80, s18, s7, $0xb8;
	[tilespmem:$0x1E800] =	vst v63  }
0xd8: {  	_ =	swait.ge [sflag:s10], $0x4000  }
0xd9: {  	[sflag:s10] =	ssyncset.done $0x0  }
0xda: {  	s19 =	simm.s32 $0x1480;
	[sflag:s10] =	ssyncadd.s32 $0xFFFFC000  }
0xdb: {  	[spmem:s2] =	stream.indirect.scatter.add.f32 [tilespmem:s8], [sflag:$0x3], $0x80, s19, s7, $0xb8;
	[tilespmem:$0x1E800] =	vst v63  }
0xdc: {  	_ =	swait.ge [sflag:s4], $0x4000  }
0xdd: {  	s15 =	simm.s32 $0x100;
	s16 =	simm.s32 $0x800;
	[sflag:s4] =	ssyncset.done $0x0  }
.LBB2_6:
0xde: {  	s17 =	sadd.s32 $0x80, s15  }
0xdf: {  	[sflag:s4] =	ssyncadd.s32 $0xFFFFC000;
	s18 =	smov.u32 s16;
	s19 =	sadd.s32 $0x400, s16  }
0xe0: {  	[tilespmem:s8], [sflag:$0x2] =	stream.indirect.gather [hbm4b:s1+s7], $0x80, s17, s7, $0xb8;
	[tilespmem:$0x1E800] =	vst v63  }
0xe1: {  	p0 =	sne.s32 s16, $0x4800;
	_ =	swait.ge [sflag:s9], $0x4000  }
0xe2: {  	[sflag:s9] =	ssyncset.done $0x0  }
0xe3: {  	s16 =	sadd.s32 $0x1400, s15;
	[sflag:s9] =	ssyncadd.s32 $0xFFFFC000  }
0xe4: {  	[spmem:s2] =	stream.indirect.scatter.add.f32 [tilespmem:s3], [sflag:$0x3], $0x80, s16, s7, $0xb8;
	[tilespmem:$0x1E800] =	vst v63  }
0xe5: {  	_ =	swait.ge [sflag:s4], $0x4000  }
0xe6: {  	[sflag:s4] =	ssyncset.done $0x0  }
0xe7: {  	s16 =	sadd.s32 $0x100, s15;
	[sflag:s4] =	ssyncadd.s32 $0xFFFFC000  }
0xe8: {  	[tilespmem:s3], [sflag:$0x1] =	stream.indirect.gather [hbm4b:s1+s7], $0x80, s16, s7, $0xb8;
	[tilespmem:$0x1E800] =	vst v63  }
0xe9: {  	_ =	swait.ge [sflag:s10], $0x4000  }
.Ltmp2:
0xea: {  	[sflag:s10] =	ssyncset.done $0x0;
	(pc) =	sbr.rel @p0 .LBB2_6-.Ltmp2, $4  }
0xeb: {  	s15 =	sadd.s32 $0x1480, s15;
	[sflag:s10] =	ssyncadd.s32 $0xFFFFC000  }
0xec: {  	[spmem:s2] =	stream.indirect.scatter.add.f32 [tilespmem:s8], [sflag:$0x3], $0x80, s15, s7, $0xb8;
	[tilespmem:$0x1E800] =	vst v63  }
0xed: {  	_ =	swait.ge [sflag:s4], $0x4000  }
0xee: {  	s16 =	smov.u32 s19;
	s15 =	sshra.s32 s18, $0x2;
	[sflag:s4] =	ssyncset.done $0x0  }
0xef: {  	s16 =	sadd.s32 $0x80, s15;
	[sflag:s4] =	ssyncadd.s32 $0xFFFFC000  }
0xf0: {  	[tilespmem:s8], [sflag:$0x2] =	stream.indirect.gather [hbm4b:s1+s7], $0x80, s16, s7, $0xb8;
	[tilespmem:$0x1E800] =	vst v63  }
0xf1: {  	_ =	swait.ge [sflag:s9], $0x4000  }
0xf2: {  	[sflag:s9] =	ssyncset.done $0x0  }
0xf3: {  	s18 =	sadd.s32 $0x1400, s15;
	[sflag:s9] =	ssyncadd.s32 $0xFFFFC000  }
0xf4: {  	[spmem:s2] =	stream.indirect.scatter.add.f32 [tilespmem:s3], [sflag:$0x3], $0x80, s18, s7, $0xb8;
	[tilespmem:$0x1E800] =	vst v63  }
0xf5: {  	_ =	swait.ge [sflag:s4], $0x4000  }
0xf6: {  	[sflag:s4] =	ssyncset.done $0x0  }
0xf7: {  	s19 =	sadd.s32 $0x100, s15;
	[sflag:s4] =	ssyncadd.s32 $0xFFFFC000  }
0xf8: {  	[tilespmem:s3], [sflag:$0x1] =	stream.indirect.gather [hbm4b:s1+s7], $0x80, s19, s7, $0xb8;
	[tilespmem:$0x1E800] =	vst v63  }
0xf9: {  	_ =	swait.ge [sflag:s10], $0x4000  }
0xfa: {  	[sflag:s10] =	ssyncset.done $0x0  }
0xfb: {  	s16 =	sadd.s32 $0x1480, s15;
	[sflag:s10] =	ssyncadd.s32 $0xFFFFC000  }
0xfc: {  	[spmem:s2] =	stream.indirect.scatter.add.f32 [tilespmem:s8], [sflag:$0x3], $0x80, s16, s7, $0xb8;
	[tilespmem:$0x1E800] =	vst v63  }
0xfd: {  	_ =	swait.ge [sflag:s4], $0x4000  }
0xfe: {  	[sflag:s4] =	ssyncset.done $0x0  }
0xff: {  	[sflag:s4] =	ssyncadd.s32 $0xFFFFC000  }
0x100: {  	[tilespmem:s8], [sflag:$0x2] =	stream.indirect.gather [hbm4b:s1+s7], $0x80, s11, s7, $0xb8;
	[tilespmem:$0x1E800] =	vst v63  }
0x101: {  	_ =	swait.ge [sflag:s9], $0x4000  }
0x102: {  	[sflag:s9] =	ssyncset.done $0x0  }
0x103: {  	[sflag:s9] =	ssyncadd.s32 $0xFFFFC000  }
0x104: {  	[spmem:s2] =	stream.indirect.scatter.add.f32 [tilespmem:s3], [sflag:$0x3], $0x80, s12, s7, $0xb8;
	[tilespmem:$0x1E800] =	vst v63  }
0x105: {  	_ =	swait.ge [sflag:s4], $0x4000  }
0x106: {  	[sflag:s4] =	ssyncset.done $0x0  }
0x107: {  	[sflag:s4] =	ssyncadd.s32 $0xFFFFC000  }
0x108: {  	_ =	swait.ge [sflag:s10], $0x4000  }
0x109: {  	[sflag:s10] =	ssyncset.done $0x0  }
0x10a: {  	[sflag:s10] =	ssyncadd.s32 $0xFFFFC000  }
0x10b: {  	[spmem:s2] =	stream.indirect.scatter.add.f32 [tilespmem:s8], [sflag:$0x3], $0x80, s13, s7, $0xb8;
	[tilespmem:$0x1E800] =	vst v63  }
0x10c: {  	_ =	swait.ge [sflag:s4], $0x4000  }
0x10d: {  	[sflag:s4] =	ssyncset.done $0x0  }
0x10e: {  	s17 =	stileid.u32;
	[sflag:s4] =	ssyncadd.s32 $0xFFFFC000  }
0x10f: {  	s15 =	sshll.u32 s17, $0x6;
	[bflag:$0x0] =	sbarrier.arrive $0xFFFF  }
0x110: {  	s15 =	sor.u32 $0x1C03, s15;
	s18 =	rddreg [dreg:$0x8]  }
0x111: {  	[hbm:s18], [sflag:s15] =	dma.local [spmem:s25], $0x2800  }
0x112: {  	_ =	swait.ge [sflag:s4], $0x2800  }
0x113: {  	s14 =	sadd.s32 $0x1, s14;
	s19 =	rddreg [dreg:$0x9]  }
0x114: {  	p0 =	sne.s32 s14, s19  }
.Ltmp3:
0x115: {  	_ = 	snop;
	(pc) =	sbr.rel @p0 .LBB2_1-.Ltmp3, $3  }
0x116: {  	_ =	sdelay $0x1  }
0x117: {  	[sflag:s4] =	ssyncset.done $0x0  }
0x118: {  	[sflag:s4] =	ssyncadd.s32 $0xFFFFD800  }
0x119: {  	_ =	sfence.sel $0x180000  }
0x11a: {  	[bflag:$0x0] =	sbarrier.arrive $0xFFFF  }
0x11b: {  	_ =	strace $0x9000004D  }
0x11c: {  	s0 =	stileid.u32;
	[bflag:$0x2] =	sbarrier.arrive $0xFFFF  }
0x11d: {  	p0 =	sne.s32 s0, $0x0;
	s0 =	rddreg [dreg:$0x3]  }
0x11e: {  	s0 =	sadd.s32 @!p0 $0x100000, s0  }
0x11f: {  	[sflag:s0] =	ssyncadd.tile.s32 @!p0 $0x1;
	_ =	shalt  }
.Lfunc_end2:
_tile_overlayer_lowered:
.L_overlay_start_2:
0x120: {  	(tag) =	ssettag $0x2  }
0x121: {  	s0 =	rddreg [dreg:$0x0];
	s2 =	stileid.u32  }
0x122: {  	s1 =	rddreg [dreg:$0x1];
	p0 =	sne.s32 s2, $0x0  }
0x123: {  	s3 =	rddreg [dreg:$0x2];
	[bflag:$0x3] =	sbarrier.arrive $0xFFFF;
	s2 =	simm.s32 @!p0 $0x1C03  }
0x124: {  	[timem:s3], [sflag:s2] =	dma.local @!p0 [hbm:s0], s1  }
0x125: {  	s0 =	simm.s32 @!p0 $0x3  }
0x126: {  	_ =	swait.ge @!p0 [sflag:s0], s1  }
0x127: {  	s1 =	ssub.s32 @!p0 $0x0, s1;
	[sflag:s0] =	ssyncset.done @!p0 $0x0  }
0x128: {  	[sflag:s0] =	ssyncadd.s32 @!p0 s1  }
0x129: {  	[bflag:$0x3] =	sbarrier.arrive $0xFFFF  }
0x12a: {  	_ =	shalt  }

// kernel: kernel.7.cloned.1.call-start
scs
__scs_entry_jumppad:
0x0: {  	(pc) =	sbr.rel $0x88, $3  }
0x1: {  	(tag) =	ssettag $0x0;
	lr =	simm.s32 $0x1  }
0x2: {  	[smem:$0x3F99] =	sst lr;
	_ =	strace $0xD0000000  }
0x3: {  	_ = 	snop  }
0x4: {  	_ = 	snop  }
0x5: {  	_ = 	snop  }
0x6: {  	_ = 	snop  }
0x7: {  	_ = 	snop  }
__scs_overlays_trampoline_lowered:
0x8: {  	[smem:$0x3FA8] =	sst s0  }
0x9: {  	[smem:$0x3FA9] =	sst s1  }
0xa: {  	[smem:$0x3FAA] =	sst s2  }
0xb: {  	[smem:$0x3FAB] =	sst s3  }
0xc: {  	[smem:$0x3FAC] =	sst s4  }
0xd: {  	[smem:$0x3FAD] =	sst s5  }
0xe: {  	[smem:$0x3FAE] =	sst s6  }
0xf: {  	[smem:$0x3FAF] =	sst s7  }
0x10: {  	[smem:$0x3FB0] =	sst s8  }
0x11: {  	[smem:$0x3FB1] =	sst s9;
	s0 =	simm.s32 @!p0 $0x0  }
0x12: {  	s1 =	sld [smem:$0x3F97];
	s0 =	simm.s32 @p0 $0x1  }
0x13: {  	[smem:$0x3FB2] =	sst s0;
	s0 =	simm.s32 @!p1 $0x0  }
0x14: {  	s2 =	sld [smem:$0x3F96];
	s0 =	simm.s32 @p1 $0x1  }
0x15: {  	[smem:$0x3FB3] =	sst s0;
	s0 =	simm.s32 @!p2 $0x0  }
0x16: {  	s3 =	sld [smem:$0x3FDB];
	s0 =	simm.s32 @p2 $0x1  }
0x17: {  	s4 =	simm.s32 $0x1BF5;
	[smem:$0x3FB5] =	sst s0  }
0x18: {  	s0 =	sld [smem:$0x3F98];
	_ =	swait.ge [sflag:s4], $0x0  }
0x19: {  	s7 =	sld [smem:$0x3F99]  }
0x1a: {  	s8 =	sadd.s32 $0xFFFFE003, lr  }
0x1b: {  	s9 =	sadd.s32 $0xFFFFFEF7, lr;
	s5 =	simm.s32 $0xFFFFFFFF;
	p2 =	slt.u32 s8, $0xFFFFF086  }
0x1c: {  	p1 =	slt.u32 s9, $0xF7A;
	s5 =	simm.s32 @!p2 $0x0  }
0x1d: {  	s5 =	simm.s32 @p1 $0x1;
	p0 =	seq.s32 s7, s2  }
0x1e: {  	s7 =	smul.u32 @!p0 $0xF7A, s2;
	p2 =	seq.s32 @!p0 s5, $0x0  }
0x1f: {  	s9 =	smul.u32 $0xF7A, s1;
	s8 =	simm.s32 @!p0 $0x1BF5;
	p2 =	por !p2, p0  }
0x20: {  	[sflag:s8] =	ssyncset.s32 @!p0 $0xFFFFF086;
	s6 =	sadd.s32 @!p0 s3, s7;
	s7 =	simm.s32 @!p0 $0x108  }
0x21: {  	s3 =	sadd.s32 s3, s9;
	s6 =	sadd.s32 @!p0 $0x88, s6;
	s7 =	simm.s32 @p2 $0x1082  }
0x22: {  	[simem:s7], [sflag:s8] =	dma.local @!p0 [hbm:s6], $0xF7A  }
0x23: {  	s9 =	sor.u32 $0xD0000000, s2;
	s6 =	simm.s32 $0x108;
	_ =	swait.ge @!p0 [sflag:s8], $0x0  }
0x24: {  	s3 =	sadd.s32 $0x88, s3;
	s6 =	simm.s32 @!p1 $0x1082;
	[sflag:s4] =	ssyncset.s32 $0xFFFFF086  }
0x25: {  	[simem:s6], [sflag:s4] =	dma.local [hbm:s3], $0xF7A  }
0x26: {  	[smem:$0x3F99] =	sst s1;
	(tag) =	ssettag s2;
	_ =	strace s9  }
0x27: {  	s1 =	sld [smem:$0x3FA9]  }
0x28: {  	s2 =	sld [smem:$0x3FAA]  }
0x29: {  	s4 =	sld [smem:$0x3FAC]  }
0x2a: {  	p0 =	seq.s32 s5, $0x0;
	s5 =	sld [smem:$0x3FAD]  }
0x2b: {  	s6 =	sld [smem:$0x3FAE]  }
0x2c: {  	s7 =	sld [smem:$0x3FAF]  }
0x2d: {  	s3 =	simm.s32 $0x108;
	s8 =	sld [smem:$0x3FB0]  }
0x2e: {  	s3 =	simm.s32 @!p0 $0x1082;
	s9 =	sld [smem:$0x3FB1]  }
0x2f: {  	lr =	sadd.s32 s0, s3;
	s0 =	sld [smem:$0x3FA8]  }
0x30: {  	s3 =	sld [smem:$0x3FAB]  }
0x31: {  	[smem:$0x3FB4] =	sst s10  }
0x32: {  	s10 =	sld [smem:$0x3FB2];
	_ =	sdelay $0x3  }
0x33: {  	p0 =	seq.s32 s10, $0x1;
	s10 =	sld [smem:$0x3FB4];
	_ =	sdelay $0x3  }
0x34: {  	[smem:$0x3FB4] =	sst s10  }
0x35: {  	s10 =	sld [smem:$0x3FB3];
	_ =	sdelay $0x3  }
0x36: {  	p1 =	seq.s32 s10, $0x1;
	s10 =	sld [smem:$0x3FB4];
	_ =	sdelay $0x3  }
0x37: {  	[smem:$0x3FB4] =	sst s10  }
0x38: {  	s10 =	sld [smem:$0x3FB5]  }
0x39: {  	_ = 	snop;
	(pc) =	sbr.ind lr, $3  }
0x3a: {  	_ = 	snop  }
0x3b: {  	_ = 	snop  }
0x3c: {  	p2 =	seq.s32 s10, $0x1;
	s10 =	sld [smem:$0x3FB4]  }
0x3d: {  	_ =	shalt  }
0x3e: {  	_ =	shalt  }
0x3f: {  	_ =	shalt  }
0x40: {  	_ =	shalt  }
0x41: {  	_ =	shalt  }
0x42: {  	_ =	shalt  }
0x43: {  	_ =	shalt  }
0x44: {  	_ =	shalt  }
0x45: {  	_ =	shalt  }
0x46: {  	_ =	shalt  }
0x47: {  	_ =	shalt  }
0x48: {  	_ =	shalt  }
0x49: {  	_ =	shalt  }
0x4a: {  	_ =	shalt  }
0x4b: {  	_ =	shalt  }
0x4c: {  	_ =	shalt  }
0x4d: {  	_ =	shalt  }
0x4e: {  	_ =	shalt  }
0x4f: {  	_ =	shalt  }
0x50: {  	_ =	shalt  }
0x51: {  	_ =	shalt  }
0x52: {  	_ =	shalt  }
0x53: {  	_ =	shalt  }
0x54: {  	_ =	shalt  }
0x55: {  	_ =	shalt  }
0x56: {  	_ =	shalt  }
0x57: {  	_ =	shalt  }
0x58: {  	_ =	shalt  }
0x59: {  	_ =	shalt  }
0x5a: {  	_ =	shalt  }
0x5b: {  	_ =	shalt  }
0x5c: {  	_ =	shalt  }
0x5d: {  	_ =	shalt  }
0x5e: {  	_ =	shalt  }
0x5f: {  	_ =	shalt  }
0x60: {  	_ =	shalt  }
0x61: {  	_ =	shalt  }
0x62: {  	_ =	shalt  }
0x63: {  	_ =	shalt  }
0x64: {  	_ =	shalt  }
0x65: {  	_ =	shalt  }
0x66: {  	_ =	shalt  }
0x67: {  	_ =	shalt  }
0x68: {  	_ =	shalt  }
0x69: {  	_ =	shalt  }
0x6a: {  	_ =	shalt  }
0x6b: {  	_ =	shalt  }
0x6c: {  	_ =	shalt  }
0x6d: {  	_ =	shalt  }
0x6e: {  	_ =	shalt  }
0x6f: {  	_ =	shalt  }
0x70: {  	_ =	shalt  }
0x71: {  	_ =	shalt  }
0x72: {  	_ =	shalt  }
0x73: {  	_ =	shalt  }
0x74: {  	_ =	shalt  }
0x75: {  	_ =	shalt  }
0x76: {  	_ =	shalt  }
0x77: {  	_ =	shalt  }
0x78: {  	_ =	shalt  }
0x79: {  	_ =	shalt  }
0x7a: {  	_ =	shalt  }
0x7b: {  	_ =	shalt  }
0x7c: {  	_ =	shalt  }
0x7d: {  	_ =	shalt  }
0x7e: {  	_ =	shalt  }
0x7f: {  	_ =	shalt  }
0x80: {  	_ =	shalt  }
0x81: {  	_ =	shalt  }
0x82: {  	_ =	shalt  }
0x83: {  	_ =	shalt  }
0x84: {  	_ =	shalt  }
0x85: {  	_ =	shalt  }
0x86: {  	_ =	shalt  }
0x87: {  	_ =	shalt  }
.Lfunc_end0:
.L_simem_size_0:
called_computation_lowered:
.L_overlay_start_0:
0x88: {  	s2 =	sld [smem:$0x3FD9]  }
0x89: {  	s3 =	sld [smem:$0x3FFE];
	_ =	sdelay $0x1  }
0x8a: {  	s1 =	srdreg.scid  }
0x8b: {  	s0 =	sand.u32 $0x1, s1  }
0x8c: {  	s17 =	sshll.u32 s0, $0xA;
	s2 =	sadd.s32 s3, s2  }
0x8d: {  	s2 =	sadd.s32 s2, s17  }
0x8e: {  	[smem:$0x3FC0] =	sst s2  }
0x8f: {  	_ = 	snop  }
0x90: {  	s18 =	sld [smem:$0x3FC9];
	(tm) =	ssettm $0x1  }
0x91: {  	s19 =	sld [smem:$0x3FFB];
	_ =	sdelay $0x3  }
0x92: {  	_ =	strace s19  }
0x93: {  	s2 =	sld [smem:$0x3FFC];
	_ =	sdelay $0x3  }
0x94: {  	_ =	strace s2  }
0x95: {  	s2 =	sld [smem:$0x3FFD];
	_ =	sdelay $0x3  }
0x96: {  	_ =	strace s2  }
0x97: {  	_ =	strace $0x8FFFFFFF  }
0x98: {  	s20 =	sld [smem:$0x3FDB];
	_ =	sdelay $0x1  }
0x99: {  	s4 =	simm.s32 $_scs_section_size  }
0x9a: {  	s5 =	simm.s32 $_size__tile_overlayer_lowered;
	s6 =	simm.s32 $_tile_overlayer_lowered  }
0x9b: {  	s7 =	simm.s32 $0x1BFF;
	s21 =	sshll.u32 s6, $0x1;
	s4 =	sadd.s32 s4, s20  }
0x9c: {  	s22 =	simm.s32 $0x0;
	s5 =	sshll.u32 s5, $0x1;
	s6 =	sadd.s32 s21, s4  }
0x9d: {  	[timem:s22], [sflag:s7] =	dma.local [hbm:s6], s5  }
0x9e: {  	_ =	swait.ge [sflag:s7], s5  }
0x9f: {  	s5 =	ssub.s32 $0x0, s5;
	[sflag:s7] =	ssyncset.done $0x0  }
0xa0: {  	[sflag:s7] =	ssyncadd.s32 s5;
	_ =	sdelay $0x1  }
0xa1: {  	s23 =	simm.s32 $0x1B8B  }
0xa2: {  	_ =	swait.ge [sflag:s23], $0x1  }
0xa3: {  	[sflag:s23] =	ssyncset.done $0x0  }
0xa4: {  	[sflag:s23] =	ssyncadd.s32 $0xFFFFFFFF  }
0xa5: {  	s5 =	sld [smem:$0x0]  }
0xa6: {  	s6 =	sand.u32 $0xFFFFFFFE, s1  }
0xa7: {  	p0 =	sne.s32 s1, s6  }
0xa8: {  	s6 =	sshll.u32 @p0 s6, $0xE  }
0xa9: {  	s6 =	sadd.s32 @p0 $0x11B8D, s6;
	s7 =	sshll.u32 @p0 s5, $0x11  }
0xaa: {  	s6 =	sor.u32 @p0 s7, s6  }
0xab: {  	[sflag:s6] =	ssyncadd.remote.s32 @p0 $0x1;
	_ =	sdelay $0x1  }
0xac: {  	s6 =	simm.s32 @p0 $0x1B8D  }
0xad: {  	_ =	swait.eq @p0 [sflag:s6], $0x1  }
0xae: {  	[sflag:s6] =	ssyncadd.s32 @p0 $0xFFFFFFFF  }
0xaf: {  	s7 =	sshll.u32 @!p0 s1, $0xE  }
0xb0: {  	s7 =	sor.u32 @!p0 $0x4000, s7;
	s6 =	simm.s32 @!p0 $0x1B8D  }
0xb1: {  	s5 =	sshll.u32 @!p0 s5, $0x11;
	s7 =	sadd.s32 @!p0 $0x11B8D, s7;
	_ =	swait.eq @!p0 [sflag:s6], $0x1  }
0xb2: {  	s5 =	sor.u32 @!p0 s5, s7;
	[sflag:s6] =	ssyncadd.s32 @!p0 $0xFFFFFFFF  }
0xb3: {  	s25 =	simm.s32 $0x1B8E;
	s24 =	sld [smem:$0x3FFE];
	[sflag:s5] =	ssyncadd.remote.s32 @!p0 $0x1  }
0xb4: {  	s26 =	simm.s32 $execute0_lowered;
	[smem:$0x3FD2] =	sst s25  }
0xb5: {  	s6 =	sshll.u32 s26, $0x1;
	_ =	strace $0x80000049;
	[dreg:$0x1] =	wrdreg $0xFFFFFFFF  }
0xb6: {  	s28 =	simm.s32 $_size_execute0_lowered;
	s4 =	sadd.s32 s4, s6;
	[dreg:$0x0] =	wrdreg $0x0  }
0xb7: {  	s6 =	sshll.u32 s28, $0x1;
	[dreg:$0x2] =	wrdreg s4  }
0xb8: {  	[dreg:$0x3] =	wrdreg s6  }
0xb9: {  	[dreg:$0x4] =	wrdreg $0xC0  }
0xba: {  	_ =	task [dreg:s22], $0x5FFFF  }
0xbb: {  	[dreg:$0x1] =	wrdreg $0xFFFFFFFF  }
0xbc: {  	[dreg:$0x0] =	wrdreg $0x60  }
0xbd: {  	[dreg:$0x2] =	wrdreg s18  }
0xbe: {  	[dreg:$0x3] =	wrdreg s24  }
0xbf: {  	[dreg:$0x4] =	wrdreg $0xA8000  }
0xc0: {  	[dreg:$0x5] =	wrdreg $0x9  }
0xc1: {  	_ =	task.clear_ibuf [dreg:s22], $0x6FFFF;
	_ =	strace $0x90000049  }
0xc2: {  	s29 =	simm.s32 $0x9;
	_ =	strace $0x8000004B  }
0xc3: {  	_ =	swait.ge [sflag:s29], $0x1  }
0xc4: {  	[sflag:s29] =	ssyncadd.s32 $0xFFFFFFFF  }
0xc5: {  	_ =	strace $0x9000004B  }
0xc6: {  	_ =	sfence  }
0xc7: {  	s30 =	sld [smem:$0x0];
	_ =	sdelay $0x2  }
0xc8: {  	s31 =	sshll.u32 s1, $0xD;
	s1 =	sshrl.u32 s1, $0x2  }
0xc9: {  	s4 =	sand.u32 $0x4000, s31;
	s1 =	sadd.s32 s1, s30  }
0xca: {  	s0 =	sor.u32 s4, s0;
	s1 =	sshll.u32 s1, $0x11  }
0xcb: {  	s0 =	sor.u32 s1, s0  }
0xcc: {  	s0 =	sadd.s32 $0x8F2B, s0  }
0xcd: {  	[sflag:s0] =	ssyncadd.remote.s32 $0x1  }
0xce: {  	_ =	sfence.sel $0xFFFF  }
0xcf: {  	[dreg:$0x0] =	wrdreg $0xFFFFFFFF;
	(pc) =	sbr.abs _section_cstart, $3  }
0xd0: {  	[dreg:$0x1] =	wrdreg $0xFFFFFFFF  }
0xd1: {  	_ =	task.clear_ibuf [dreg:s22], $0x2FFFF;
	_ =	strace $0x9FFFFFFF  }
0xd2: {  	(tm) =	ssettm $0x7FFFFFFF  }
0xd3: {  	_ =	shalt  }
tec
execute0_lowered:
.L_overlay_start_1:
0x0: {  	(tag) =	ssettag $0x1  }
0x1: {  	s1 =	rddreg [dreg:$0x0]  }
0x2: {  	s0 =	rddreg [dreg:$0x1]  }
0x3: {  	s2 =	rddreg [dreg:$0x2];
	s4 =	simm.s32 $0x0  }
0x4: {  	s3 =	srdreg.scid;
	s9 =	stileid.u32;
	s11 =	simm.s32 $0x1380  }
0x5: {  	[smem:$0x7FF] =	sst s4;
	s3 =	sand.u32 $0x1, s3;
	s6 =	smul.u32 $0x14000, s9  }
0x6: {  	s7 =	sadd.s32 $0x2800, s0;
	s8 =	sadd.s32 $0xC800, s0;
	s12 =	smul.u32 $0x140000, s3  }
0x7: {  	_ =	strace $0x8000004A;
	s5 =	sshll.u32 s3, $0x4;
	s3 =	ssub.s32 $0x2, s3  }
0x8: {  	s5 =	sor.u32 s9, s5;
	s9 =	smul.u32 $0x50000, s9;
	s13 =	sshrl.u32 s3, $0x1  }
0x9: {  	s18 =	sadd.s32 s6, s2;
	s4 =	sadd.s32 s6, s12;
	s10 =	smul.u32 $0x2800, s5  }
0xa: {  	s3 =	ssub.s32 s3, s13;
	s6 =	simm.s32 $0x1400;
	s12 =	simm.s32 $0x2700  }
0xb: {  	s13 =	simm.s32 $0x2780;
	s4 =	sshrl.u32 s4, $0x3;
	s14 =	sshrl.u32 s9, $0x2  }
0xc: {  	s3 =	smax.u32 s3, $0x1;
	s9 =	simm.s32 $0x1;
	s15 =	sshrl.u32 s10, $0x3  }
0xd: {  	s0 =	sadd.s32 s4, s0;
	[dreg:$0x9] =	wrdreg s3;
	s16 =	sadd.s32 s7, s15  }
0xe: {  	s5 =	sadd.s32 s14, s2;
	s17 =	sadd.s32 s8, s15;
	[dreg:$0x4] =	wrdreg s16  }
0xf: {  	s3 =	simm.s32 $0x2800;
	s0 =	sadd.s32 $0x16C00, s0;
	[dreg:$0x5] =	wrdreg s17  }
0x10: {  	s10 =	simm.s32 $0x2;
	s19 =	sadd.s32 $0x1000, s5;
	[dreg:$0x8] =	wrdreg s0  }
0x11: {  	s14 =	simm.s32 $0x0;
	s20 =	sadd.s32 $0x2000, s5;
	[dreg:$0xa] =	wrdreg s19  }
0x12: {  	s4 =	sadd.s32 $0x280, s15;
	s21 =	sadd.s32 $0x3000, s5;
	[dreg:$0xb] =	wrdreg s20  }
0x13: {  	s22 =	sadd.s32 $0x4000, s5;
	s23 =	sadd.s32 $0x5000, s5;
	[dreg:$0xc] =	wrdreg s21  }
0x14: {  	s24 =	sadd.s32 $0x6000, s5;
	s25 =	sadd.s32 $0x7000, s5;
	[dreg:$0xd] =	wrdreg s22  }
0x15: {  	s26 =	sadd.s32 $0x8000, s5;
	s28 =	sadd.s32 $0xF000, s5;
	[dreg:$0xe] =	wrdreg s23  }
0x16: {  	s29 =	sadd.s32 $0x10000, s5;
	s30 =	sadd.s32 $0x11000, s5;
	[dreg:$0xf] =	wrdreg s24  }
0x17: {  	s31 =	sadd.s32 $0x12000, s5;
	s7 =	sadd.s32 s7, s4;
	[dreg:$0x10] =	wrdreg s25  }
0x18: {  	s4 =	sadd.s32 s8, s4;
	[dreg:$0x11] =	wrdreg s26;
	s20 =	sadd.s32 $0x9000, s5  }
0x19: {  	s21 =	sadd.s32 $0xA000, s5;
	s22 =	sadd.s32 $0xB000, s5;
	s23 =	sadd.s32 $0xC000, s5  }
0x1a: {  	s24 =	sadd.s32 $0xD000, s5;
	s25 =	sshrl.u32 s18, $0x3;
	s26 =	sadd.s32 $0xE000, s5  }
0x1b: {  	s0 =	sadd.s32 $0x13000, s5;
	s8 =	simm.s32 $0x6800;
	[dreg:$0x6] =	wrdreg s7  }
0x1c: {  	v0 =	vimm.f32 $0.0e+00;
	[dreg:$0x7] =	wrdreg s4;
	s4 =	simm.s32 $0x3;
	s7 =	simm.s32 $0x80  }
.LBB2_1:
0x1d: {  	s16 =	simm.s32 $0x0  }
0x1e: {  	s15 =	sand.u32 $0x3E00, s16  }
0x1f: {  	s16 =	sand.u32 $0x70, s16;
	s17 =	sshrl.u32 s15, $0x2  }
0x20: {  	s15 =	simm.s32 $0x40;
	s17 =	sor.u32 s16, s17;
	s16 =	simm.s32 $0x0  }
.LBB2_2:
0x21: {  	p0 =	sne.s32 s15, $0x3FC0  }
0x22: {  	[tilespmem:s17+$0x2800] =	vst v0;
	s16 =	sadd.s32 $0x10, s16;
	s17 =	smov.u32 s15;
	s15 =	sadd.s32 $0x40, s15  }
.Ltmp0:
0x23: {  	(pc) =	sbr.rel @p0 .LBB2_2-.Ltmp0, $4  }
0x24: {  	_ = 	snop  }
0x25: {  	s17 =	sand.u32 $0x3E00, s17  }
0x26: {  	s18 =	sand.u32 $0x70, s16;
	s17 =	sshrl.u32 s17, $0x2  }
0x27: {  	s17 =	sor.u32 s18, s17  }
0x28: {  	[tilespmem:s17+$0x2800] =	vst v0  }
0x29: {  	[spmem:s5] =	stream.linear.scatter [tilespmem:s3], [sflag:$0x3], $0x1000, $0x38;
	[tilespmem:$0x1E800] =	vst v63  }
0x2a: {  	_ =	swait.ge [sflag:s4], $0x1000  }
0x2b: {  	[sflag:s4] =	ssyncset.done $0x0  }
0x2c: {  	s15 =	rddreg [dreg:$0xa];
	[sflag:s4] =	ssyncadd.s32 $0xFFFFF000  }
0x2d: {  	[spmem:s15] =	stream.linear.scatter [tilespmem:s3], [sflag:$0x3], $0x1000, $0x38;
	[tilespmem:$0x1E800] =	vst v63  }
0x2e: {  	_ =	swait.ge [sflag:s4], $0x1000  }
0x2f: {  	[sflag:s4] =	ssyncset.done $0x0  }
0x30: {  	s19 =	rddreg [dreg:$0xb];
	[sflag:s4] =	ssyncadd.s32 $0xFFFFF000  }
0x31: {  	[spmem:s19] =	stream.linear.scatter [tilespmem:s3], [sflag:$0x3], $0x1000, $0x38;
	[tilespmem:$0x1E800] =	vst v63  }
0x32: {  	_ =	swait.ge [sflag:s4], $0x1000  }
0x33: {  	[sflag:s4] =	ssyncset.done $0x0  }
0x34: {  	s16 =	rddreg [dreg:$0xc];
	[sflag:s4] =	ssyncadd.s32 $0xFFFFF000  }
0x35: {  	[spmem:s16] =	stream.linear.scatter [tilespmem:s3], [sflag:$0x3], $0x1000, $0x38;
	[tilespmem:$0x1E800] =	vst v63  }
0x36: {  	_ =	swait.ge [sflag:s4], $0x1000  }
0x37: {  	[sflag:s4] =	ssyncset.done $0x0  }
0x38: {  	s17 =	rddreg [dreg:$0xd];
	[sflag:s4] =	ssyncadd.s32 $0xFFFFF000  }
0x39: {  	[spmem:s17] =	stream.linear.scatter [tilespmem:s3], [sflag:$0x3], $0x1000, $0x38;
	[tilespmem:$0x1E800] =	vst v63  }
0x3a: {  	_ =	swait.ge [sflag:s4], $0x1000  }
0x3b: {  	[sflag:s4] =	ssyncset.done $0x0  }
0x3c: {  	s18 =	rddreg [dreg:$0xe];
	[sflag:s4] =	ssyncadd.s32 $0xFFFFF000  }
0x3d: {  	[spmem:s18] =	stream.linear.scatter [tilespmem:s3], [sflag:$0x3], $0x1000, $0x38;
	[tilespmem:$0x1E800] =	vst v63  }
0x3e: {  	_ =	swait.ge [sflag:s4], $0x1000  }
0x3f: {  	[sflag:s4] =	ssyncset.done $0x0  }
0x40: {  	s19 =	rddreg [dreg:$0xf];
	[sflag:s4] =	ssyncadd.s32 $0xFFFFF000  }
0x41: {  	[spmem:s19] =	stream.linear.scatter [tilespmem:s3], [sflag:$0x3], $0x1000, $0x38;
	[tilespmem:$0x1E800] =	vst v63  }
0x42: {  	_ =	swait.ge [sflag:s4], $0x1000  }
0x43: {  	[sflag:s4] =	ssyncset.done $0x0  }
0x44: {  	s16 =	rddreg [dreg:$0x10];
	[sflag:s4] =	ssyncadd.s32 $0xFFFFF000  }
0x45: {  	[spmem:s16] =	stream.linear.scatter [tilespmem:s3], [sflag:$0x3], $0x1000, $0x38;
	[tilespmem:$0x1E800] =	vst v63  }
0x46: {  	_ =	swait.ge [sflag:s4], $0x1000  }
0x47: {  	[sflag:s4] =	ssyncset.done $0x0  }
0x48: {  	s17 =	rddreg [dreg:$0x11];
	[sflag:s4] =	ssyncadd.s32 $0xFFFFF000  }
0x49: {  	[spmem:s17] =	stream.linear.scatter [tilespmem:s3], [sflag:$0x3], $0x1000, $0x38;
	[tilespmem:$0x1E800] =	vst v63  }
0x4a: {  	_ =	swait.ge [sflag:s4], $0x1000  }
0x4b: {  	[sflag:s4] =	ssyncset.done $0x0  }
0x4c: {  	[sflag:s4] =	ssyncadd.s32 $0xFFFFF000  }
0x4d: {  	[spmem:s20] =	stream.linear.scatter [tilespmem:s3], [sflag:$0x3], $0x1000, $0x38;
	[tilespmem:$0x1E800] =	vst v63  }
0x4e: {  	_ =	swait.ge [sflag:s4], $0x1000  }
0x4f: {  	[sflag:s4] =	ssyncset.done $0x0  }
0x50: {  	[sflag:s4] =	ssyncadd.s32 $0xFFFFF000  }
0x51: {  	[spmem:s21] =	stream.linear.scatter [tilespmem:s3], [sflag:$0x3], $0x1000, $0x38;
	[tilespmem:$0x1E800] =	vst v63  }
0x52: {  	_ =	swait.ge [sflag:s4], $0x1000  }
0x53: {  	[sflag:s4] =	ssyncset.done $0x0  }
0x54: {  	[sflag:s4] =	ssyncadd.s32 $0xFFFFF000  }
0x55: {  	[spmem:s22] =	stream.linear.scatter [tilespmem:s3], [sflag:$0x3], $0x1000, $0x38;
	[tilespmem:$0x1E800] =	vst v63  }
0x56: {  	_ =	swait.ge [sflag:s4], $0x1000  }
0x57: {  	[sflag:s4] =	ssyncset.done $0x0  }
0x58: {  	[sflag:s4] =	ssyncadd.s32 $0xFFFFF000  }
0x59: {  	[spmem:s23] =	stream.linear.scatter [tilespmem:s3], [sflag:$0x3], $0x1000, $0x38;
	[tilespmem:$0x1E800] =	vst v63  }
0x5a: {  	_ =	swait.ge [sflag:s4], $0x1000  }
0x5b: {  	[sflag:s4] =	ssyncset.done $0x0  }
0x5c: {  	[sflag:s4] =	ssyncadd.s32 $0xFFFFF000  }
0x5d: {  	[spmem:s24] =	stream.linear.scatter [tilespmem:s3], [sflag:$0x3], $0x1000, $0x38;
	[tilespmem:$0x1E800] =	vst v63  }
0x5e: {  	_ =	swait.ge [sflag:s4], $0x1000  }
0x5f: {  	[sflag:s4] =	ssyncset.done $0x0  }
0x60: {  	[sflag:s4] =	ssyncadd.s32 $0xFFFFF000  }
0x61: {  	[spmem:s26] =	stream.linear.scatter [tilespmem:s3], [sflag:$0x3], $0x1000, $0x38;
	[tilespmem:$0x1E800] =	vst v63  }
0x62: {  	_ =	swait.ge [sflag:s4], $0x1000  }
0x63: {  	[sflag:s4] =	ssyncset.done $0x0  }
0x64: {  	[sflag:s4] =	ssyncadd.s32 $0xFFFFF000  }
0x65: {  	[spmem:s28] =	stream.linear.scatter [tilespmem:s3], [sflag:$0x3], $0x1000, $0x38;
	[tilespmem:$0x1E800] =	vst v63  }
0x66: {  	_ =	swait.ge [sflag:s4], $0x1000  }
0x67: {  	[sflag:s4] =	ssyncset.done $0x0  }
0x68: {  	[sflag:s4] =	ssyncadd.s32 $0xFFFFF000  }
0x69: {  	[spmem:s29] =	stream.linear.scatter [tilespmem:s3], [sflag:$0x3], $0x1000, $0x38;
	[tilespmem:$0x1E800] =	vst v63  }
0x6a: {  	_ =	swait.ge [sflag:s4], $0x1000  }
0x6b: {  	[sflag:s4] =	ssyncset.done $0x0  }
0x6c: {  	[sflag:s4] =	ssyncadd.s32 $0xFFFFF000  }
0x6d: {  	[spmem:s30] =	stream.linear.scatter [tilespmem:s3], [sflag:$0x3], $0x1000, $0x38;
	[tilespmem:$0x1E800] =	vst v63  }
0x6e: {  	_ =	swait.ge [sflag:s4], $0x1000  }
0x6f: {  	[sflag:s4] =	ssyncset.done $0x0  }
0x70: {  	[sflag:s4] =	ssyncadd.s32 $0xFFFFF000  }
0x71: {  	[spmem:s31] =	stream.linear.scatter [tilespmem:s3], [sflag:$0x3], $0x1000, $0x38;
	[tilespmem:$0x1E800] =	vst v63  }
0x72: {  	_ =	swait.ge [sflag:s4], $0x1000  }
0x73: {  	[sflag:s4] =	ssyncset.done $0x0  }
0x74: {  	[sflag:s4] =	ssyncadd.s32 $0xFFFFF000  }
0x75: {  	[spmem:s0] =	stream.linear.scatter [tilespmem:s3], [sflag:$0x3], $0x1000, $0x38;
	[tilespmem:$0x1E800] =	vst v63  }
0x76: {  	_ =	swait.ge [sflag:s4], $0x1000  }
0x77: {  	[sflag:s4] =	ssyncset.done $0x0  }
0x78: {  	[sflag:s4] =	ssyncadd.s32 $0xFFFFF000  }
0x79: {  	[bflag:$0x0] =	sbarrier.arrive $0xFFFF  }
0x7a: {  	s18 =	simm.s32 $0x0;
	s16 =	rddreg [dreg:$0x4]  }
0x7b: {  	[tilespmem:s18], [sflag:$0x3] =	stream.linear.gather [hbm4b:s16+s18], $0x1400, $0x38;
	[tilespmem:$0x1E800] =	vst v63  }
0x7c: {  	_ =	swait.ge [sflag:s4], $0x1400  }
0x7d: {  	[sflag:s4] =	ssyncset.done $0x0  }
0x7e: {  	s19 =	rddreg [dreg:$0x5];
	[sflag:s4] =	ssyncadd.s32 $0xFFFFEC00  }
0x7f: {  	[tilespmem:s6], [sflag:$0x3] =	stream.linear.gather [hbm4b:s19+s18], $0x1400, $0x38;
	[tilespmem:$0x1E800] =	vst v63  }
0x80: {  	_ =	swait.ge [sflag:s4], $0x1400  }
0x81: {  	[sflag:s4] =	ssyncset.done $0x0  }
0x82: {  	[sflag:s4] =	ssyncadd.s32 $0xFFFFEC00  }
0x83: {  	[tilespmem:s3], [sflag:$0x1] =	stream.indirect.gather [hbm4b:s1+s7], $0x80, s18, s7, $0xb8;
	[tilespmem:$0x1E800] =	vst v63  }
0x84: {  	s16 =	simm.s32 $0x80  }
0x85: {  	[tilespmem:s8], [sflag:$0x2] =	stream.indirect.gather [hbm4b:s1+s7], $0x80, s16, s7, $0xb8;
	[tilespmem:$0x1E800] =	vst v63  }
0x86: {  	_ =	swait.ge [sflag:s9], $0x4000  }
0x87: {  	[sflag:s9] =	ssyncset.done $0x0  }
0x88: {  	s17 =	simm.s32 $0x1400;
	[sflag:s9] =	ssyncadd.s32 $0xFFFFC000  }
0x89: {  	[spmem:s2] =	stream.indirect.scatter.add.f32 [tilespmem:s3], [sflag:$0x3], $0x80, s17, s7, $0xb8;
	[tilespmem:$0x1E800] =	vst v63  }
0x8a: {  	_ =	swait.ge [sflag:s4], $0x4000  }
0x8b: {  	[sflag:s4] =	ssyncset.done $0x0  }
0x8c: {  	s18 =	simm.s32 $0x100;
	[sflag:s4] =	ssyncadd.s32 $0xFFFFC000  }
0x8d: {  	[tilespmem:s3], [sflag:$0x1] =	stream.indirect.gather [hbm4b:s1+s7], $0x80, s18, s7, $0xb8;
	[tilespmem:$0x1E800] =	vst v63  }
0x8e: {  	_ =	swait.ge [sflag:s10], $0x4000  }
0x8f: {  	[sflag:s10] =	ssyncset.done $0x0  }
0x90: {  	s19 =	simm.s32 $0x1480;
	[sflag:s10] =	ssyncadd.s32 $0xFFFFC000  }
0x91: {  	[spmem:s2] =	stream.indirect.scatter.add.f32 [tilespmem:s8], [sflag:$0x3], $0x80, s19, s7, $0xb8;
	[tilespmem:$0x1E800] =	vst v63  }
0x92: {  	_ =	swait.ge [sflag:s4], $0x4000  }
0x93: {  	s15 =	simm.s32 $0x100;
	s16 =	simm.s32 $0x800;
	[sflag:s4] =	ssyncset.done $0x0  }
.LBB2_4:
0x94: {  	s17 =	sadd.s32 $0x80, s15  }
0x95: {  	[sflag:s4] =	ssyncadd.s32 $0xFFFFC000;
	s18 =	smov.u32 s16;
	s19 =	sadd.s32 $0x400, s16  }
0x96: {  	[tilespmem:s8], [sflag:$0x2] =	stream.indirect.gather [hbm4b:s1+s7], $0x80, s17, s7, $0xb8;
	[tilespmem:$0x1E800] =	vst v63  }
0x97: {  	p0 =	sne.s32 s16, $0x4800;
	_ =	swait.ge [sflag:s9], $0x4000  }
0x98: {  	[sflag:s9] =	ssyncset.done $0x0  }
0x99: {  	s16 =	sadd.s32 $0x1400, s15;
	[sflag:s9] =	ssyncadd.s32 $0xFFFFC000  }
0x9a: {  	[spmem:s2] =	stream.indirect.scatter.add.f32 [tilespmem:s3], [sflag:$0x3], $0x80, s16, s7, $0xb8;
	[tilespmem:$0x1E800] =	vst v63  }
0x9b: {  	_ =	swait.ge [sflag:s4], $0x4000  }
0x9c: {  	[sflag:s4] =	ssyncset.done $0x0  }
0x9d: {  	s16 =	sadd.s32 $0x100, s15;
	[sflag:s4] =	ssyncadd.s32 $0xFFFFC000  }
0x9e: {  	[tilespmem:s3], [sflag:$0x1] =	stream.indirect.gather [hbm4b:s1+s7], $0x80, s16, s7, $0xb8;
	[tilespmem:$0x1E800] =	vst v63  }
0x9f: {  	_ =	swait.ge [sflag:s10], $0x4000  }
.Ltmp1:
0xa0: {  	[sflag:s10] =	ssyncset.done $0x0;
	(pc) =	sbr.rel @p0 .LBB2_4-.Ltmp1, $4  }
0xa1: {  	s15 =	sadd.s32 $0x1480, s15;
	[sflag:s10] =	ssyncadd.s32 $0xFFFFC000  }
0xa2: {  	[spmem:s2] =	stream.indirect.scatter.add.f32 [tilespmem:s8], [sflag:$0x3], $0x80, s15, s7, $0xb8;
	[tilespmem:$0x1E800] =	vst v63  }
0xa3: {  	_ =	swait.ge [sflag:s4], $0x4000  }
0xa4: {  	s16 =	smov.u32 s19;
	s15 =	sshra.s32 s18, $0x2;
	[sflag:s4] =	ssyncset.done $0x0  }
0xa5: {  	s16 =	sadd.s32 $0x80, s15;
	[sflag:s4] =	ssyncadd.s32 $0xFFFFC000  }
0xa6: {  	[tilespmem:s8], [sflag:$0x2] =	stream.indirect.gather [hbm4b:s1+s7], $0x80, s16, s7, $0xb8;
	[tilespmem:$0x1E800] =	vst v63  }
0xa7: {  	_ =	swait.ge [sflag:s9], $0x4000  }
0xa8: {  	[sflag:s9] =	ssyncset.done $0x0  }
0xa9: {  	s18 =	sadd.s32 $0x1400, s15;
	[sflag:s9] =	ssyncadd.s32 $0xFFFFC000  }
0xaa: {  	[spmem:s2] =	stream.indirect.scatter.add.f32 [tilespmem:s3], [sflag:$0x3], $0x80, s18, s7, $0xb8;
	[tilespmem:$0x1E800] =	vst v63  }
0xab: {  	_ =	swait.ge [sflag:s4], $0x4000  }
0xac: {  	[sflag:s4] =	ssyncset.done $0x0  }
0xad: {  	s19 =	sadd.s32 $0x100, s15;
	[sflag:s4] =	ssyncadd.s32 $0xFFFFC000  }
0xae: {  	[tilespmem:s3], [sflag:$0x1] =	stream.indirect.gather [hbm4b:s1+s7], $0x80, s19, s7, $0xb8;
	[tilespmem:$0x1E800] =	vst v63  }
0xaf: {  	_ =	swait.ge [sflag:s10], $0x4000  }
0xb0: {  	[sflag:s10] =	ssyncset.done $0x0  }
0xb1: {  	s16 =	sadd.s32 $0x1480, s15;
	[sflag:s10] =	ssyncadd.s32 $0xFFFFC000  }
0xb2: {  	[spmem:s2] =	stream.indirect.scatter.add.f32 [tilespmem:s8], [sflag:$0x3], $0x80, s16, s7, $0xb8;
	[tilespmem:$0x1E800] =	vst v63  }
0xb3: {  	_ =	swait.ge [sflag:s4], $0x4000  }
0xb4: {  	[sflag:s4] =	ssyncset.done $0x0  }
0xb5: {  	[sflag:s4] =	ssyncadd.s32 $0xFFFFC000  }
0xb6: {  	[tilespmem:s8], [sflag:$0x2] =	stream.indirect.gather [hbm4b:s1+s7], $0x80, s11, s7, $0xb8;
	[tilespmem:$0x1E800] =	vst v63  }
0xb7: {  	_ =	swait.ge [sflag:s9], $0x4000  }
0xb8: {  	[sflag:s9] =	ssyncset.done $0x0  }
0xb9: {  	[sflag:s9] =	ssyncadd.s32 $0xFFFFC000  }
0xba: {  	[spmem:s2] =	stream.indirect.scatter.add.f32 [tilespmem:s3], [sflag:$0x3], $0x80, s12, s7, $0xb8;
	[tilespmem:$0x1E800] =	vst v63  }
0xbb: {  	_ =	swait.ge [sflag:s4], $0x4000  }
0xbc: {  	[sflag:s4] =	ssyncset.done $0x0  }
0xbd: {  	[sflag:s4] =	ssyncadd.s32 $0xFFFFC000  }
0xbe: {  	_ =	swait.ge [sflag:s10], $0x4000  }
0xbf: {  	[sflag:s10] =	ssyncset.done $0x0  }
0xc0: {  	[sflag:s10] =	ssyncadd.s32 $0xFFFFC000  }
0xc1: {  	[spmem:s2] =	stream.indirect.scatter.add.f32 [tilespmem:s8], [sflag:$0x3], $0x80, s13, s7, $0xb8;
	[tilespmem:$0x1E800] =	vst v63  }
0xc2: {  	_ =	swait.ge [sflag:s4], $0x4000  }
0xc3: {  	[sflag:s4] =	ssyncset.done $0x0  }
0xc4: {  	s17 =	simm.s32 $0x0;
	s18 =	rddreg [dreg:$0x6];
	[sflag:s4] =	ssyncadd.s32 $0xFFFFC000  }
0xc5: {  	[tilespmem:s17], [sflag:$0x3] =	stream.linear.gather [hbm4b:s18+s17], $0x1400, $0x38;
	[tilespmem:$0x1E800] =	vst v63  }
0xc6: {  	_ =	swait.ge [sflag:s4], $0x1400  }
0xc7: {  	[sflag:s4] =	ssyncset.done $0x0  }
0xc8: {  	s19 =	rddreg [dreg:$0x7];
	[sflag:s4] =	ssyncadd.s32 $0xFFFFEC00  }
0xc9: {  	[tilespmem:s6], [sflag:$0x3] =	stream.linear.gather [hbm4b:s19+s17], $0x1400, $0x38;
	[tilespmem:$0x1E800] =	vst v63  }
0xca: {  	_ =	swait.ge [sflag:s4], $0x1400  }
0xcb: {  	[sflag:s4] =	ssyncset.done $0x0  }
0xcc: {  	[sflag:s4] =	ssyncadd.s32 $0xFFFFEC00  }
0xcd: {  	[tilespmem:s3], [sflag:$0x1] =	stream.indirect.gather [hbm4b:s1+s7], $0x80, s17, s7, $0xb8;
	[tilespmem:$0x1E800] =	vst v63  }
0xce: {  	s16 =	simm.s32 $0x80  }
0xcf: {  	[tilespmem:s8], [sflag:$0x2] =	stream.indirect.gather [hbm4b:s1+s7], $0x80, s16, s7, $0xb8;
	[tilespmem:$0x1E800] =	vst v63  }
0xd0: {  	_ =	swait.ge [sflag:s9], $0x4000  }
0xd1: {  	[sflag:s9] =	ssyncset.done $0x0  }
0xd2: {  	s17 =	simm.s32 $0x1400;
	[sflag:s9] =	ssyncadd.s32 $0xFFFFC000  }
0xd3: {  	[spmem:s2] =	stream.indirect.scatter.add.f32 [tilespmem:s3], [sflag:$0x3], $0x80, s17, s7, $0xb8;
	[tilespmem:$0x1E800] =	vst v63  }
0xd4: {  	_ =	swait.ge [sflag:s4], $0x4000  }
0xd5: {  	[sflag:s4] =	ssyncset.done $0x0  }
0xd6: {  	s18 =	simm.s32 $0x100;
	[sflag:s4] =	ssyncadd.s32 $0xFFFFC000  }
0xd7: {  	[tilespmem:s3], [sflag:$0x1] =	stream.indirect.gather [hbm4b:s1+s7], $0x80, s18, s7, $0xb8;
	[tilespmem:$0x1E800] =	vst v63  }
0xd8: {  	_ =	swait.ge [sflag:s10], $0x4000  }
0xd9: {  	[sflag:s10] =	ssyncset.done $0x0  }
0xda: {  	s19 =	simm.s32 $0x1480;
	[sflag:s10] =	ssyncadd.s32 $0xFFFFC000  }
0xdb: {  	[spmem:s2] =	stream.indirect.scatter.add.f32 [tilespmem:s8], [sflag:$0x3], $0x80, s19, s7, $0xb8;
	[tilespmem:$0x1E800] =	vst v63  }
0xdc: {  	_ =	swait.ge [sflag:s4], $0x4000  }
0xdd: {  	s15 =	simm.s32 $0x100;
	s16 =	simm.s32 $0x800;
	[sflag:s4] =	ssyncset.done $0x0  }
.LBB2_6:
0xde: {  	s17 =	sadd.s32 $0x80, s15  }
0xdf: {  	[sflag:s4] =	ssyncadd.s32 $0xFFFFC000;
	s18 =	smov.u32 s16;
	s19 =	sadd.s32 $0x400, s16  }
0xe0: {  	[tilespmem:s8], [sflag:$0x2] =	stream.indirect.gather [hbm4b:s1+s7], $0x80, s17, s7, $0xb8;
	[tilespmem:$0x1E800] =	vst v63  }
0xe1: {  	p0 =	sne.s32 s16, $0x4800;
	_ =	swait.ge [sflag:s9], $0x4000  }
0xe2: {  	[sflag:s9] =	ssyncset.done $0x0  }
0xe3: {  	s16 =	sadd.s32 $0x1400, s15;
	[sflag:s9] =	ssyncadd.s32 $0xFFFFC000  }
0xe4: {  	[spmem:s2] =	stream.indirect.scatter.add.f32 [tilespmem:s3], [sflag:$0x3], $0x80, s16, s7, $0xb8;
	[tilespmem:$0x1E800] =	vst v63  }
0xe5: {  	_ =	swait.ge [sflag:s4], $0x4000  }
0xe6: {  	[sflag:s4] =	ssyncset.done $0x0  }
0xe7: {  	s16 =	sadd.s32 $0x100, s15;
	[sflag:s4] =	ssyncadd.s32 $0xFFFFC000  }
0xe8: {  	[tilespmem:s3], [sflag:$0x1] =	stream.indirect.gather [hbm4b:s1+s7], $0x80, s16, s7, $0xb8;
	[tilespmem:$0x1E800] =	vst v63  }
0xe9: {  	_ =	swait.ge [sflag:s10], $0x4000  }
.Ltmp2:
0xea: {  	[sflag:s10] =	ssyncset.done $0x0;
	(pc) =	sbr.rel @p0 .LBB2_6-.Ltmp2, $4  }
0xeb: {  	s15 =	sadd.s32 $0x1480, s15;
	[sflag:s10] =	ssyncadd.s32 $0xFFFFC000  }
0xec: {  	[spmem:s2] =	stream.indirect.scatter.add.f32 [tilespmem:s8], [sflag:$0x3], $0x80, s15, s7, $0xb8;
	[tilespmem:$0x1E800] =	vst v63  }
0xed: {  	_ =	swait.ge [sflag:s4], $0x4000  }
0xee: {  	s16 =	smov.u32 s19;
	s15 =	sshra.s32 s18, $0x2;
	[sflag:s4] =	ssyncset.done $0x0  }
0xef: {  	s16 =	sadd.s32 $0x80, s15;
	[sflag:s4] =	ssyncadd.s32 $0xFFFFC000  }
0xf0: {  	[tilespmem:s8], [sflag:$0x2] =	stream.indirect.gather [hbm4b:s1+s7], $0x80, s16, s7, $0xb8;
	[tilespmem:$0x1E800] =	vst v63  }
0xf1: {  	_ =	swait.ge [sflag:s9], $0x4000  }
0xf2: {  	[sflag:s9] =	ssyncset.done $0x0  }
0xf3: {  	s18 =	sadd.s32 $0x1400, s15;
	[sflag:s9] =	ssyncadd.s32 $0xFFFFC000  }
0xf4: {  	[spmem:s2] =	stream.indirect.scatter.add.f32 [tilespmem:s3], [sflag:$0x3], $0x80, s18, s7, $0xb8;
	[tilespmem:$0x1E800] =	vst v63  }
0xf5: {  	_ =	swait.ge [sflag:s4], $0x4000  }
0xf6: {  	[sflag:s4] =	ssyncset.done $0x0  }
0xf7: {  	s19 =	sadd.s32 $0x100, s15;
	[sflag:s4] =	ssyncadd.s32 $0xFFFFC000  }
0xf8: {  	[tilespmem:s3], [sflag:$0x1] =	stream.indirect.gather [hbm4b:s1+s7], $0x80, s19, s7, $0xb8;
	[tilespmem:$0x1E800] =	vst v63  }
0xf9: {  	_ =	swait.ge [sflag:s10], $0x4000  }
0xfa: {  	[sflag:s10] =	ssyncset.done $0x0  }
0xfb: {  	s16 =	sadd.s32 $0x1480, s15;
	[sflag:s10] =	ssyncadd.s32 $0xFFFFC000  }
0xfc: {  	[spmem:s2] =	stream.indirect.scatter.add.f32 [tilespmem:s8], [sflag:$0x3], $0x80, s16, s7, $0xb8;
	[tilespmem:$0x1E800] =	vst v63  }
0xfd: {  	_ =	swait.ge [sflag:s4], $0x4000  }
0xfe: {  	[sflag:s4] =	ssyncset.done $0x0  }
0xff: {  	[sflag:s4] =	ssyncadd.s32 $0xFFFFC000  }
0x100: {  	[tilespmem:s8], [sflag:$0x2] =	stream.indirect.gather [hbm4b:s1+s7], $0x80, s11, s7, $0xb8;
	[tilespmem:$0x1E800] =	vst v63  }
0x101: {  	_ =	swait.ge [sflag:s9], $0x4000  }
0x102: {  	[sflag:s9] =	ssyncset.done $0x0  }
0x103: {  	[sflag:s9] =	ssyncadd.s32 $0xFFFFC000  }
0x104: {  	[spmem:s2] =	stream.indirect.scatter.add.f32 [tilespmem:s3], [sflag:$0x3], $0x80, s12, s7, $0xb8;
	[tilespmem:$0x1E800] =	vst v63  }
0x105: {  	_ =	swait.ge [sflag:s4], $0x4000  }
0x106: {  	[sflag:s4] =	ssyncset.done $0x0  }
0x107: {  	[sflag:s4] =	ssyncadd.s32 $0xFFFFC000  }
0x108: {  	_ =	swait.ge [sflag:s10], $0x4000  }
0x109: {  	[sflag:s10] =	ssyncset.done $0x0  }
0x10a: {  	[sflag:s10] =	ssyncadd.s32 $0xFFFFC000  }
0x10b: {  	[spmem:s2] =	stream.indirect.scatter.add.f32 [tilespmem:s8], [sflag:$0x3], $0x80, s13, s7, $0xb8;
	[tilespmem:$0x1E800] =	vst v63  }
0x10c: {  	_ =	swait.ge [sflag:s4], $0x4000  }
0x10d: {  	[sflag:s4] =	ssyncset.done $0x0  }
0x10e: {  	s17 =	stileid.u32;
	[sflag:s4] =	ssyncadd.s32 $0xFFFFC000  }
0x10f: {  	s15 =	sshll.u32 s17, $0x6;
	[bflag:$0x0] =	sbarrier.arrive $0xFFFF  }
0x110: {  	s15 =	sor.u32 $0x1C03, s15;
	s18 =	rddreg [dreg:$0x8]  }
0x111: {  	[hbm:s18], [sflag:s15] =	dma.local [spmem:s25], $0x2800  }
0x112: {  	_ =	swait.ge [sflag:s4], $0x2800  }
0x113: {  	s14 =	sadd.s32 $0x1, s14;
	s19 =	rddreg [dreg:$0x9]  }
0x114: {  	p0 =	sne.s32 s14, s19  }
.Ltmp3:
0x115: {  	_ = 	snop;
	(pc) =	sbr.rel @p0 .LBB2_1-.Ltmp3, $3  }
0x116: {  	_ =	sdelay $0x1  }
0x117: {  	[sflag:s4] =	ssyncset.done $0x0  }
0x118: {  	[sflag:s4] =	ssyncadd.s32 $0xFFFFD800  }
0x119: {  	_ =	sfence.sel $0x180000  }
0x11a: {  	[bflag:$0x0] =	sbarrier.arrive $0xFFFF  }
0x11b: {  	_ =	strace $0x9000004A  }
0x11c: {  	s0 =	stileid.u32;
	[bflag:$0x2] =	sbarrier.arrive $0xFFFF  }
0x11d: {  	p0 =	sne.s32 s0, $0x0;
	s0 =	rddreg [dreg:$0x3]  }
0x11e: {  	s0 =	sadd.s32 @!p0 $0x100000, s0  }
0x11f: {  	[sflag:s0] =	ssyncadd.tile.s32 @!p0 $0x1;
	_ =	shalt  }
.Lfunc_end2:
_tile_overlayer_lowered:
.L_overlay_start_2:
0x120: {  	(tag) =	ssettag $0x2  }
0x121: {  	s0 =	rddreg [dreg:$0x0];
	s2 =	stileid.u32  }
0x122: {  	s1 =	rddreg [dreg:$0x1];
	p0 =	sne.s32 s2, $0x0  }
0x123: {  	s3 =	rddreg [dreg:$0x2];
	[bflag:$0x3] =	sbarrier.arrive $0xFFFF;
	s2 =	simm.s32 @!p0 $0x1C03  }
0x124: {  	[timem:s3], [sflag:s2] =	dma.local @!p0 [hbm:s0], s1  }
0x125: {  	s0 =	simm.s32 @!p0 $0x3  }
0x126: {  	_ =	swait.ge @!p0 [sflag:s0], s1  }
0x127: {  	s1 =	ssub.s32 @!p0 $0x0, s1;
	[sflag:s0] =	ssyncset.done @!p0 $0x0  }
0x128: {  	[sflag:s0] =	ssyncadd.s32 @!p0 s1  }
0x129: {  	[bflag:$0x3] =	sbarrier.arrive $0xFFFF  }
0x12a: {  	_ =	shalt  }

</sc_bundles>
